<compile_context>
chip_gen: v7x
topology: tpu7x:2x2x1
jax: 0.10.2.dev20260603
libtpu: 0.0.44.dev20260713+nightly
codegen_flags: <defaults>
</compile_context>

<pallas_src>
import functools

import jax
import jax.numpy as jnp
from jax import lax
from jax.experimental import pallas as pl
from jax.experimental.pallas import tpu as pltpu
from jax.experimental.pallas import tpu_sc as plsc

_N = 1_000_000
_NDAYS = 250
_R = 4
_SCALING = 12.0
_NTILES = 32
_KOFF = _N // _R
_ACCW = 257

_JW = 122880
_NBLK = -(-_N // _JW)


def _dense_body(x_ref, t_ref, y0, y1, y2, y3):
    x4 = x_ref[pl.ds(0, _R), :]
    t4 = t_ref[pl.ds(0, _R), :]
    ht = 0.5 * t4
    y = ht + ht * jnp.tanh((0.5 * _SCALING) * x4)
    for c, yc in enumerate((y0, y1, y2, y3)):
        yc[...] = y[c]


_dense = pl.pallas_call(
    _dense_body,
    grid=(_NBLK,),
    in_specs=[
        pl.BlockSpec((5, _JW), lambda b: (0, b)),
        pl.BlockSpec((5, _JW), lambda b: (0, b)),
    ],
    out_specs=[pl.BlockSpec((_JW,), lambda b: (b,)) for _ in range(4)],
    out_shape=[jax.ShapeDtypeStruct((_N,), jnp.float32) for _ in range(4)],
)

_CH = 8000
_ROWS = _CH // _R
_NCHUNK = _N // _CH
_CPT = -(-_NCHUNK // _NTILES)
_SPAD = 2004

_mesh = plsc.VectorSubcoreMesh(
    core_axis_name="c", subcore_axis_name="s", num_cores=2, num_subcores=16)


@functools.partial(
    pl.kernel,
    out_type=jax.ShapeDtypeStruct((_NTILES, 256), jnp.float32),
    mesh=_mesh,
    compiler_params=pltpu.CompilerParams(
        needs_layout_passes=False, use_tc_tiling_on_sc=False),
    scratch_types=[
        pltpu.VMEM((16, _SPAD), jnp.float32),
        pltpu.VMEM((16, _SPAD), jnp.float32),
        pltpu.VMEM((_CH,), jnp.float32),
        pltpu.VMEM((_CH,), jnp.float32),
        pltpu.VMEM((_CH,), jnp.int32),
        pltpu.VMEM((_CH,), jnp.int32),
        pltpu.VMEM((16 * _ACCW,), jnp.float32),
        pltpu.VMEM((256,), jnp.float32),
        pltpu.SemaphoreType.DMA,
        pltpu.SemaphoreType.DMA,
    ],
)
def _sc_scatter(y0_hbm, y1_hbm, y2_hbm, y3_hbm, w_hbm, d_hbm, out_hbm,
                yb0, yb1, wb0, wb1, db0, db1, acc, redb, sem0, sem1):
    wid = lax.axis_index("s") * 2 + lax.axis_index("c")

    lane = lax.iota(jnp.int32, 16)
    crow = lane % _R
    ccol = lane // _R
    lane_row = lane * _ACCW

    ysl = (y0_hbm, y1_hbm, y2_hbm, y3_hbm)
    sets = ((yb0, wb0, db0, sem0), (yb1, wb1, db1, sem1))

    def _copies(t, bufs):
        u = wid + t * _NTILES
        yb, wb, db, sem = bufs
        cps = []
        for c in range(_R):
            for k in range(_R):
                cps.append(pltpu.make_async_copy(
                    ysl[c].at[pl.ds(k * _KOFF + u * _ROWS, _ROWS)],
                    yb.at[k * _R + c, pl.ds(0, _ROWS)], sem))
        cps.append(pltpu.make_async_copy(w_hbm.at[pl.ds(u * _CH, _CH)], wb, sem))
        cps.append(pltpu.make_async_copy(d_hbm.at[pl.ds(u * _CH, _CH)], db, sem))
        return cps

    def _issue(t, bufs):
        for cp in _copies(t, bufs):
            cp.start()

    def _wait(t, bufs):
        for cp in _copies(t, bufs):
            cp.wait()

    def _compute(bufs):
        yb, wb, db, _ = bufs
        unroll = 10

        def vreg_body(g):
            col = ccol + g * _R
            zv = plsc.load_gather(yb, [crow, col])
            for k in range(1, _R):
                zv = zv + plsc.load_gather(yb, [crow + k * _R, col])
            wv = wb[pl.ds(g * 16, 16)]
            dv = db[pl.ds(g * 16, 16)]
            plsc.addupdate_scatter(acc, [lane_row + dv], wv * zv)

        plsc.parallel_loop(0, _CH // 16, 1, unroll=unroll)(vreg_body)

    zeros16 = jnp.zeros((16,), jnp.float32)

    @plsc.parallel_loop(0, (16 * _ACCW) // 16, 1, unroll=8)
    def zero_body(i):
        acc[pl.ds(i * 16, 16)] = zeros16

    _issue(0, sets[0])

    def outer(o, carry):
        for b in range(2):
            t = o * 2 + b
            u = wid + t * _NTILES
            nxt = t + 1

            @pl.when((wid + nxt * _NTILES < _NCHUNK) & (nxt < _CPT))
            def _():
                _issue(nxt, sets[1 - b])

            @pl.when(u < _NCHUNK)
            def _():
                _wait(t, sets[b])
                _compute(sets[b])

        return carry

    lax.fori_loop(0, _CPT // 2, outer, 0)

    def red_body(jv, carry):
        sv = jnp.zeros((16,), jnp.float32)
        for l in range(16):
            sv = sv + plsc.load_gather(acc, [lane + (l * _ACCW + jv * 16)])
        redb[pl.ds(jv * 16, 16)] = sv
        return carry

    lax.fori_loop(0, 16, red_body, 0)

    pltpu.sync_copy(redb, out_hbm.at[wid])


def _finish_body(p_ref, o_ref):
    pi = jnp.zeros((256,), jnp.float32)
    for r in range(_NTILES):
        pi = pi + p_ref[pl.ds(r * 256, 256)]
    s1 = jnp.sum(pi)
    s2 = jnp.sum(pi * pi)
    loss = -(s1 * jnp.maximum(s1, 0.0)) / s2 / _NDAYS
    o_ref[...] = jnp.full((1, 1), loss, jnp.float32)


_finish = pl.pallas_call(
    _finish_body,
    out_shape=jax.ShapeDtypeStruct((1, 1), jnp.float32),
)


def kernel(inputs, targets, weights, date):
    y0, y1, y2, y3 = _dense(inputs.T, targets.T)
    parts = _sc_scatter(y0, y1, y2, y3, weights, date)
    loss2d = _finish(parts.reshape(-1))
    return loss2d[0, 0]

# --- scband reference (transcript-rebuilt; emitter-appended) ---
"""Pipeline reference for scband-utility-loss-14431090115064 (READ-ONLY COPY).

The authoritative reference and input builder live on the scoring server;
editing this copy changes nothing except your own understanding.
"""

import jax, jax.numpy as jnp
import numpy as np

N = 1000000
NDAYS = 250
N_RESP_COLS = 5
RESP_INDEX = (0, 1, 2, 3)
ALPHA = 1.0
SCALING = 12.0


def setup_inputs(seed: int = 0) -> dict:
    key = jax.random.key(seed)
    k1, k2, k3, k4 = jax.random.split(key, 4)
    inputs = jax.random.normal(k1, (N, N_RESP_COLS), dtype=jnp.float32)
    targets = jax.random.normal(k2, (N, N_RESP_COLS), dtype=jnp.float32)
    weights = jax.random.uniform(k3, (N,), dtype=jnp.float32)
    date = jax.random.randint(k4, (N,), 0, NDAYS, dtype=jnp.int32)
    return {"inputs": inputs, "targets": targets, "weights": weights, "date": date}


def reference(inputs, targets, weights, date):
    ri = jnp.array(RESP_INDEX, dtype=jnp.int32)
    n_targets = len(RESP_INDEX)
    # select resp columns, scaled sigmoid
    x = jax.nn.sigmoid(SCALING * jnp.take(inputs, ri, axis=-1))
    t = jnp.take(targets, ri, axis=-1)
    # torch: weights.repeat((n_targets, 1)).view(-1) -> tile; inputs.view(-1) -> row-major flatten
    w = jnp.tile(weights, (n_targets, 1)).reshape(-1)
    d = jnp.tile(date, (n_targets, 1)).reshape(-1)
    xf = x.reshape(-1)
    tf = t.reshape(-1)
    prod = w * tf * xf
    # per-day sums (segment reduce); with N=1M and 250 days, all day ids are present
    Pi = jax.ops.segment_sum(prod, d, num_segments=NDAYS)
    ndays = NDAYS
    sumPi = jnp.sum(Pi)
    # normalize == 'mean'
    loss = -ALPHA * sumPi * jnp.maximum(sumPi, 0.0) / jnp.sum(Pi * Pi) / ndays
    return loss

if __name__ == "__main__":
    import jax
    _d = setup_inputs()
    print(jax.jit(kernel)(*tuple(_d.values())))

</pallas_src>

<mosaic_0001>
#map = affine_map<(d0, d1) -> (0)>
#map1 = affine_map<(d0, d1) -> (0, 0)>
module attributes {stable_mosaic.version = 14 : i64} {
  func.func @_sc_scatter(%arg0: i32, %arg1: i32, %arg2: memref<1000000xf32, #tpu.memory_space<hbm>>, %arg3: memref<1000000xf32, #tpu.memory_space<hbm>>, %arg4: memref<1000000xf32, #tpu.memory_space<hbm>>, %arg5: memref<1000000xf32, #tpu.memory_space<hbm>>, %arg6: memref<1000000xf32, #tpu.memory_space<hbm>>, %arg7: memref<1000000xi32, #tpu.memory_space<hbm>>, %arg8: memref<32x256xf32, #tpu.memory_space<hbm>>, %arg9: memref<16x2004xf32, #tpu.memory_space<vmem>>, %arg10: memref<16x2004xf32, #tpu.memory_space<vmem>>, %arg11: memref<8000xf32, #tpu.memory_space<vmem>>, %arg12: memref<8000xf32, #tpu.memory_space<vmem>>, %arg13: memref<8000xi32, #tpu.memory_space<vmem>>, %arg14: memref<8000xi32, #tpu.memory_space<vmem>>, %arg15: memref<4112xf32, #tpu.memory_space<vmem>>, %arg16: memref<256xf32, #tpu.memory_space<vmem>>, %arg17: memref<!tpu.dma_semaphore, #tpu.memory_space<semaphore_mem>>, %arg18: memref<!tpu.dma_semaphore, #tpu.memory_space<semaphore_mem>>) attributes {dimension_semantics = [#tpu.dimension_semantics<core_parallel>, #tpu.dimension_semantics<subcore_parallel>], iteration_bounds = array<i64: 2, 16>, scalar_prefetch = 0 : i64, scratch_operands = 10 : i64, tpu.core_type = #tpu.core_type<sc_vector_subcore>, window_params = [{transform_indices = #map}, {transform_indices = #map}, {transform_indices = #map}, {transform_indices = #map}, {transform_indices = #map}, {transform_indices = #map}, {transform_indices = #map1}]} {
    %mul3A = arith.constant 2 : i32
    %mul3A_0 = arith.muli %arg1, %mul3A : i32
    %add3A = arith.addi %mul3A_0, %arg0 : i32
    %iota3A = tpu.iota {dimensions = array<i32: 0>} : vector<16xi32>
    %jit3A = arith.constant 4 : i32
    %eq3A = arith.constant 0 : i32
    %eq3A_1 = arith.cmpi eq, %jit3A, %eq3A : i32
    %jit3A_2 = arith.constant 1 : i32
    %select_n3A = arith.select %eq3A_1, %jit3A_2, %jit3A : i32
    %rem3A = vector.broadcast %select_n3A : i32 to vector<16xi32>
    %rem3A_3 = arith.remsi %iota3A, %rem3A : vector<16xi32>
    %ne3A = arith.constant 0 : i32
    %ne3A_4 = vector.broadcast %ne3A : i32 to vector<16xi32>
    %ne3A_5 = arith.cmpi ne, %rem3A_3, %ne3A_4 : vector<16xi32>
    %lt3A = arith.constant 0 : i32
    %lt3A_6 = vector.broadcast %lt3A : i32 to vector<16xi32>
    %lt3A_7 = arith.cmpi slt, %rem3A_3, %lt3A_6 : vector<16xi32>
    %lt3A_8 = arith.constant 0 : i32
    %lt3A_9 = arith.cmpi slt, %select_n3A, %lt3A_8 : i32
    %ne3A_10 = vector.broadcast %lt3A_9 : i1 to vector<16xi1>
    %ne3A_11 = vector.broadcast %ne3A_10 : vector<16xi1> to vector<16xi1>
    %ne3A_12 = arith.xori %lt3A_7, %ne3A_11 : vector<16xi1>
    %and3A = arith.andi %ne3A_12, %ne3A_5 : vector<16xi1>
    %add3A_13 = vector.broadcast %select_n3A : i32 to vector<16xi32>
    %add3A_14 = arith.addi %rem3A_3, %add3A_13 : vector<16xi32>
    %select_n3A_15 = arith.select %and3A, %add3A_14, %rem3A_3 : vector<16xi1>, vector<16xi32>
    %jit3A_16 = arith.constant 4 : i32
    %div3A = vector.broadcast %jit3A_16 : i32 to vector<16xi32>
    %div3A_17 = arith.divsi %iota3A, %div3A : vector<16xi32>
    %sign3A = arith.constant 0 : i32
    %sign3A_18 = vector.broadcast %sign3A : i32 to vector<16xi32>
    %sign3A_19 = arith.cmpi sgt, %iota3A, %sign3A_18 : vector<16xi32>
    %sign3A_20 = arith.extui %sign3A_19 : vector<16xi1> to vector<16xi32>
    %sign3A_21 = arith.constant 0 : i32
    %sign3A_22 = vector.broadcast %sign3A_21 : i32 to vector<16xi32>
    %sign3A_23 = arith.cmpi slt, %iota3A, %sign3A_22 : vector<16xi32>
    %sign3A_24 = arith.extui %sign3A_23 : vector<16xi1> to vector<16xi32>
    %sign3A_25 = arith.subi %sign3A_20, %sign3A_24 : vector<16xi32>
    %sign3A_26 = arith.constant 0 : i32
    %sign3A_27 = arith.cmpi sgt, %jit3A_16, %sign3A_26 : i32
    %sign3A_28 = arith.extui %sign3A_27 : i1 to i32
    %sign3A_29 = arith.constant 0 : i32
    %sign3A_30 = arith.cmpi slt, %jit3A_16, %sign3A_29 : i32
    %sign3A_31 = arith.extui %sign3A_30 : i1 to i32
    %sign3A_32 = arith.subi %sign3A_28, %sign3A_31 : i32
    %ne3A_33 = vector.broadcast %sign3A_32 : i32 to vector<16xi32>
    %ne3A_34 = arith.cmpi ne, %sign3A_25, %ne3A_33 : vector<16xi32>
    %rem3A_35 = vector.broadcast %jit3A_16 : i32 to vector<16xi32>
    %rem3A_36 = arith.remsi %iota3A, %rem3A_35 : vector<16xi32>
    %ne3A_37 = arith.constant 0 : i32
    %ne3A_38 = vector.broadcast %ne3A_37 : i32 to vector<16xi32>
    %ne3A_39 = arith.cmpi ne, %rem3A_36, %ne3A_38 : vector<16xi32>
    %and3A_40 = arith.andi %ne3A_34, %ne3A_39 : vector<16xi1>
    %sub3A = arith.constant 1 : i32
    %sub3A_41 = vector.broadcast %sub3A : i32 to vector<16xi32>
    %sub3A_42 = arith.subi %div3A_17, %sub3A_41 : vector<16xi32>
    %select_n3A_43 = arith.select %and3A_40, %sub3A_42, %div3A_17 : vector<16xi1>, vector<16xi32>
    %mul3A_44 = arith.constant 257 : i32
    %mul3A_45 = vector.broadcast %mul3A_44 : i32 to vector<16xi32>
    %mul3A_46 = arith.muli %iota3A, %mul3A_45 : vector<16xi32>
    %broadcast_in_dim3A = arith.constant 0.000000e+00 : f32
    %broadcast_in_dim3A_47 = vector.broadcast %broadcast_in_dim3A : f32 to vector<16xf32>
    %parallel_loop3A = arith.constant 0 : i32
    %parallel_loop3A_48 = arith.constant 257 : i32
    %parallel_loop3A_49 = arith.constant 1 : i32
    scf.for %parallel_loop3A_278 = %parallel_loop3A to %parallel_loop3A_48 step %parallel_loop3A_49  : i32 {
      %parallel_loop3A_279 = arith.constant 16 : i32
      %parallel_loop3A_280 = arith.muli %parallel_loop3A_278, %parallel_loop3A_279 : i32
      %parallel_loop3A_281 = arith.index_cast %parallel_loop3A_280 : i32 to index
      %parallel_loop3A_282 = tpu.vector_load %arg15[%parallel_loop3A_281] {strides = array<i32>} : memref<4112xf32, #tpu.memory_space<vmem>>, vector<16xf32>,
      tpu.vector_store %arg15[%parallel_loop3A_281], %broadcast_in_dim3A_47 {strides = array<i32>} : memref<4112xf32, #tpu.memory_space<vmem>>, vector<16xf32>,
    } {sc.loop_unroll_factor = 8 : i64, sc.parallel_access}
    %add3A_50 = arith.constant 0 : i32
    %add3A_51 = arith.addi %add3A, %add3A_50 : i32
    %mul3A_52 = arith.constant 2000 : i32
    %mul3A_53 = arith.muli %add3A_51, %mul3A_52 : i32
    %add3A_54 = arith.constant 0 : i32
    %add3A_55 = arith.addi %add3A_54, %mul3A_53 : i32
    %mul3A_56 = arith.constant 2000 : i32
    %mul3A_57 = arith.muli %add3A_51, %mul3A_56 : i32
    %add3A_58 = arith.constant 250000 : i32
    %add3A_59 = arith.addi %add3A_58, %mul3A_57 : i32
    %mul3A_60 = arith.constant 2000 : i32
    %mul3A_61 = arith.muli %add3A_51, %mul3A_60 : i32
    %add3A_62 = arith.constant 500000 : i32
    %add3A_63 = arith.addi %add3A_62, %mul3A_61 : i32
    %mul3A_64 = arith.constant 2000 : i32
    %mul3A_65 = arith.muli %add3A_51, %mul3A_64 : i32
    %add3A_66 = arith.constant 750000 : i32
    %add3A_67 = arith.addi %add3A_66, %mul3A_65 : i32
    %mul3A_68 = arith.constant 2000 : i32
    %mul3A_69 = arith.muli %add3A_51, %mul3A_68 : i32
    %add3A_70 = arith.constant 0 : i32
    %add3A_71 = arith.addi %add3A_70, %mul3A_69 : i32
    %mul3A_72 = arith.constant 2000 : i32
    %mul3A_73 = arith.muli %add3A_51, %mul3A_72 : i32
    %add3A_74 = arith.constant 250000 : i32
    %add3A_75 = arith.addi %add3A_74, %mul3A_73 : i32
    %mul3A_76 = arith.constant 2000 : i32
    %mul3A_77 = arith.muli %add3A_51, %mul3A_76 : i32
    %add3A_78 = arith.constant 500000 : i32
    %add3A_79 = arith.addi %add3A_78, %mul3A_77 : i32
    %mul3A_80 = arith.constant 2000 : i32
    %mul3A_81 = arith.muli %add3A_51, %mul3A_80 : i32
    %add3A_82 = arith.constant 750000 : i32
    %add3A_83 = arith.addi %add3A_82, %mul3A_81 : i32
    %mul3A_84 = arith.constant 2000 : i32
    %mul3A_85 = arith.muli %add3A_51, %mul3A_84 : i32
    %add3A_86 = arith.constant 0 : i32
    %add3A_87 = arith.addi %add3A_86, %mul3A_85 : i32
    %mul3A_88 = arith.constant 2000 : i32
    %mul3A_89 = arith.muli %add3A_51, %mul3A_88 : i32
    %add3A_90 = arith.constant 250000 : i32
    %add3A_91 = arith.addi %add3A_90, %mul3A_89 : i32
    %mul3A_92 = arith.constant 2000 : i32
    %mul3A_93 = arith.muli %add3A_51, %mul3A_92 : i32
    %add3A_94 = arith.constant 500000 : i32
    %add3A_95 = arith.addi %add3A_94, %mul3A_93 : i32
    %mul3A_96 = arith.constant 2000 : i32
    %mul3A_97 = arith.muli %add3A_51, %mul3A_96 : i32
    %add3A_98 = arith.constant 750000 : i32
    %add3A_99 = arith.addi %add3A_98, %mul3A_97 : i32
    %mul3A_100 = arith.constant 2000 : i32
    %mul3A_101 = arith.muli %add3A_51, %mul3A_100 : i32
    %add3A_102 = arith.constant 0 : i32
    %add3A_103 = arith.addi %add3A_102, %mul3A_101 : i32
    %mul3A_104 = arith.constant 2000 : i32
    %mul3A_105 = arith.muli %add3A_51, %mul3A_104 : i32
    %add3A_106 = arith.constant 250000 : i32
    %add3A_107 = arith.addi %add3A_106, %mul3A_105 : i32
    %mul3A_108 = arith.constant 2000 : i32
    %mul3A_109 = arith.muli %add3A_51, %mul3A_108 : i32
    %add3A_110 = arith.constant 500000 : i32
    %add3A_111 = arith.addi %add3A_110, %mul3A_109 : i32
    %mul3A_112 = arith.constant 2000 : i32
    %mul3A_113 = arith.muli %add3A_51, %mul3A_112 : i32
    %add3A_114 = arith.constant 750000 : i32
    %add3A_115 = arith.addi %add3A_114, %mul3A_113 : i32
    %mul3A_116 = arith.constant 8000 : i32
    %mul3A_117 = arith.muli %add3A_51, %mul3A_116 : i32
    %mul3A_118 = arith.constant 8000 : i32
    %mul3A_119 = arith.muli %add3A_51, %mul3A_118 : i32
    %dma_start3A = arith.constant 0 : i32
    %dma_start3A_120 = arith.constant 0 : i32
    %dma_start3A_121 = tpu.memref_slice %arg9[%dma_start3A, %dma_start3A_120] : memref<16x2004xf32, #tpu.memory_space<vmem>> -> memref<1x2000xf32, #tpu.memory_space<vmem>>
    %dma_start3A_122 = tpu.memref_squeeze %dma_start3A_121 : memref<1x2000xf32, #tpu.memory_space<vmem>> -> memref<2000xf32, #tpu.memory_space<vmem>>
    %dma_start3A_123 = tpu.memref_slice %arg2[%add3A_55] : memref<1000000xf32, #tpu.memory_space<hbm>> -> memref<2000xf32, #tpu.memory_space<hbm>>
    %dma_start3A_124 = arith.constant 0 : i32
    %dma_start3A_125 = tpu.memref_slice %arg9[%dma_start3A, %dma_start3A_124] : memref<16x2004xf32, #tpu.memory_space<vmem>> -> memref<1x2000xf32, #tpu.memory_space<vmem>>
    %dma_start3A_126 = tpu.memref_squeeze %dma_start3A_125 : memref<1x2000xf32, #tpu.memory_space<vmem>> -> memref<2000xf32, #tpu.memory_space<vmem>>
    %dma_start3A_127 = tpu.memref_slice %arg2[%add3A_55] : memref<1000000xf32, #tpu.memory_space<hbm>> -> memref<2000xf32, #tpu.memory_space<hbm>>
    tpu.enqueue_dma source(%dma_start3A_127 : memref<2000xf32, #tpu.memory_space<hbm>>) target(%dma_start3A_126 : memref<2000xf32, #tpu.memory_space<vmem>>) target_semaphore(%arg17 : memref<!tpu.dma_semaphore, #tpu.memory_space<semaphore_mem>>)
    %dma_start3A_128 = arith.constant 4 : i32
    %dma_start3A_129 = arith.constant 0 : i32
    %dma_start3A_130 = tpu.memref_slice %arg9[%dma_start3A_128, %dma_start3A_129] : memref<16x2004xf32, #tpu.memory_space<vmem>> -> memref<1x2000xf32, #tpu.memory_space<vmem>>
    %dma_start3A_131 = tpu.memref_squeeze %dma_start3A_130 : memref<1x2000xf32, #tpu.memory_space<vmem>> -> memref<2000xf32, #tpu.memory_space<vmem>>
    %dma_start3A_132 = tpu.memref_slice %arg2[%add3A_59] : memref<1000000xf32, #tpu.memory_space<hbm>> -> memref<2000xf32, #tpu.memory_space<hbm>>
    %dma_start3A_133 = arith.constant 0 : i32
    %dma_start3A_134 = tpu.memref_slice %arg9[%dma_start3A_128, %dma_start3A_133] : memref<16x2004xf32, #tpu.memory_space<vmem>> -> memref<1x2000xf32, #tpu.memory_space<vmem>>
    %dma_start3A_135 = tpu.memref_squeeze %dma_start3A_134 : memref<1x2000xf32, #tpu.memory_space<vmem>> -> memref<2000xf32, #tpu.memory_space<vmem>>
    %dma_start3A_136 = tpu.memref_slice %arg2[%add3A_59] : memref<1000000xf32, #tpu.memory_space<hbm>> -> memref<2000xf32, #tpu.memory_space<hbm>>
    tpu.enqueue_dma source(%dma_start3A_136 : memref<2000xf32, #tpu.memory_space<hbm>>) target(%dma_start3A_135 : memref<2000xf32, #tpu.memory_space<vmem>>) target_semaphore(%arg17 : memref<!tpu.dma_semaphore, #tpu.memory_space<semaphore_mem>>)
    %dma_start3A_137 = arith.constant 8 : i32
    %dma_start3A_138 = arith.constant 0 : i32
    %dma_start3A_139 = tpu.memref_slice %arg9[%dma_start3A_137, %dma_start3A_138] : memref<16x2004xf32, #tpu.memory_space<vmem>> -> memref<1x2000xf32, #tpu.memory_space<vmem>>
    %dma_start3A_140 = tpu.memref_squeeze %dma_start3A_139 : memref<1x2000xf32, #tpu.memory_space<vmem>> -> memref<2000xf32, #tpu.memory_space<vmem>>
    %dma_start3A_141 = tpu.memref_slice %arg2[%add3A_63] : memref<1000000xf32, #tpu.memory_space<hbm>> -> memref<2000xf32, #tpu.memory_space<hbm>>
    %dma_start3A_142 = arith.constant 0 : i32
    %dma_start3A_143 = tpu.memref_slice %arg9[%dma_start3A_137, %dma_start3A_142] : memref<16x2004xf32, #tpu.memory_space<vmem>> -> memref<1x2000xf32, #tpu.memory_space<vmem>>
    %dma_start3A_144 = tpu.memref_squeeze %dma_start3A_143 : memref<1x2000xf32, #tpu.memory_space<vmem>> -> memref<2000xf32, #tpu.memory_space<vmem>>
    %dma_start3A_145 = tpu.memref_slice %arg2[%add3A_63] : memref<1000000xf32, #tpu.memory_space<hbm>> -> memref<2000xf32, #tpu.memory_space<hbm>>
    tpu.enqueue_dma source(%dma_start3A_145 : memref<2000xf32, #tpu.memory_space<hbm>>) target(%dma_start3A_144 : memref<2000xf32, #tpu.memory_space<vmem>>) target_semaphore(%arg17 : memref<!tpu.dma_semaphore, #tpu.memory_space<semaphore_mem>>)
    %dma_start3A_146 = arith.constant 12 : i32
    %dma_start3A_147 = arith.constant 0 : i32
    %dma_start3A_148 = tpu.memref_slice %arg9[%dma_start3A_146, %dma_start3A_147] : memref<16x2004xf32, #tpu.memory_space<vmem>> -> memref<1x2000xf32, #tpu.memory_space<vmem>>
    %dma_start3A_149 = tpu.memref_squeeze %dma_start3A_148 : memref<1x2000xf32, #tpu.memory_space<vmem>> -> memref<2000xf32, #tpu.memory_space<vmem>>
    %dma_start3A_150 = tpu.memref_slice %arg2[%add3A_67] : memref<1000000xf32, #tpu.memory_space<hbm>> -> memref<2000xf32, #tpu.memory_space<hbm>>
    %dma_start3A_151 = arith.constant 0 : i32
    %dma_start3A_152 = tpu.memref_slice %arg9[%dma_start3A_146, %dma_start3A_151] : memref<16x2004xf32, #tpu.memory_space<vmem>> -> memref<1x2000xf32, #tpu.memory_space<vmem>>
    %dma_start3A_153 = tpu.memref_squeeze %dma_start3A_152 : memref<1x2000xf32, #tpu.memory_space<vmem>> -> memref<2000xf32, #tpu.memory_space<vmem>>
    %dma_start3A_154 = tpu.memref_slice %arg2[%add3A_67] : memref<1000000xf32, #tpu.memory_space<hbm>> -> memref<2000xf32, #tpu.memory_space<hbm>>
    tpu.enqueue_dma source(%dma_start3A_154 : memref<2000xf32, #tpu.memory_space<hbm>>) target(%dma_start3A_153 : memref<2000xf32, #tpu.memory_space<vmem>>) target_semaphore(%arg17 : memref<!tpu.dma_semaphore, #tpu.memory_space<semaphore_mem>>)
    %dma_start3A_155 = arith.constant 1 : i32
    %dma_start3A_156 = arith.constant 0 : i32
    %dma_start3A_157 = tpu.memref_slice %arg9[%dma_start3A_155, %dma_start3A_156] : memref<16x2004xf32, #tpu.memory_space<vmem>> -> memref<1x2000xf32, #tpu.memory_space<vmem>>
    %dma_start3A_158 = tpu.memref_squeeze %dma_start3A_157 : memref<1x2000xf32, #tpu.memory_space<vmem>> -> memref<2000xf32, #tpu.memory_space<vmem>>
    %dma_start3A_159 = tpu.memref_slice %arg3[%add3A_71] : memref<1000000xf32, #tpu.memory_space<hbm>> -> memref<2000xf32, #tpu.memory_space<hbm>>
    %dma_start3A_160 = arith.constant 0 : i32
    %dma_start3A_161 = tpu.memref_slice %arg9[%dma_start3A_155, %dma_start3A_160] : memref<16x2004xf32, #tpu.memory_space<vmem>> -> memref<1x2000xf32, #tpu.memory_space<vmem>>
    %dma_start3A_162 = tpu.memref_squeeze %dma_start3A_161 : memref<1x2000xf32, #tpu.memory_space<vmem>> -> memref<2000xf32, #tpu.memory_space<vmem>>
    %dma_start3A_163 = tpu.memref_slice %arg3[%add3A_71] : memref<1000000xf32, #tpu.memory_space<hbm>> -> memref<2000xf32, #tpu.memory_space<hbm>>
    tpu.enqueue_dma source(%dma_start3A_163 : memref<2000xf32, #tpu.memory_space<hbm>>) target(%dma_start3A_162 : memref<2000xf32, #tpu.memory_space<vmem>>) target_semaphore(%arg17 : memref<!tpu.dma_semaphore, #tpu.memory_space<semaphore_mem>>)
    %dma_start3A_164 = arith.constant 5 : i32
    %dma_start3A_165 = arith.constant 0 : i32
    %dma_start3A_166 = tpu.memref_slice %arg9[%dma_start3A_164, %dma_start3A_165] : memref<16x2004xf32, #tpu.memory_space<vmem>> -> memref<1x2000xf32, #tpu.memory_space<vmem>>
    %dma_start3A_167 = tpu.memref_squeeze %dma_start3A_166 : memref<1x2000xf32, #tpu.memory_space<vmem>> -> memref<2000xf32, #tpu.memory_space<vmem>>
    %dma_start3A_168 = tpu.memref_slice %arg3[%add3A_75] : memref<1000000xf32, #tpu.memory_space<hbm>> -> memref<2000xf32, #tpu.memory_space<hbm>>
    %dma_start3A_169 = arith.constant 0 : i32
    %dma_start3A_170 = tpu.memref_slice %arg9[%dma_start3A_164, %dma_start3A_169] : memref<16x2004xf32, #tpu.memory_space<vmem>> -> memref<1x2000xf32, #tpu.memory_space<vmem>>
    %dma_start3A_171 = tpu.memref_squeeze %dma_start3A_170 : memref<1x2000xf32, #tpu.memory_space<vmem>> -> memref<2000xf32, #tpu.memory_space<vmem>>
    %dma_start3A_172 = tpu.memref_slice %arg3[%add3A_75] : memref<1000000xf32, #tpu.memory_space<hbm>> -> memref<2000xf32, #tpu.memory_space<hbm>>
    tpu.enqueue_dma source(%dma_start3A_172 : memref<2000xf32, #tpu.memory_space<hbm>>) target(%dma_start3A_171 : memref<2000xf32, #tpu.memory_space<vmem>>) target_semaphore(%arg17 : memref<!tpu.dma_semaphore, #tpu.memory_space<semaphore_mem>>)
    %dma_start3A_173 = arith.constant 9 : i32
    %dma_start3A_174 = arith.constant 0 : i32
    %dma_start3A_175 = tpu.memref_slice %arg9[%dma_start3A_173, %dma_start3A_174] : memref<16x2004xf32, #tpu.memory_space<vmem>> -> memref<1x2000xf32, #tpu.memory_space<vmem>>
    %dma_start3A_176 = tpu.memref_squeeze %dma_start3A_175 : memref<1x2000xf32, #tpu.memory_space<vmem>> -> memref<2000xf32, #tpu.memory_space<vmem>>
    %dma_start3A_177 = tpu.memref_slice %arg3[%add3A_79] : memref<1000000xf32, #tpu.memory_space<hbm>> -> memref<2000xf32, #tpu.memory_space<hbm>>
    %dma_start3A_178 = arith.constant 0 : i32
    %dma_start3A_179 = tpu.memref_slice %arg9[%dma_start3A_173, %dma_start3A_178] : memref<16x2004xf32, #tpu.memory_space<vmem>> -> memref<1x2000xf32, #tpu.memory_space<vmem>>
    %dma_start3A_180 = tpu.memref_squeeze %dma_start3A_179 : memref<1x2000xf32, #tpu.memory_space<vmem>> -> memref<2000xf32, #tpu.memory_space<vmem>>
    %dma_start3A_181 = tpu.memref_slice %arg3[%add3A_79] : memref<1000000xf32, #tpu.memory_space<hbm>> -> memref<2000xf32, #tpu.memory_space<hbm>>
    tpu.enqueue_dma source(%dma_start3A_181 : memref<2000xf32, #tpu.memory_space<hbm>>) target(%dma_start3A_180 : memref<2000xf32, #tpu.memory_space<vmem>>) target_semaphore(%arg17 : memref<!tpu.dma_semaphore, #tpu.memory_space<semaphore_mem>>)
    %dma_start3A_182 = arith.constant 13 : i32
    %dma_start3A_183 = arith.constant 0 : i32
    %dma_start3A_184 = tpu.memref_slice %arg9[%dma_start3A_182, %dma_start3A_183] : memref<16x2004xf32, #tpu.memory_space<vmem>> -> memref<1x2000xf32, #tpu.memory_space<vmem>>
    %dma_start3A_185 = tpu.memref_squeeze %dma_start3A_184 : memref<1x2000xf32, #tpu.memory_space<vmem>> -> memref<2000xf32, #tpu.memory_space<vmem>>
    %dma_start3A_186 = tpu.memref_slice %arg3[%add3A_83] : memref<1000000xf32, #tpu.memory_space<hbm>> -> memref<2000xf32, #tpu.memory_space<hbm>>
    %dma_start3A_187 = arith.constant 0 : i32
    %dma_start3A_188 = tpu.memref_slice %arg9[%dma_start3A_182, %dma_start3A_187] : memref<16x2004xf32, #tpu.memory_space<vmem>> -> memref<1x2000xf32, #tpu.memory_space<vmem>>
    %dma_start3A_189 = tpu.memref_squeeze %dma_start3A_188 : memref<1x2000xf32, #tpu.memory_space<vmem>> -> memref<2000xf32, #tpu.memory_space<vmem>>
    %dma_start3A_190 = tpu.memref_slice %arg3[%add3A_83] : memref<1000000xf32, #tpu.memory_space<hbm>> -> memref<2000xf32, #tpu.memory_space<hbm>>
    tpu.enqueue_dma source(%dma_start3A_190 : memref<2000xf32, #tpu.memory_space<hbm>>) target(%dma_start3A_189 : memref<2000xf32, #tpu.memory_space<vmem>>) target_semaphore(%arg17 : memref<!tpu.dma_semaphore, #tpu.memory_space<semaphore_mem>>)
    %dma_start3A_191 = arith.constant 2 : i32
    %dma_start3A_192 = arith.constant 0 : i32
    %dma_start3A_193 = tpu.memref_slice %arg9[%dma_start3A_191, %dma_start3A_192] : memref<16x2004xf32, #tpu.memory_space<vmem>> -> memref<1x2000xf32, #tpu.memory_space<vmem>>
    %dma_start3A_194 = tpu.memref_squeeze %dma_start3A_193 : memref<1x2000xf32, #tpu.memory_space<vmem>> -> memref<2000xf32, #tpu.memory_space<vmem>>
    %dma_start3A_195 = tpu.memref_slice %arg4[%add3A_87] : memref<1000000xf32, #tpu.memory_space<hbm>> -> memref<2000xf32, #tpu.memory_space<hbm>>
    %dma_start3A_196 = arith.constant 0 : i32
    %dma_start3A_197 = tpu.memref_slice %arg9[%dma_start3A_191, %dma_start3A_196] : memref<16x2004xf32, #tpu.memory_space<vmem>> -> memref<1x2000xf32, #tpu.memory_space<vmem>>
    %dma_start3A_198 = tpu.memref_squeeze %dma_start3A_197 : memref<1x2000xf32, #tpu.memory_space<vmem>> -> memref<2000xf32, #tpu.memory_space<vmem>>
    %dma_start3A_199 = tpu.memref_slice %arg4[%add3A_87] : memref<1000000xf32, #tpu.memory_space<hbm>> -> memref<2000xf32, #tpu.memory_space<hbm>>
    tpu.enqueue_dma source(%dma_start3A_199 : memref<2000xf32, #tpu.memory_space<hbm>>) target(%dma_start3A_198 : memref<2000xf32, #tpu.memory_space<vmem>>) target_semaphore(%arg17 : memref<!tpu.dma_semaphore, #tpu.memory_space<semaphore_mem>>)
    %dma_start3A_200 = arith.constant 6 : i32
    %dma_start3A_201 = arith.constant 0 : i32
    %dma_start3A_202 = tpu.memref_slice %arg9[%dma_start3A_200, %dma_start3A_201] : memref<16x2004xf32, #tpu.memory_space<vmem>> -> memref<1x2000xf32, #tpu.memory_space<vmem>>
    %dma_start3A_203 = tpu.memref_squeeze %dma_start3A_202 : memref<1x2000xf32, #tpu.memory_space<vmem>> -> memref<2000xf32, #tpu.memory_space<vmem>>
    %dma_start3A_204 = tpu.memref_slice %arg4[%add3A_91] : memref<1000000xf32, #tpu.memory_space<hbm>> -> memref<2000xf32, #tpu.memory_space<hbm>>
    %dma_start3A_205 = arith.constant 0 : i32
    %dma_start3A_206 = tpu.memref_slice %arg9[%dma_start3A_200, %dma_start3A_205] : memref<16x2004xf32, #tpu.memory_space<vmem>> -> memref<1x2000xf32, #tpu.memory_space<vmem>>
    %dma_start3A_207 = tpu.memref_squeeze %dma_start3A_206 : memref<1x2000xf32, #tpu.memory_space<vmem>> -> memref<2000xf32, #tpu.memory_space<vmem>>
    %dma_start3A_208 = tpu.memref_slice %arg4[%add3A_91] : memref<1000000xf32, #tpu.memory_space<hbm>> -> memref<2000xf32, #tpu.memory_space<hbm>>
    tpu.enqueue_dma source(%dma_start3A_208 : memref<2000xf32, #tpu.memory_space<hbm>>) target(%dma_start3A_207 : memref<2000xf32, #tpu.memory_space<vmem>>) target_semaphore(%arg17 : memref<!tpu.dma_semaphore, #tpu.memory_space<semaphore_mem>>)
    %dma_start3A_209 = arith.constant 10 : i32
    %dma_start3A_210 = arith.constant 0 : i32
    %dma_start3A_211 = tpu.memref_slice %arg9[%dma_start3A_209, %dma_start3A_210] : memref<16x2004xf32, #tpu.memory_space<vmem>> -> memref<1x2000xf32, #tpu.memory_space<vmem>>
    %dma_start3A_212 = tpu.memref_squeeze %dma_start3A_211 : memref<1x2000xf32, #tpu.memory_space<vmem>> -> memref<2000xf32, #tpu.memory_space<vmem>>
    %dma_start3A_213 = tpu.memref_slice %arg4[%add3A_95] : memref<1000000xf32, #tpu.memory_space<hbm>> -> memref<2000xf32, #tpu.memory_space<hbm>>
    %dma_start3A_214 = arith.constant 0 : i32
    %dma_start3A_215 = tpu.memref_slice %arg9[%dma_start3A_209, %dma_start3A_214] : memref<16x2004xf32, #tpu.memory_space<vmem>> -> memref<1x2000xf32, #tpu.memory_space<vmem>>
    %dma_start3A_216 = tpu.memref_squeeze %dma_start3A_215 : memref<1x2000xf32, #tpu.memory_space<vmem>> -> memref<2000xf32, #tpu.memory_space<vmem>>
    %dma_start3A_217 = tpu.memref_slice %arg4[%add3A_95] : memref<1000000xf32, #tpu.memory_space<hbm>> -> memref<2000xf32, #tpu.memory_space<hbm>>
    tpu.enqueue_dma source(%dma_start3A_217 : memref<2000xf32, #tpu.memory_space<hbm>>) target(%dma_start3A_216 : memref<2000xf32, #tpu.memory_space<vmem>>) target_semaphore(%arg17 : memref<!tpu.dma_semaphore, #tpu.memory_space<semaphore_mem>>)
    %dma_start3A_218 = arith.constant 14 : i32
    %dma_start3A_219 = arith.constant 0 : i32
    %dma_start3A_220 = tpu.memref_slice %arg9[%dma_start3A_218, %dma_start3A_219] : memref<16x2004xf32, #tpu.memory_space<vmem>> -> memref<1x2000xf32, #tpu.memory_space<vmem>>
    %dma_start3A_221 = tpu.memref_squeeze %dma_start3A_220 : memref<1x2000xf32, #tpu.memory_space<vmem>> -> memref<2000xf32, #tpu.memory_space<vmem>>
    %dma_start3A_222 = tpu.memref_slice %arg4[%add3A_99] : memref<1000000xf32, #tpu.memory_space<hbm>> -> memref<2000xf32, #tpu.memory_space<hbm>>
    %dma_start3A_223 = arith.constant 0 : i32
    %dma_start3A_224 = tpu.memref_slice %arg9[%dma_start3A_218, %dma_start3A_223] : memref<16x2004xf32, #tpu.memory_space<vmem>> -> memref<1x2000xf32, #tpu.memory_space<vmem>>
    %dma_start3A_225 = tpu.memref_squeeze %dma_start3A_224 : memref<1x2000xf32, #tpu.memory_space<vmem>> -> memref<2000xf32, #tpu.memory_space<vmem>>
    %dma_start3A_226 = tpu.memref_slice %arg4[%add3A_99] : memref<1000000xf32, #tpu.memory_space<hbm>> -> memref<2000xf32, #tpu.memory_space<hbm>>
    tpu.enqueue_dma source(%dma_start3A_226 : memref<2000xf32, #tpu.memory_space<hbm>>) target(%dma_start3A_225 : memref<2000xf32, #tpu.memory_space<vmem>>) target_semaphore(%arg17 : memref<!tpu.dma_semaphore, #tpu.memory_space<semaphore_mem>>)
    %dma_start3A_227 = arith.constant 3 : i32
    %dma_start3A_228 = arith.constant 0 : i32
    %dma_start3A_229 = tpu.memref_slice %arg9[%dma_start3A_227, %dma_start3A_228] : memref<16x2004xf32, #tpu.memory_space<vmem>> -> memref<1x2000xf32, #tpu.memory_space<vmem>>
    %dma_start3A_230 = tpu.memref_squeeze %dma_start3A_229 : memref<1x2000xf32, #tpu.memory_space<vmem>> -> memref<2000xf32, #tpu.memory_space<vmem>>
    %dma_start3A_231 = tpu.memref_slice %arg5[%add3A_103] : memref<1000000xf32, #tpu.memory_space<hbm>> -> memref<2000xf32, #tpu.memory_space<hbm>>
    %dma_start3A_232 = arith.constant 0 : i32
    %dma_start3A_233 = tpu.memref_slice %arg9[%dma_start3A_227, %dma_start3A_232] : memref<16x2004xf32, #tpu.memory_space<vmem>> -> memref<1x2000xf32, #tpu.memory_space<vmem>>
    %dma_start3A_234 = tpu.memref_squeeze %dma_start3A_233 : memref<1x2000xf32, #tpu.memory_space<vmem>> -> memref<2000xf32, #tpu.memory_space<vmem>>
    %dma_start3A_235 = tpu.memref_slice %arg5[%add3A_103] : memref<1000000xf32, #tpu.memory_space<hbm>> -> memref<2000xf32, #tpu.memory_space<hbm>>
    tpu.enqueue_dma source(%dma_start3A_235 : memref<2000xf32, #tpu.memory_space<hbm>>) target(%dma_start3A_234 : memref<2000xf32, #tpu.memory_space<vmem>>) target_semaphore(%arg17 : memref<!tpu.dma_semaphore, #tpu.memory_space<semaphore_mem>>)
    %dma_start3A_236 = arith.constant 7 : i32
    %dma_start3A_237 = arith.constant 0 : i32
    %dma_start3A_238 = tpu.memref_slice %arg9[%dma_start3A_236, %dma_start3A_237] : memref<16x2004xf32, #tpu.memory_space<vmem>> -> memref<1x2000xf32, #tpu.memory_space<vmem>>
    %dma_start3A_239 = tpu.memref_squeeze %dma_start3A_238 : memref<1x2000xf32, #tpu.memory_space<vmem>> -> memref<2000xf32, #tpu.memory_space<vmem>>
    %dma_start3A_240 = tpu.memref_slice %arg5[%add3A_107] : memref<1000000xf32, #tpu.memory_space<hbm>> -> memref<2000xf32, #tpu.memory_space<hbm>>
    %dma_start3A_241 = arith.constant 0 : i32
    %dma_start3A_242 = tpu.memref_slice %arg9[%dma_start3A_236, %dma_start3A_241] : memref<16x2004xf32, #tpu.memory_space<vmem>> -> memref<1x2000xf32, #tpu.memory_space<vmem>>
    %dma_start3A_243 = tpu.memref_squeeze %dma_start3A_242 : memref<1x2000xf32, #tpu.memory_space<vmem>> -> memref<2000xf32, #tpu.memory_space<vmem>>
    %dma_start3A_244 = tpu.memref_slice %arg5[%add3A_107] : memref<1000000xf32, #tpu.memory_space<hbm>> -> memref<2000xf32, #tpu.memory_space<hbm>>
    tpu.enqueue_dma source(%dma_start3A_244 : memref<2000xf32, #tpu.memory_space<hbm>>) target(%dma_start3A_243 : memref<2000xf32, #tpu.memory_space<vmem>>) target_semaphore(%arg17 : memref<!tpu.dma_semaphore, #tpu.memory_space<semaphore_mem>>)
    %dma_start3A_245 = arith.constant 11 : i32
    %dma_start3A_246 = arith.constant 0 : i32
    %dma_start3A_247 = tpu.memref_slice %arg9[%dma_start3A_245, %dma_start3A_246] : memref<16x2004xf32, #tpu.memory_space<vmem>> -> memref<1x2000xf32, #tpu.memory_space<vmem>>
    %dma_start3A_248 = tpu.memref_squeeze %dma_start3A_247 : memref<1x2000xf32, #tpu.memory_space<vmem>> -> memref<2000xf32, #tpu.memory_space<vmem>>
    %dma_start3A_249 = tpu.memref_slice %arg5[%add3A_111] : memref<1000000xf32, #tpu.memory_space<hbm>> -> memref<2000xf32, #tpu.memory_space<hbm>>
    %dma_start3A_250 = arith.constant 0 : i32
    %dma_start3A_251 = tpu.memref_slice %arg9[%dma_start3A_245, %dma_start3A_250] : memref<16x2004xf32, #tpu.memory_space<vmem>> -> memref<1x2000xf32, #tpu.memory_space<vmem>>
    %dma_start3A_252 = tpu.memref_squeeze %dma_start3A_251 : memref<1x2000xf32, #tpu.memory_space<vmem>> -> memref<2000xf32, #tpu.memory_space<vmem>>
    %dma_start3A_253 = tpu.memref_slice %arg5[%add3A_111] : memref<1000000xf32, #tpu.memory_space<hbm>> -> memref<2000xf32, #tpu.memory_space<hbm>>
    tpu.enqueue_dma source(%dma_start3A_253 : memref<2000xf32, #tpu.memory_space<hbm>>) target(%dma_start3A_252 : memref<2000xf32, #tpu.memory_space<vmem>>) target_semaphore(%arg17 : memref<!tpu.dma_semaphore, #tpu.memory_space<semaphore_mem>>)
    %dma_start3A_254 = arith.constant 15 : i32
    %dma_start3A_255 = arith.constant 0 : i32
    %dma_start3A_256 = tpu.memref_slice %arg9[%dma_start3A_254, %dma_start3A_255] : memref<16x2004xf32, #tpu.memory_space<vmem>> -> memref<1x2000xf32, #tpu.memory_space<vmem>>
    %dma_start3A_257 = tpu.memref_squeeze %dma_start3A_256 : memref<1x2000xf32, #tpu.memory_space<vmem>> -> memref<2000xf32, #tpu.memory_space<vmem>>
    %dma_start3A_258 = tpu.memref_slice %arg5[%add3A_115] : memref<1000000xf32, #tpu.memory_space<hbm>> -> memref<2000xf32, #tpu.memory_space<hbm>>
    %dma_start3A_259 = arith.constant 0 : i32
    %dma_start3A_260 = tpu.memref_slice %arg9[%dma_start3A_254, %dma_start3A_259] : memref<16x2004xf32, #tpu.memory_space<vmem>> -> memref<1x2000xf32, #tpu.memory_space<vmem>>
    %dma_start3A_261 = tpu.memref_squeeze %dma_start3A_260 : memref<1x2000xf32, #tpu.memory_space<vmem>> -> memref<2000xf32, #tpu.memory_space<vmem>>
    %dma_start3A_262 = tpu.memref_slice %arg5[%add3A_115] : memref<1000000xf32, #tpu.memory_space<hbm>> -> memref<2000xf32, #tpu.memory_space<hbm>>
    tpu.enqueue_dma source(%dma_start3A_262 : memref<2000xf32, #tpu.memory_space<hbm>>) target(%dma_start3A_261 : memref<2000xf32, #tpu.memory_space<vmem>>) target_semaphore(%arg17 : memref<!tpu.dma_semaphore, #tpu.memory_space<semaphore_mem>>)
    %dma_start3A_263 = tpu.memref_slice %arg6[%mul3A_117] : memref<1000000xf32, #tpu.memory_space<hbm>> -> memref<8000xf32, #tpu.memory_space<hbm>>
    %dma_start3A_264 = tpu.memref_slice %arg6[%mul3A_117] : memref<1000000xf32, #tpu.memory_space<hbm>> -> memref<8000xf32, #tpu.memory_space<hbm>>
    tpu.enqueue_dma source(%dma_start3A_264 : memref<8000xf32, #tpu.memory_space<hbm>>) target(%arg11 : memref<8000xf32, #tpu.memory_space<vmem>>) target_semaphore(%arg17 : memref<!tpu.dma_semaphore, #tpu.memory_space<semaphore_mem>>)
    %dma_start3A_265 = tpu.memref_slice %arg7[%mul3A_119] : memref<1000000xi32, #tpu.memory_space<hbm>> -> memref<8000xi32, #tpu.memory_space<hbm>>
    %dma_start3A_266 = tpu.memref_slice %arg7[%mul3A_119] : memref<1000000xi32, #tpu.memory_space<hbm>> -> memref<8000xi32, #tpu.memory_space<hbm>>
    tpu.enqueue_dma source(%dma_start3A_266 : memref<8000xi32, #tpu.memory_space<hbm>>) target(%arg13 : memref<8000xi32, #tpu.memory_space<vmem>>) target_semaphore(%arg17 : memref<!tpu.dma_semaphore, #tpu.memory_space<semaphore_mem>>)
    %scan3A = arith.constant 0 : i32
    %scan3A_267 = arith.constant 0 : i32
    %scan3A_268 = arith.constant 2 : i32
    %scan3A_269 = arith.addi %scan3A_267, %scan3A_268 : i32
    %scan3A_270 = arith.constant 1 : i32
    scf.for %scan3A_278 = %scan3A_267 to %scan3A_269 step %scan3A_270  : i32 {
      %mul3A_279 = arith.constant 2 : i32
      %mul3A_280 = arith.muli %scan3A_278, %mul3A_279 : i32
      %add3A_281 = arith.constant 0 : i32
      %add3A_282 = arith.addi %mul3A_280, %add3A_281 : i32
      %mul3A_283 = arith.constant 32 : i32
      %mul3A_284 = arith.muli %add3A_282, %mul3A_283 : i32
      %add3A_285 = arith.addi %add3A, %mul3A_284 : i32
      %add3A_286 = arith.constant 1 : i32
      %add3A_287 = arith.addi %add3A_282, %add3A_286 : i32
      %mul3A_288 = arith.constant 32 : i32
      %mul3A_289 = arith.muli %add3A_287, %mul3A_288 : i32
      %add3A_290 = arith.addi %add3A, %mul3A_289 : i32
      %lt3A_291 = arith.constant 125 : i32
      %lt3A_292 = arith.cmpi slt, %add3A_290, %lt3A_291 : i32
      %lt3A_293 = arith.constant 4 : i32
      %lt3A_294 = arith.cmpi slt, %add3A_287, %lt3A_293 : i32
      %and3A_295 = arith.andi %lt3A_292, %lt3A_294 : i1
      %convert_element_type3A = arith.extui %and3A_295 : i1 to i32
      %cond3A = arith.constant 0 : i32
      %cond3A_296 = arith.cmpi ne, %convert_element_type3A, %cond3A : i32
      scf.if %cond3A_296 {
        %mul3A_327 = arith.constant 32 : i32
        %mul3A_328 = arith.muli %add3A_287, %mul3A_327 : i32
        %add3A_329 = arith.addi %add3A, %mul3A_328 : i32
        %mul3A_330 = arith.constant 2000 : i32
        %mul3A_331 = arith.muli %add3A_329, %mul3A_330 : i32
        %add3A_332 = arith.constant 0 : i32
        %add3A_333 = arith.addi %add3A_332, %mul3A_331 : i32
        %mul3A_334 = arith.constant 2000 : i32
        %mul3A_335 = arith.muli %add3A_329, %mul3A_334 : i32
        %add3A_336 = arith.constant 250000 : i32
        %add3A_337 = arith.addi %add3A_336, %mul3A_335 : i32
        %mul3A_338 = arith.constant 2000 : i32
        %mul3A_339 = arith.muli %add3A_329, %mul3A_338 : i32
        %add3A_340 = arith.constant 500000 : i32
        %add3A_341 = arith.addi %add3A_340, %mul3A_339 : i32
        %mul3A_342 = arith.constant 2000 : i32
        %mul3A_343 = arith.muli %add3A_329, %mul3A_342 : i32
        %add3A_344 = arith.constant 750000 : i32
        %add3A_345 = arith.addi %add3A_344, %mul3A_343 : i32
        %mul3A_346 = arith.constant 2000 : i32
        %mul3A_347 = arith.muli %add3A_329, %mul3A_346 : i32
        %add3A_348 = arith.constant 0 : i32
        %add3A_349 = arith.addi %add3A_348, %mul3A_347 : i32
        %mul3A_350 = arith.constant 2000 : i32
        %mul3A_351 = arith.muli %add3A_329, %mul3A_350 : i32
        %add3A_352 = arith.constant 250000 : i32
        %add3A_353 = arith.addi %add3A_352, %mul3A_351 : i32
        %mul3A_354 = arith.constant 2000 : i32
        %mul3A_355 = arith.muli %add3A_329, %mul3A_354 : i32
        %add3A_356 = arith.constant 500000 : i32
        %add3A_357 = arith.addi %add3A_356, %mul3A_355 : i32
        %mul3A_358 = arith.constant 2000 : i32
        %mul3A_359 = arith.muli %add3A_329, %mul3A_358 : i32
        %add3A_360 = arith.constant 750000 : i32
        %add3A_361 = arith.addi %add3A_360, %mul3A_359 : i32
        %mul3A_362 = arith.constant 2000 : i32
        %mul3A_363 = arith.muli %add3A_329, %mul3A_362 : i32
        %add3A_364 = arith.constant 0 : i32
        %add3A_365 = arith.addi %add3A_364, %mul3A_363 : i32
        %mul3A_366 = arith.constant 2000 : i32
        %mul3A_367 = arith.muli %add3A_329, %mul3A_366 : i32
        %add3A_368 = arith.constant 250000 : i32
        %add3A_369 = arith.addi %add3A_368, %mul3A_367 : i32
        %mul3A_370 = arith.constant 2000 : i32
        %mul3A_371 = arith.muli %add3A_329, %mul3A_370 : i32
        %add3A_372 = arith.constant 500000 : i32
        %add3A_373 = arith.addi %add3A_372, %mul3A_371 : i32
        %mul3A_374 = arith.constant 2000 : i32
        %mul3A_375 = arith.muli %add3A_329, %mul3A_374 : i32
        %add3A_376 = arith.constant 750000 : i32
        %add3A_377 = arith.addi %add3A_376, %mul3A_375 : i32
        %mul3A_378 = arith.constant 2000 : i32
        %mul3A_379 = arith.muli %add3A_329, %mul3A_378 : i32
        %add3A_380 = arith.constant 0 : i32
        %add3A_381 = arith.addi %add3A_380, %mul3A_379 : i32
        %mul3A_382 = arith.constant 2000 : i32
        %mul3A_383 = arith.muli %add3A_329, %mul3A_382 : i32
        %add3A_384 = arith.constant 250000 : i32
        %add3A_385 = arith.addi %add3A_384, %mul3A_383 : i32
        %mul3A_386 = arith.constant 2000 : i32
        %mul3A_387 = arith.muli %add3A_329, %mul3A_386 : i32
        %add3A_388 = arith.constant 500000 : i32
        %add3A_389 = arith.addi %add3A_388, %mul3A_387 : i32
        %mul3A_390 = arith.constant 2000 : i32
        %mul3A_391 = arith.muli %add3A_329, %mul3A_390 : i32
        %add3A_392 = arith.constant 750000 : i32
        %add3A_393 = arith.addi %add3A_392, %mul3A_391 : i32
        %mul3A_394 = arith.constant 8000 : i32
        %mul3A_395 = arith.muli %add3A_329, %mul3A_394 : i32
        %mul3A_396 = arith.constant 8000 : i32
        %mul3A_397 = arith.muli %add3A_329, %mul3A_396 : i32
        %dma_start3A_398 = arith.constant 0 : i32
        %dma_start3A_399 = arith.constant 0 : i32
        %dma_start3A_400 = tpu.memref_slice %arg10[%dma_start3A_398, %dma_start3A_399] : memref<16x2004xf32, #tpu.memory_space<vmem>> -> memref<1x2000xf32, #tpu.memory_space<vmem>>
        %dma_start3A_401 = tpu.memref_squeeze %dma_start3A_400 : memref<1x2000xf32, #tpu.memory_space<vmem>> -> memref<2000xf32, #tpu.memory_space<vmem>>
        %dma_start3A_402 = tpu.memref_slice %arg2[%add3A_333] : memref<1000000xf32, #tpu.memory_space<hbm>> -> memref<2000xf32, #tpu.memory_space<hbm>>
        %dma_start3A_403 = arith.constant 0 : i32
        %dma_start3A_404 = tpu.memref_slice %arg10[%dma_start3A_398, %dma_start3A_403] : memref<16x2004xf32, #tpu.memory_space<vmem>> -> memref<1x2000xf32, #tpu.memory_space<vmem>>
        %dma_start3A_405 = tpu.memref_squeeze %dma_start3A_404 : memref<1x2000xf32, #tpu.memory_space<vmem>> -> memref<2000xf32, #tpu.memory_space<vmem>>
        %dma_start3A_406 = tpu.memref_slice %arg2[%add3A_333] : memref<1000000xf32, #tpu.memory_space<hbm>> -> memref<2000xf32, #tpu.memory_space<hbm>>
        tpu.enqueue_dma source(%dma_start3A_406 : memref<2000xf32, #tpu.memory_space<hbm>>) target(%dma_start3A_405 : memref<2000xf32, #tpu.memory_space<vmem>>) target_semaphore(%arg18 : memref<!tpu.dma_semaphore, #tpu.memory_space<semaphore_mem>>)
        %dma_start3A_407 = arith.constant 4 : i32
        %dma_start3A_408 = arith.constant 0 : i32
        %dma_start3A_409 = tpu.memref_slice %arg10[%dma_start3A_407, %dma_start3A_408] : memref<16x2004xf32, #tpu.memory_space<vmem>> -> memref<1x2000xf32, #tpu.memory_space<vmem>>
        %dma_start3A_410 = tpu.memref_squeeze %dma_start3A_409 : memref<1x2000xf32, #tpu.memory_space<vmem>> -> memref<2000xf32, #tpu.memory_space<vmem>>
        %dma_start3A_411 = tpu.memref_slice %arg2[%add3A_337] : memref<1000000xf32, #tpu.memory_space<hbm>> -> memref<2000xf32, #tpu.memory_space<hbm>>
        %dma_start3A_412 = arith.constant 0 : i32
        %dma_start3A_413 = tpu.memref_slice %arg10[%dma_start3A_407, %dma_start3A_412] : memref<16x2004xf32, #tpu.memory_space<vmem>> -> memref<1x2000xf32, #tpu.memory_space<vmem>>
        %dma_start3A_414 = tpu.memref_squeeze %dma_start3A_413 : memref<1x2000xf32, #tpu.memory_space<vmem>> -> memref<2000xf32, #tpu.memory_space<vmem>>
        %dma_start3A_415 = tpu.memref_slice %arg2[%add3A_337] : memref<1000000xf32, #tpu.memory_space<hbm>> -> memref<2000xf32, #tpu.memory_space<hbm>>
        tpu.enqueue_dma source(%dma_start3A_415 : memref<2000xf32, #tpu.memory_space<hbm>>) target(%dma_start3A_414 : memref<2000xf32, #tpu.memory_space<vmem>>) target_semaphore(%arg18 : memref<!tpu.dma_semaphore, #tpu.memory_space<semaphore_mem>>)
        %dma_start3A_416 = arith.constant 8 : i32
        %dma_start3A_417 = arith.constant 0 : i32
        %dma_start3A_418 = tpu.memref_slice %arg10[%dma_start3A_416, %dma_start3A_417] : memref<16x2004xf32, #tpu.memory_space<vmem>> -> memref<1x2000xf32, #tpu.memory_space<vmem>>
        %dma_start3A_419 = tpu.memref_squeeze %dma_start3A_418 : memref<1x2000xf32, #tpu.memory_space<vmem>> -> memref<2000xf32, #tpu.memory_space<vmem>>
        %dma_start3A_420 = tpu.memref_slice %arg2[%add3A_341] : memref<1000000xf32, #tpu.memory_space<hbm>> -> memref<2000xf32, #tpu.memory_space<hbm>>
        %dma_start3A_421 = arith.constant 0 : i32
        %dma_start3A_422 = tpu.memref_slice %arg10[%dma_start3A_416, %dma_start3A_421] : memref<16x2004xf32, #tpu.memory_space<vmem>> -> memref<1x2000xf32, #tpu.memory_space<vmem>>
        %dma_start3A_423 = tpu.memref_squeeze %dma_start3A_422 : memref<1x2000xf32, #tpu.memory_space<vmem>> -> memref<2000xf32, #tpu.memory_space<vmem>>
        %dma_start3A_424 = tpu.memref_slice %arg2[%add3A_341] : memref<1000000xf32, #tpu.memory_space<hbm>> -> memref<2000xf32, #tpu.memory_space<hbm>>
        tpu.enqueue_dma source(%dma_start3A_424 : memref<2000xf32, #tpu.memory_space<hbm>>) target(%dma_start3A_423 : memref<2000xf32, #tpu.memory_space<vmem>>) target_semaphore(%arg18 : memref<!tpu.dma_semaphore, #tpu.memory_space<semaphore_mem>>)
        %dma_start3A_425 = arith.constant 12 : i32
        %dma_start3A_426 = arith.constant 0 : i32
        %dma_start3A_427 = tpu.memref_slice %arg10[%dma_start3A_425, %dma_start3A_426] : memref<16x2004xf32, #tpu.memory_space<vmem>> -> memref<1x2000xf32, #tpu.memory_space<vmem>>
        %dma_start3A_428 = tpu.memref_squeeze %dma_start3A_427 : memref<1x2000xf32, #tpu.memory_space<vmem>> -> memref<2000xf32, #tpu.memory_space<vmem>>
        %dma_start3A_429 = tpu.memref_slice %arg2[%add3A_345] : memref<1000000xf32, #tpu.memory_space<hbm>> -> memref<2000xf32, #tpu.memory_space<hbm>>
        %dma_start3A_430 = arith.constant 0 : i32
        %dma_start3A_431 = tpu.memref_slice %arg10[%dma_start3A_425, %dma_start3A_430] : memref<16x2004xf32, #tpu.memory_space<vmem>> -> memref<1x2000xf32, #tpu.memory_space<vmem>>
        %dma_start3A_432 = tpu.memref_squeeze %dma_start3A_431 : memref<1x2000xf32, #tpu.memory_space<vmem>> -> memref<2000xf32, #tpu.memory_space<vmem>>
        %dma_start3A_433 = tpu.memref_slice %arg2[%add3A_345] : memref<1000000xf32, #tpu.memory_space<hbm>> -> memref<2000xf32, #tpu.memory_space<hbm>>
        tpu.enqueue_dma source(%dma_start3A_433 : memref<2000xf32, #tpu.memory_space<hbm>>) target(%dma_start3A_432 : memref<2000xf32, #tpu.memory_space<vmem>>) target_semaphore(%arg18 : memref<!tpu.dma_semaphore, #tpu.memory_space<semaphore_mem>>)
        %dma_start3A_434 = arith.constant 1 : i32
        %dma_start3A_435 = arith.constant 0 : i32
        %dma_start3A_436 = tpu.memref_slice %arg10[%dma_start3A_434, %dma_start3A_435] : memref<16x2004xf32, #tpu.memory_space<vmem>> -> memref<1x2000xf32, #tpu.memory_space<vmem>>
        %dma_start3A_437 = tpu.memref_squeeze %dma_start3A_436 : memref<1x2000xf32, #tpu.memory_space<vmem>> -> memref<2000xf32, #tpu.memory_space<vmem>>
        %dma_start3A_438 = tpu.memref_slice %arg3[%add3A_349] : memref<1000000xf32, #tpu.memory_space<hbm>> -> memref<2000xf32, #tpu.memory_space<hbm>>
        %dma_start3A_439 = arith.constant 0 : i32
        %dma_start3A_440 = tpu.memref_slice %arg10[%dma_start3A_434, %dma_start3A_439] : memref<16x2004xf32, #tpu.memory_space<vmem>> -> memref<1x2000xf32, #tpu.memory_space<vmem>>
        %dma_start3A_441 = tpu.memref_squeeze %dma_start3A_440 : memref<1x2000xf32, #tpu.memory_space<vmem>> -> memref<2000xf32, #tpu.memory_space<vmem>>
        %dma_start3A_442 = tpu.memref_slice %arg3[%add3A_349] : memref<1000000xf32, #tpu.memory_space<hbm>> -> memref<2000xf32, #tpu.memory_space<hbm>>
        tpu.enqueue_dma source(%dma_start3A_442 : memref<2000xf32, #tpu.memory_space<hbm>>) target(%dma_start3A_441 : memref<2000xf32, #tpu.memory_space<vmem>>) target_semaphore(%arg18 : memref<!tpu.dma_semaphore, #tpu.memory_space<semaphore_mem>>)
        %dma_start3A_443 = arith.constant 5 : i32
        %dma_start3A_444 = arith.constant 0 : i32
        %dma_start3A_445 = tpu.memref_slice %arg10[%dma_start3A_443, %dma_start3A_444] : memref<16x2004xf32, #tpu.memory_space<vmem>> -> memref<1x2000xf32, #tpu.memory_space<vmem>>
        %dma_start3A_446 = tpu.memref_squeeze %dma_start3A_445 : memref<1x2000xf32, #tpu.memory_space<vmem>> -> memref<2000xf32, #tpu.memory_space<vmem>>
        %dma_start3A_447 = tpu.memref_slice %arg3[%add3A_353] : memref<1000000xf32, #tpu.memory_space<hbm>> -> memref<2000xf32, #tpu.memory_space<hbm>>
        %dma_start3A_448 = arith.constant 0 : i32
        %dma_start3A_449 = tpu.memref_slice %arg10[%dma_start3A_443, %dma_start3A_448] : memref<16x2004xf32, #tpu.memory_space<vmem>> -> memref<1x2000xf32, #tpu.memory_space<vmem>>
        %dma_start3A_450 = tpu.memref_squeeze %dma_start3A_449 : memref<1x2000xf32, #tpu.memory_space<vmem>> -> memref<2000xf32, #tpu.memory_space<vmem>>
        %dma_start3A_451 = tpu.memref_slice %arg3[%add3A_353] : memref<1000000xf32, #tpu.memory_space<hbm>> -> memref<2000xf32, #tpu.memory_space<hbm>>
        tpu.enqueue_dma source(%dma_start3A_451 : memref<2000xf32, #tpu.memory_space<hbm>>) target(%dma_start3A_450 : memref<2000xf32, #tpu.memory_space<vmem>>) target_semaphore(%arg18 : memref<!tpu.dma_semaphore, #tpu.memory_space<semaphore_mem>>)
        %dma_start3A_452 = arith.constant 9 : i32
        %dma_start3A_453 = arith.constant 0 : i32
        %dma_start3A_454 = tpu.memref_slice %arg10[%dma_start3A_452, %dma_start3A_453] : memref<16x2004xf32, #tpu.memory_space<vmem>> -> memref<1x2000xf32, #tpu.memory_space<vmem>>
        %dma_start3A_455 = tpu.memref_squeeze %dma_start3A_454 : memref<1x2000xf32, #tpu.memory_space<vmem>> -> memref<2000xf32, #tpu.memory_space<vmem>>
        %dma_start3A_456 = tpu.memref_slice %arg3[%add3A_357] : memref<1000000xf32, #tpu.memory_space<hbm>> -> memref<2000xf32, #tpu.memory_space<hbm>>
        %dma_start3A_457 = arith.constant 0 : i32
        %dma_start3A_458 = tpu.memref_slice %arg10[%dma_start3A_452, %dma_start3A_457] : memref<16x2004xf32, #tpu.memory_space<vmem>> -> memref<1x2000xf32, #tpu.memory_space<vmem>>
        %dma_start3A_459 = tpu.memref_squeeze %dma_start3A_458 : memref<1x2000xf32, #tpu.memory_space<vmem>> -> memref<2000xf32, #tpu.memory_space<vmem>>
        %dma_start3A_460 = tpu.memref_slice %arg3[%add3A_357] : memref<1000000xf32, #tpu.memory_space<hbm>> -> memref<2000xf32, #tpu.memory_space<hbm>>
        tpu.enqueue_dma source(%dma_start3A_460 : memref<2000xf32, #tpu.memory_space<hbm>>) target(%dma_start3A_459 : memref<2000xf32, #tpu.memory_space<vmem>>) target_semaphore(%arg18 : memref<!tpu.dma_semaphore, #tpu.memory_space<semaphore_mem>>)
        %dma_start3A_461 = arith.constant 13 : i32
        %dma_start3A_462 = arith.constant 0 : i32
        %dma_start3A_463 = tpu.memref_slice %arg10[%dma_start3A_461, %dma_start3A_462] : memref<16x2004xf32, #tpu.memory_space<vmem>> -> memref<1x2000xf32, #tpu.memory_space<vmem>>
        %dma_start3A_464 = tpu.memref_squeeze %dma_start3A_463 : memref<1x2000xf32, #tpu.memory_space<vmem>> -> memref<2000xf32, #tpu.memory_space<vmem>>
        %dma_start3A_465 = tpu.memref_slice %arg3[%add3A_361] : memref<1000000xf32, #tpu.memory_space<hbm>> -> memref<2000xf32, #tpu.memory_space<hbm>>
        %dma_start3A_466 = arith.constant 0 : i32
        %dma_start3A_467 = tpu.memref_slice %arg10[%dma_start3A_461, %dma_start3A_466] : memref<16x2004xf32, #tpu.memory_space<vmem>> -> memref<1x2000xf32, #tpu.memory_space<vmem>>
        %dma_start3A_468 = tpu.memref_squeeze %dma_start3A_467 : memref<1x2000xf32, #tpu.memory_space<vmem>> -> memref<2000xf32, #tpu.memory_space<vmem>>
        %dma_start3A_469 = tpu.memref_slice %arg3[%add3A_361] : memref<1000000xf32, #tpu.memory_space<hbm>> -> memref<2000xf32, #tpu.memory_space<hbm>>
        tpu.enqueue_dma source(%dma_start3A_469 : memref<2000xf32, #tpu.memory_space<hbm>>) target(%dma_start3A_468 : memref<2000xf32, #tpu.memory_space<vmem>>) target_semaphore(%arg18 : memref<!tpu.dma_semaphore, #tpu.memory_space<semaphore_mem>>)
        %dma_start3A_470 = arith.constant 2 : i32
        %dma_start3A_471 = arith.constant 0 : i32
        %dma_start3A_472 = tpu.memref_slice %arg10[%dma_start3A_470, %dma_start3A_471] : memref<16x2004xf32, #tpu.memory_space<vmem>> -> memref<1x2000xf32, #tpu.memory_space<vmem>>
        %dma_start3A_473 = tpu.memref_squeeze %dma_start3A_472 : memref<1x2000xf32, #tpu.memory_space<vmem>> -> memref<2000xf32, #tpu.memory_space<vmem>>
        %dma_start3A_474 = tpu.memref_slice %arg4[%add3A_365] : memref<1000000xf32, #tpu.memory_space<hbm>> -> memref<2000xf32, #tpu.memory_space<hbm>>
        %dma_start3A_475 = arith.constant 0 : i32
        %dma_start3A_476 = tpu.memref_slice %arg10[%dma_start3A_470, %dma_start3A_475] : memref<16x2004xf32, #tpu.memory_space<vmem>> -> memref<1x2000xf32, #tpu.memory_space<vmem>>
        %dma_start3A_477 = tpu.memref_squeeze %dma_start3A_476 : memref<1x2000xf32, #tpu.memory_space<vmem>> -> memref<2000xf32, #tpu.memory_space<vmem>>
        %dma_start3A_478 = tpu.memref_slice %arg4[%add3A_365] : memref<1000000xf32, #tpu.memory_space<hbm>> -> memref<2000xf32, #tpu.memory_space<hbm>>
        tpu.enqueue_dma source(%dma_start3A_478 : memref<2000xf32, #tpu.memory_space<hbm>>) target(%dma_start3A_477 : memref<2000xf32, #tpu.memory_space<vmem>>) target_semaphore(%arg18 : memref<!tpu.dma_semaphore, #tpu.memory_space<semaphore_mem>>)
        %dma_start3A_479 = arith.constant 6 : i32
        %dma_start3A_480 = arith.constant 0 : i32
        %dma_start3A_481 = tpu.memref_slice %arg10[%dma_start3A_479, %dma_start3A_480] : memref<16x2004xf32, #tpu.memory_space<vmem>> -> memref<1x2000xf32, #tpu.memory_space<vmem>>
        %dma_start3A_482 = tpu.memref_squeeze %dma_start3A_481 : memref<1x2000xf32, #tpu.memory_space<vmem>> -> memref<2000xf32, #tpu.memory_space<vmem>>
        %dma_start3A_483 = tpu.memref_slice %arg4[%add3A_369] : memref<1000000xf32, #tpu.memory_space<hbm>> -> memref<2000xf32, #tpu.memory_space<hbm>>
        %dma_start3A_484 = arith.constant 0 : i32
        %dma_start3A_485 = tpu.memref_slice %arg10[%dma_start3A_479, %dma_start3A_484] : memref<16x2004xf32, #tpu.memory_space<vmem>> -> memref<1x2000xf32, #tpu.memory_space<vmem>>
        %dma_start3A_486 = tpu.memref_squeeze %dma_start3A_485 : memref<1x2000xf32, #tpu.memory_space<vmem>> -> memref<2000xf32, #tpu.memory_space<vmem>>
        %dma_start3A_487 = tpu.memref_slice %arg4[%add3A_369] : memref<1000000xf32, #tpu.memory_space<hbm>> -> memref<2000xf32, #tpu.memory_space<hbm>>
        tpu.enqueue_dma source(%dma_start3A_487 : memref<2000xf32, #tpu.memory_space<hbm>>) target(%dma_start3A_486 : memref<2000xf32, #tpu.memory_space<vmem>>) target_semaphore(%arg18 : memref<!tpu.dma_semaphore, #tpu.memory_space<semaphore_mem>>)
        %dma_start3A_488 = arith.constant 10 : i32
        %dma_start3A_489 = arith.constant 0 : i32
        %dma_start3A_490 = tpu.memref_slice %arg10[%dma_start3A_488, %dma_start3A_489] : memref<16x2004xf32, #tpu.memory_space<vmem>> -> memref<1x2000xf32, #tpu.memory_space<vmem>>
        %dma_start3A_491 = tpu.memref_squeeze %dma_start3A_490 : memref<1x2000xf32, #tpu.memory_space<vmem>> -> memref<2000xf32, #tpu.memory_space<vmem>>
        %dma_start3A_492 = tpu.memref_slice %arg4[%add3A_373] : memref<1000000xf32, #tpu.memory_space<hbm>> -> memref<2000xf32, #tpu.memory_space<hbm>>
        %dma_start3A_493 = arith.constant 0 : i32
        %dma_start3A_494 = tpu.memref_slice %arg10[%dma_start3A_488, %dma_start3A_493] : memref<16x2004xf32, #tpu.memory_space<vmem>> -> memref<1x2000xf32, #tpu.memory_space<vmem>>
        %dma_start3A_495 = tpu.memref_squeeze %dma_start3A_494 : memref<1x2000xf32, #tpu.memory_space<vmem>> -> memref<2000xf32, #tpu.memory_space<vmem>>
        %dma_start3A_496 = tpu.memref_slice %arg4[%add3A_373] : memref<1000000xf32, #tpu.memory_space<hbm>> -> memref<2000xf32, #tpu.memory_space<hbm>>
        tpu.enqueue_dma source(%dma_start3A_496 : memref<2000xf32, #tpu.memory_space<hbm>>) target(%dma_start3A_495 : memref<2000xf32, #tpu.memory_space<vmem>>) target_semaphore(%arg18 : memref<!tpu.dma_semaphore, #tpu.memory_space<semaphore_mem>>)
        %dma_start3A_497 = arith.constant 14 : i32
        %dma_start3A_498 = arith.constant 0 : i32
        %dma_start3A_499 = tpu.memref_slice %arg10[%dma_start3A_497, %dma_start3A_498] : memref<16x2004xf32, #tpu.memory_space<vmem>> -> memref<1x2000xf32, #tpu.memory_space<vmem>>
        %dma_start3A_500 = tpu.memref_squeeze %dma_start3A_499 : memref<1x2000xf32, #tpu.memory_space<vmem>> -> memref<2000xf32, #tpu.memory_space<vmem>>
        %dma_start3A_501 = tpu.memref_slice %arg4[%add3A_377] : memref<1000000xf32, #tpu.memory_space<hbm>> -> memref<2000xf32, #tpu.memory_space<hbm>>
        %dma_start3A_502 = arith.constant 0 : i32
        %dma_start3A_503 = tpu.memref_slice %arg10[%dma_start3A_497, %dma_start3A_502] : memref<16x2004xf32, #tpu.memory_space<vmem>> -> memref<1x2000xf32, #tpu.memory_space<vmem>>
        %dma_start3A_504 = tpu.memref_squeeze %dma_start3A_503 : memref<1x2000xf32, #tpu.memory_space<vmem>> -> memref<2000xf32, #tpu.memory_space<vmem>>
        %dma_start3A_505 = tpu.memref_slice %arg4[%add3A_377] : memref<1000000xf32, #tpu.memory_space<hbm>> -> memref<2000xf32, #tpu.memory_space<hbm>>
        tpu.enqueue_dma source(%dma_start3A_505 : memref<2000xf32, #tpu.memory_space<hbm>>) target(%dma_start3A_504 : memref<2000xf32, #tpu.memory_space<vmem>>) target_semaphore(%arg18 : memref<!tpu.dma_semaphore, #tpu.memory_space<semaphore_mem>>)
        %dma_start3A_506 = arith.constant 3 : i32
        %dma_start3A_507 = arith.constant 0 : i32
        %dma_start3A_508 = tpu.memref_slice %arg10[%dma_start3A_506, %dma_start3A_507] : memref<16x2004xf32, #tpu.memory_space<vmem>> -> memref<1x2000xf32, #tpu.memory_space<vmem>>
        %dma_start3A_509 = tpu.memref_squeeze %dma_start3A_508 : memref<1x2000xf32, #tpu.memory_space<vmem>> -> memref<2000xf32, #tpu.memory_space<vmem>>
        %dma_start3A_510 = tpu.memref_slice %arg5[%add3A_381] : memref<1000000xf32, #tpu.memory_space<hbm>> -> memref<2000xf32, #tpu.memory_space<hbm>>
        %dma_start3A_511 = arith.constant 0 : i32
        %dma_start3A_512 = tpu.memref_slice %arg10[%dma_start3A_506, %dma_start3A_511] : memref<16x2004xf32, #tpu.memory_space<vmem>> -> memref<1x2000xf32, #tpu.memory_space<vmem>>
        %dma_start3A_513 = tpu.memref_squeeze %dma_start3A_512 : memref<1x2000xf32, #tpu.memory_space<vmem>> -> memref<2000xf32, #tpu.memory_space<vmem>>
        %dma_start3A_514 = tpu.memref_slice %arg5[%add3A_381] : memref<1000000xf32, #tpu.memory_space<hbm>> -> memref<2000xf32, #tpu.memory_space<hbm>>
        tpu.enqueue_dma source(%dma_start3A_514 : memref<2000xf32, #tpu.memory_space<hbm>>) target(%dma_start3A_513 : memref<2000xf32, #tpu.memory_space<vmem>>) target_semaphore(%arg18 : memref<!tpu.dma_semaphore, #tpu.memory_space<semaphore_mem>>)
        %dma_start3A_515 = arith.constant 7 : i32
        %dma_start3A_516 = arith.constant 0 : i32
        %dma_start3A_517 = tpu.memref_slice %arg10[%dma_start3A_515, %dma_start3A_516] : memref<16x2004xf32, #tpu.memory_space<vmem>> -> memref<1x2000xf32, #tpu.memory_space<vmem>>
        %dma_start3A_518 = tpu.memref_squeeze %dma_start3A_517 : memref<1x2000xf32, #tpu.memory_space<vmem>> -> memref<2000xf32, #tpu.memory_space<vmem>>
        %dma_start3A_519 = tpu.memref_slice %arg5[%add3A_385] : memref<1000000xf32, #tpu.memory_space<hbm>> -> memref<2000xf32, #tpu.memory_space<hbm>>
        %dma_start3A_520 = arith.constant 0 : i32
        %dma_start3A_521 = tpu.memref_slice %arg10[%dma_start3A_515, %dma_start3A_520] : memref<16x2004xf32, #tpu.memory_space<vmem>> -> memref<1x2000xf32, #tpu.memory_space<vmem>>
        %dma_start3A_522 = tpu.memref_squeeze %dma_start3A_521 : memref<1x2000xf32, #tpu.memory_space<vmem>> -> memref<2000xf32, #tpu.memory_space<vmem>>
        %dma_start3A_523 = tpu.memref_slice %arg5[%add3A_385] : memref<1000000xf32, #tpu.memory_space<hbm>> -> memref<2000xf32, #tpu.memory_space<hbm>>
        tpu.enqueue_dma source(%dma_start3A_523 : memref<2000xf32, #tpu.memory_space<hbm>>) target(%dma_start3A_522 : memref<2000xf32, #tpu.memory_space<vmem>>) target_semaphore(%arg18 : memref<!tpu.dma_semaphore, #tpu.memory_space<semaphore_mem>>)
        %dma_start3A_524 = arith.constant 11 : i32
        %dma_start3A_525 = arith.constant 0 : i32
        %dma_start3A_526 = tpu.memref_slice %arg10[%dma_start3A_524, %dma_start3A_525] : memref<16x2004xf32, #tpu.memory_space<vmem>> -> memref<1x2000xf32, #tpu.memory_space<vmem>>
        %dma_start3A_527 = tpu.memref_squeeze %dma_start3A_526 : memref<1x2000xf32, #tpu.memory_space<vmem>> -> memref<2000xf32, #tpu.memory_space<vmem>>
        %dma_start3A_528 = tpu.memref_slice %arg5[%add3A_389] : memref<1000000xf32, #tpu.memory_space<hbm>> -> memref<2000xf32, #tpu.memory_space<hbm>>
        %dma_start3A_529 = arith.constant 0 : i32
        %dma_start3A_530 = tpu.memref_slice %arg10[%dma_start3A_524, %dma_start3A_529] : memref<16x2004xf32, #tpu.memory_space<vmem>> -> memref<1x2000xf32, #tpu.memory_space<vmem>>
        %dma_start3A_531 = tpu.memref_squeeze %dma_start3A_530 : memref<1x2000xf32, #tpu.memory_space<vmem>> -> memref<2000xf32, #tpu.memory_space<vmem>>
        %dma_start3A_532 = tpu.memref_slice %arg5[%add3A_389] : memref<1000000xf32, #tpu.memory_space<hbm>> -> memref<2000xf32, #tpu.memory_space<hbm>>
        tpu.enqueue_dma source(%dma_start3A_532 : memref<2000xf32, #tpu.memory_space<hbm>>) target(%dma_start3A_531 : memref<2000xf32, #tpu.memory_space<vmem>>) target_semaphore(%arg18 : memref<!tpu.dma_semaphore, #tpu.memory_space<semaphore_mem>>)
        %dma_start3A_533 = arith.constant 15 : i32
        %dma_start3A_534 = arith.constant 0 : i32
        %dma_start3A_535 = tpu.memref_slice %arg10[%dma_start3A_533, %dma_start3A_534] : memref<16x2004xf32, #tpu.memory_space<vmem>> -> memref<1x2000xf32, #tpu.memory_space<vmem>>
        %dma_start3A_536 = tpu.memref_squeeze %dma_start3A_535 : memref<1x2000xf32, #tpu.memory_space<vmem>> -> memref<2000xf32, #tpu.memory_space<vmem>>
        %dma_start3A_537 = tpu.memref_slice %arg5[%add3A_393] : memref<1000000xf32, #tpu.memory_space<hbm>> -> memref<2000xf32, #tpu.memory_space<hbm>>
        %dma_start3A_538 = arith.constant 0 : i32
        %dma_start3A_539 = tpu.memref_slice %arg10[%dma_start3A_533, %dma_start3A_538] : memref<16x2004xf32, #tpu.memory_space<vmem>> -> memref<1x2000xf32, #tpu.memory_space<vmem>>
        %dma_start3A_540 = tpu.memref_squeeze %dma_start3A_539 : memref<1x2000xf32, #tpu.memory_space<vmem>> -> memref<2000xf32, #tpu.memory_space<vmem>>
        %dma_start3A_541 = tpu.memref_slice %arg5[%add3A_393] : memref<1000000xf32, #tpu.memory_space<hbm>> -> memref<2000xf32, #tpu.memory_space<hbm>>
        tpu.enqueue_dma source(%dma_start3A_541 : memref<2000xf32, #tpu.memory_space<hbm>>) target(%dma_start3A_540 : memref<2000xf32, #tpu.memory_space<vmem>>) target_semaphore(%arg18 : memref<!tpu.dma_semaphore, #tpu.memory_space<semaphore_mem>>)
        %dma_start3A_542 = tpu.memref_slice %arg6[%mul3A_395] : memref<1000000xf32, #tpu.memory_space<hbm>> -> memref<8000xf32, #tpu.memory_space<hbm>>
        %dma_start3A_543 = tpu.memref_slice %arg6[%mul3A_395] : memref<1000000xf32, #tpu.memory_space<hbm>> -> memref<8000xf32, #tpu.memory_space<hbm>>
        tpu.enqueue_dma source(%dma_start3A_543 : memref<8000xf32, #tpu.memory_space<hbm>>) target(%arg12 : memref<8000xf32, #tpu.memory_space<vmem>>) target_semaphore(%arg18 : memref<!tpu.dma_semaphore, #tpu.memory_space<semaphore_mem>>)
        %dma_start3A_544 = tpu.memref_slice %arg7[%mul3A_397] : memref<1000000xi32, #tpu.memory_space<hbm>> -> memref<8000xi32, #tpu.memory_space<hbm>>
        %dma_start3A_545 = tpu.memref_slice %arg7[%mul3A_397] : memref<1000000xi32, #tpu.memory_space<hbm>> -> memref<8000xi32, #tpu.memory_space<hbm>>
        tpu.enqueue_dma source(%dma_start3A_545 : memref<8000xi32, #tpu.memory_space<hbm>>) target(%arg14 : memref<8000xi32, #tpu.memory_space<vmem>>) target_semaphore(%arg18 : memref<!tpu.dma_semaphore, #tpu.memory_space<semaphore_mem>>)
      } else {
      }
      %lt3A_297 = arith.constant 125 : i32
      %lt3A_298 = arith.cmpi slt, %add3A_285, %lt3A_297 : i32
      %convert_element_type3A_299 = arith.extui %lt3A_298 : i1 to i32
      %cond3A_300 = arith.constant 0 : i32
      %cond3A_301 = arith.cmpi ne, %convert_element_type3A_299, %cond3A_300 : i32
      scf.if %cond3A_301 {
        %mul3A_327 = arith.constant 32 : i32
        %mul3A_328 = arith.muli %add3A_282, %mul3A_327 : i32
        %add3A_329 = arith.addi %add3A, %mul3A_328 : i32
        %mul3A_330 = arith.constant 2000 : i32
        %mul3A_331 = arith.muli %add3A_329, %mul3A_330 : i32
        %add3A_332 = arith.constant 0 : i32
        %add3A_333 = arith.addi %add3A_332, %mul3A_331 : i32
        %mul3A_334 = arith.constant 2000 : i32
        %mul3A_335 = arith.muli %add3A_329, %mul3A_334 : i32
        %add3A_336 = arith.constant 250000 : i32
        %add3A_337 = arith.addi %add3A_336, %mul3A_335 : i32
        %mul3A_338 = arith.constant 2000 : i32
        %mul3A_339 = arith.muli %add3A_329, %mul3A_338 : i32
        %add3A_340 = arith.constant 500000 : i32
        %add3A_341 = arith.addi %add3A_340, %mul3A_339 : i32
        %mul3A_342 = arith.constant 2000 : i32
        %mul3A_343 = arith.muli %add3A_329, %mul3A_342 : i32
        %add3A_344 = arith.constant 750000 : i32
        %add3A_345 = arith.addi %add3A_344, %mul3A_343 : i32
        %mul3A_346 = arith.constant 2000 : i32
        %mul3A_347 = arith.muli %add3A_329, %mul3A_346 : i32
        %add3A_348 = arith.constant 0 : i32
        %add3A_349 = arith.addi %add3A_348, %mul3A_347 : i32
        %mul3A_350 = arith.constant 2000 : i32
        %mul3A_351 = arith.muli %add3A_329, %mul3A_350 : i32
        %add3A_352 = arith.constant 250000 : i32
        %add3A_353 = arith.addi %add3A_352, %mul3A_351 : i32
        %mul3A_354 = arith.constant 2000 : i32
        %mul3A_355 = arith.muli %add3A_329, %mul3A_354 : i32
        %add3A_356 = arith.constant 500000 : i32
        %add3A_357 = arith.addi %add3A_356, %mul3A_355 : i32
        %mul3A_358 = arith.constant 2000 : i32
        %mul3A_359 = arith.muli %add3A_329, %mul3A_358 : i32
        %add3A_360 = arith.constant 750000 : i32
        %add3A_361 = arith.addi %add3A_360, %mul3A_359 : i32
        %mul3A_362 = arith.constant 2000 : i32
        %mul3A_363 = arith.muli %add3A_329, %mul3A_362 : i32
        %add3A_364 = arith.constant 0 : i32
        %add3A_365 = arith.addi %add3A_364, %mul3A_363 : i32
        %mul3A_366 = arith.constant 2000 : i32
        %mul3A_367 = arith.muli %add3A_329, %mul3A_366 : i32
        %add3A_368 = arith.constant 250000 : i32
        %add3A_369 = arith.addi %add3A_368, %mul3A_367 : i32
        %mul3A_370 = arith.constant 2000 : i32
        %mul3A_371 = arith.muli %add3A_329, %mul3A_370 : i32
        %add3A_372 = arith.constant 500000 : i32
        %add3A_373 = arith.addi %add3A_372, %mul3A_371 : i32
        %mul3A_374 = arith.constant 2000 : i32
        %mul3A_375 = arith.muli %add3A_329, %mul3A_374 : i32
        %add3A_376 = arith.constant 750000 : i32
        %add3A_377 = arith.addi %add3A_376, %mul3A_375 : i32
        %mul3A_378 = arith.constant 2000 : i32
        %mul3A_379 = arith.muli %add3A_329, %mul3A_378 : i32
        %add3A_380 = arith.constant 0 : i32
        %add3A_381 = arith.addi %add3A_380, %mul3A_379 : i32
        %mul3A_382 = arith.constant 2000 : i32
        %mul3A_383 = arith.muli %add3A_329, %mul3A_382 : i32
        %add3A_384 = arith.constant 250000 : i32
        %add3A_385 = arith.addi %add3A_384, %mul3A_383 : i32
        %mul3A_386 = arith.constant 2000 : i32
        %mul3A_387 = arith.muli %add3A_329, %mul3A_386 : i32
        %add3A_388 = arith.constant 500000 : i32
        %add3A_389 = arith.addi %add3A_388, %mul3A_387 : i32
        %mul3A_390 = arith.constant 2000 : i32
        %mul3A_391 = arith.muli %add3A_329, %mul3A_390 : i32
        %add3A_392 = arith.constant 750000 : i32
        %add3A_393 = arith.addi %add3A_392, %mul3A_391 : i32
        %mul3A_394 = arith.constant 8000 : i32
        %mul3A_395 = arith.muli %add3A_329, %mul3A_394 : i32
        %mul3A_396 = arith.constant 8000 : i32
        %mul3A_397 = arith.muli %add3A_329, %mul3A_396 : i32
        %dma_wait3A = arith.constant 0 : i32
        %dma_wait3A_398 = arith.constant 0 : i32
        %dma_wait3A_399 = tpu.memref_slice %arg9[%dma_wait3A, %dma_wait3A_398] : memref<16x2004xf32, #tpu.memory_space<vmem>> -> memref<1x2000xf32, #tpu.memory_space<vmem>>
        %dma_wait3A_400 = tpu.memref_squeeze %dma_wait3A_399 : memref<1x2000xf32, #tpu.memory_space<vmem>> -> memref<2000xf32, #tpu.memory_space<vmem>>
        %dma_wait3A_401 = tpu.memref_slice %arg2[%add3A_333] : memref<1000000xf32, #tpu.memory_space<hbm>> -> memref<2000xf32, #tpu.memory_space<hbm>>
        %dma_wait3A_402 = arith.constant 0 : i32
        %dma_wait3A_403 = tpu.memref_slice %arg9[%dma_wait3A, %dma_wait3A_402] : memref<16x2004xf32, #tpu.memory_space<vmem>> -> memref<1x2000xf32, #tpu.memory_space<vmem>>
        %dma_wait3A_404 = tpu.memref_squeeze %dma_wait3A_403 : memref<1x2000xf32, #tpu.memory_space<vmem>> -> memref<2000xf32, #tpu.memory_space<vmem>>
        %dma_wait3A_405 = tpu.memref_slice %arg2[%add3A_333] : memref<1000000xf32, #tpu.memory_space<hbm>> -> memref<2000xf32, #tpu.memory_space<hbm>>
        tpu.wait_dma2 semaphore(%arg17 : memref<!tpu.dma_semaphore, #tpu.memory_space<semaphore_mem>>) src(%dma_wait3A_405 : memref<2000xf32, #tpu.memory_space<hbm>>) dst(%dma_wait3A_404 : memref<2000xf32, #tpu.memory_space<vmem>>)
        %dma_wait3A_406 = arith.constant 4 : i32
        %dma_wait3A_407 = arith.constant 0 : i32
        %dma_wait3A_408 = tpu.memref_slice %arg9[%dma_wait3A_406, %dma_wait3A_407] : memref<16x2004xf32, #tpu.memory_space<vmem>> -> memref<1x2000xf32, #tpu.memory_space<vmem>>
        %dma_wait3A_409 = tpu.memref_squeeze %dma_wait3A_408 : memref<1x2000xf32, #tpu.memory_space<vmem>> -> memref<2000xf32, #tpu.memory_space<vmem>>
        %dma_wait3A_410 = tpu.memref_slice %arg2[%add3A_337] : memref<1000000xf32, #tpu.memory_space<hbm>> -> memref<2000xf32, #tpu.memory_space<hbm>>
        %dma_wait3A_411 = arith.constant 0 : i32
        %dma_wait3A_412 = tpu.memref_slice %arg9[%dma_wait3A_406, %dma_wait3A_411] : memref<16x2004xf32, #tpu.memory_space<vmem>> -> memref<1x2000xf32, #tpu.memory_space<vmem>>
        %dma_wait3A_413 = tpu.memref_squeeze %dma_wait3A_412 : memref<1x2000xf32, #tpu.memory_space<vmem>> -> memref<2000xf32, #tpu.memory_space<vmem>>
        %dma_wait3A_414 = tpu.memref_slice %arg2[%add3A_337] : memref<1000000xf32, #tpu.memory_space<hbm>> -> memref<2000xf32, #tpu.memory_space<hbm>>
        tpu.wait_dma2 semaphore(%arg17 : memref<!tpu.dma_semaphore, #tpu.memory_space<semaphore_mem>>) src(%dma_wait3A_414 : memref<2000xf32, #tpu.memory_space<hbm>>) dst(%dma_wait3A_413 : memref<2000xf32, #tpu.memory_space<vmem>>)
        %dma_wait3A_415 = arith.constant 8 : i32
        %dma_wait3A_416 = arith.constant 0 : i32
        %dma_wait3A_417 = tpu.memref_slice %arg9[%dma_wait3A_415, %dma_wait3A_416] : memref<16x2004xf32, #tpu.memory_space<vmem>> -> memref<1x2000xf32, #tpu.memory_space<vmem>>
        %dma_wait3A_418 = tpu.memref_squeeze %dma_wait3A_417 : memref<1x2000xf32, #tpu.memory_space<vmem>> -> memref<2000xf32, #tpu.memory_space<vmem>>
        %dma_wait3A_419 = tpu.memref_slice %arg2[%add3A_341] : memref<1000000xf32, #tpu.memory_space<hbm>> -> memref<2000xf32, #tpu.memory_space<hbm>>
        %dma_wait3A_420 = arith.constant 0 : i32
        %dma_wait3A_421 = tpu.memref_slice %arg9[%dma_wait3A_415, %dma_wait3A_420] : memref<16x2004xf32, #tpu.memory_space<vmem>> -> memref<1x2000xf32, #tpu.memory_space<vmem>>
        %dma_wait3A_422 = tpu.memref_squeeze %dma_wait3A_421 : memref<1x2000xf32, #tpu.memory_space<vmem>> -> memref<2000xf32, #tpu.memory_space<vmem>>
        %dma_wait3A_423 = tpu.memref_slice %arg2[%add3A_341] : memref<1000000xf32, #tpu.memory_space<hbm>> -> memref<2000xf32, #tpu.memory_space<hbm>>
        tpu.wait_dma2 semaphore(%arg17 : memref<!tpu.dma_semaphore, #tpu.memory_space<semaphore_mem>>) src(%dma_wait3A_423 : memref<2000xf32, #tpu.memory_space<hbm>>) dst(%dma_wait3A_422 : memref<2000xf32, #tpu.memory_space<vmem>>)
        %dma_wait3A_424 = arith.constant 12 : i32
        %dma_wait3A_425 = arith.constant 0 : i32
        %dma_wait3A_426 = tpu.memref_slice %arg9[%dma_wait3A_424, %dma_wait3A_425] : memref<16x2004xf32, #tpu.memory_space<vmem>> -> memref<1x2000xf32, #tpu.memory_space<vmem>>
        %dma_wait3A_427 = tpu.memref_squeeze %dma_wait3A_426 : memref<1x2000xf32, #tpu.memory_space<vmem>> -> memref<2000xf32, #tpu.memory_space<vmem>>
        %dma_wait3A_428 = tpu.memref_slice %arg2[%add3A_345] : memref<1000000xf32, #tpu.memory_space<hbm>> -> memref<2000xf32, #tpu.memory_space<hbm>>
        %dma_wait3A_429 = arith.constant 0 : i32
        %dma_wait3A_430 = tpu.memref_slice %arg9[%dma_wait3A_424, %dma_wait3A_429] : memref<16x2004xf32, #tpu.memory_space<vmem>> -> memref<1x2000xf32, #tpu.memory_space<vmem>>
        %dma_wait3A_431 = tpu.memref_squeeze %dma_wait3A_430 : memref<1x2000xf32, #tpu.memory_space<vmem>> -> memref<2000xf32, #tpu.memory_space<vmem>>
        %dma_wait3A_432 = tpu.memref_slice %arg2[%add3A_345] : memref<1000000xf32, #tpu.memory_space<hbm>> -> memref<2000xf32, #tpu.memory_space<hbm>>
        tpu.wait_dma2 semaphore(%arg17 : memref<!tpu.dma_semaphore, #tpu.memory_space<semaphore_mem>>) src(%dma_wait3A_432 : memref<2000xf32, #tpu.memory_space<hbm>>) dst(%dma_wait3A_431 : memref<2000xf32, #tpu.memory_space<vmem>>)
        %dma_wait3A_433 = arith.constant 1 : i32
        %dma_wait3A_434 = arith.constant 0 : i32
        %dma_wait3A_435 = tpu.memref_slice %arg9[%dma_wait3A_433, %dma_wait3A_434] : memref<16x2004xf32, #tpu.memory_space<vmem>> -> memref<1x2000xf32, #tpu.memory_space<vmem>>
        %dma_wait3A_436 = tpu.memref_squeeze %dma_wait3A_435 : memref<1x2000xf32, #tpu.memory_space<vmem>> -> memref<2000xf32, #tpu.memory_space<vmem>>
        %dma_wait3A_437 = tpu.memref_slice %arg3[%add3A_349] : memref<1000000xf32, #tpu.memory_space<hbm>> -> memref<2000xf32, #tpu.memory_space<hbm>>
        %dma_wait3A_438 = arith.constant 0 : i32
        %dma_wait3A_439 = tpu.memref_slice %arg9[%dma_wait3A_433, %dma_wait3A_438] : memref<16x2004xf32, #tpu.memory_space<vmem>> -> memref<1x2000xf32, #tpu.memory_space<vmem>>
        %dma_wait3A_440 = tpu.memref_squeeze %dma_wait3A_439 : memref<1x2000xf32, #tpu.memory_space<vmem>> -> memref<2000xf32, #tpu.memory_space<vmem>>
        %dma_wait3A_441 = tpu.memref_slice %arg3[%add3A_349] : memref<1000000xf32, #tpu.memory_space<hbm>> -> memref<2000xf32, #tpu.memory_space<hbm>>
        tpu.wait_dma2 semaphore(%arg17 : memref<!tpu.dma_semaphore, #tpu.memory_space<semaphore_mem>>) src(%dma_wait3A_441 : memref<2000xf32, #tpu.memory_space<hbm>>) dst(%dma_wait3A_440 : memref<2000xf32, #tpu.memory_space<vmem>>)
        %dma_wait3A_442 = arith.constant 5 : i32
        %dma_wait3A_443 = arith.constant 0 : i32
        %dma_wait3A_444 = tpu.memref_slice %arg9[%dma_wait3A_442, %dma_wait3A_443] : memref<16x2004xf32, #tpu.memory_space<vmem>> -> memref<1x2000xf32, #tpu.memory_space<vmem>>
        %dma_wait3A_445 = tpu.memref_squeeze %dma_wait3A_444 : memref<1x2000xf32, #tpu.memory_space<vmem>> -> memref<2000xf32, #tpu.memory_space<vmem>>
        %dma_wait3A_446 = tpu.memref_slice %arg3[%add3A_353] : memref<1000000xf32, #tpu.memory_space<hbm>> -> memref<2000xf32, #tpu.memory_space<hbm>>
        %dma_wait3A_447 = arith.constant 0 : i32
        %dma_wait3A_448 = tpu.memref_slice %arg9[%dma_wait3A_442, %dma_wait3A_447] : memref<16x2004xf32, #tpu.memory_space<vmem>> -> memref<1x2000xf32, #tpu.memory_space<vmem>>
        %dma_wait3A_449 = tpu.memref_squeeze %dma_wait3A_448 : memref<1x2000xf32, #tpu.memory_space<vmem>> -> memref<2000xf32, #tpu.memory_space<vmem>>
        %dma_wait3A_450 = tpu.memref_slice %arg3[%add3A_353] : memref<1000000xf32, #tpu.memory_space<hbm>> -> memref<2000xf32, #tpu.memory_space<hbm>>
        tpu.wait_dma2 semaphore(%arg17 : memref<!tpu.dma_semaphore, #tpu.memory_space<semaphore_mem>>) src(%dma_wait3A_450 : memref<2000xf32, #tpu.memory_space<hbm>>) dst(%dma_wait3A_449 : memref<2000xf32, #tpu.memory_space<vmem>>)
        %dma_wait3A_451 = arith.constant 9 : i32
        %dma_wait3A_452 = arith.constant 0 : i32
        %dma_wait3A_453 = tpu.memref_slice %arg9[%dma_wait3A_451, %dma_wait3A_452] : memref<16x2004xf32, #tpu.memory_space<vmem>> -> memref<1x2000xf32, #tpu.memory_space<vmem>>
        %dma_wait3A_454 = tpu.memref_squeeze %dma_wait3A_453 : memref<1x2000xf32, #tpu.memory_space<vmem>> -> memref<2000xf32, #tpu.memory_space<vmem>>
        %dma_wait3A_455 = tpu.memref_slice %arg3[%add3A_357] : memref<1000000xf32, #tpu.memory_space<hbm>> -> memref<2000xf32, #tpu.memory_space<hbm>>
        %dma_wait3A_456 = arith.constant 0 : i32
        %dma_wait3A_457 = tpu.memref_slice %arg9[%dma_wait3A_451, %dma_wait3A_456] : memref<16x2004xf32, #tpu.memory_space<vmem>> -> memref<1x2000xf32, #tpu.memory_space<vmem>>
        %dma_wait3A_458 = tpu.memref_squeeze %dma_wait3A_457 : memref<1x2000xf32, #tpu.memory_space<vmem>> -> memref<2000xf32, #tpu.memory_space<vmem>>
        %dma_wait3A_459 = tpu.memref_slice %arg3[%add3A_357] : memref<1000000xf32, #tpu.memory_space<hbm>> -> memref<2000xf32, #tpu.memory_space<hbm>>
        tpu.wait_dma2 semaphore(%arg17 : memref<!tpu.dma_semaphore, #tpu.memory_space<semaphore_mem>>) src(%dma_wait3A_459 : memref<2000xf32, #tpu.memory_space<hbm>>) dst(%dma_wait3A_458 : memref<2000xf32, #tpu.memory_space<vmem>>)
        %dma_wait3A_460 = arith.constant 13 : i32
        %dma_wait3A_461 = arith.constant 0 : i32
        %dma_wait3A_462 = tpu.memref_slice %arg9[%dma_wait3A_460, %dma_wait3A_461] : memref<16x2004xf32, #tpu.memory_space<vmem>> -> memref<1x2000xf32, #tpu.memory_space<vmem>>
        %dma_wait3A_463 = tpu.memref_squeeze %dma_wait3A_462 : memref<1x2000xf32, #tpu.memory_space<vmem>> -> memref<2000xf32, #tpu.memory_space<vmem>>
        %dma_wait3A_464 = tpu.memref_slice %arg3[%add3A_361] : memref<1000000xf32, #tpu.memory_space<hbm>> -> memref<2000xf32, #tpu.memory_space<hbm>>
        %dma_wait3A_465 = arith.constant 0 : i32
        %dma_wait3A_466 = tpu.memref_slice %arg9[%dma_wait3A_460, %dma_wait3A_465] : memref<16x2004xf32, #tpu.memory_space<vmem>> -> memref<1x2000xf32, #tpu.memory_space<vmem>>
        %dma_wait3A_467 = tpu.memref_squeeze %dma_wait3A_466 : memref<1x2000xf32, #tpu.memory_space<vmem>> -> memref<2000xf32, #tpu.memory_space<vmem>>
        %dma_wait3A_468 = tpu.memref_slice %arg3[%add3A_361] : memref<1000000xf32, #tpu.memory_space<hbm>> -> memref<2000xf32, #tpu.memory_space<hbm>>
        tpu.wait_dma2 semaphore(%arg17 : memref<!tpu.dma_semaphore, #tpu.memory_space<semaphore_mem>>) src(%dma_wait3A_468 : memref<2000xf32, #tpu.memory_space<hbm>>) dst(%dma_wait3A_467 : memref<2000xf32, #tpu.memory_space<vmem>>)
        %dma_wait3A_469 = arith.constant 2 : i32
        %dma_wait3A_470 = arith.constant 0 : i32
        %dma_wait3A_471 = tpu.memref_slice %arg9[%dma_wait3A_469, %dma_wait3A_470] : memref<16x2004xf32, #tpu.memory_space<vmem>> -> memref<1x2000xf32, #tpu.memory_space<vmem>>
        %dma_wait3A_472 = tpu.memref_squeeze %dma_wait3A_471 : memref<1x2000xf32, #tpu.memory_space<vmem>> -> memref<2000xf32, #tpu.memory_space<vmem>>
        %dma_wait3A_473 = tpu.memref_slice %arg4[%add3A_365] : memref<1000000xf32, #tpu.memory_space<hbm>> -> memref<2000xf32, #tpu.memory_space<hbm>>
        %dma_wait3A_474 = arith.constant 0 : i32
        %dma_wait3A_475 = tpu.memref_slice %arg9[%dma_wait3A_469, %dma_wait3A_474] : memref<16x2004xf32, #tpu.memory_space<vmem>> -> memref<1x2000xf32, #tpu.memory_space<vmem>>
        %dma_wait3A_476 = tpu.memref_squeeze %dma_wait3A_475 : memref<1x2000xf32, #tpu.memory_space<vmem>> -> memref<2000xf32, #tpu.memory_space<vmem>>
        %dma_wait3A_477 = tpu.memref_slice %arg4[%add3A_365] : memref<1000000xf32, #tpu.memory_space<hbm>> -> memref<2000xf32, #tpu.memory_space<hbm>>
        tpu.wait_dma2 semaphore(%arg17 : memref<!tpu.dma_semaphore, #tpu.memory_space<semaphore_mem>>) src(%dma_wait3A_477 : memref<2000xf32, #tpu.memory_space<hbm>>) dst(%dma_wait3A_476 : memref<2000xf32, #tpu.memory_space<vmem>>)
        %dma_wait3A_478 = arith.constant 6 : i32
        %dma_wait3A_479 = arith.constant 0 : i32
        %dma_wait3A_480 = tpu.memref_slice %arg9[%dma_wait3A_478, %dma_wait3A_479] : memref<16x2004xf32, #tpu.memory_space<vmem>> -> memref<1x2000xf32, #tpu.memory_space<vmem>>
        %dma_wait3A_481 = tpu.memref_squeeze %dma_wait3A_480 : memref<1x2000xf32, #tpu.memory_space<vmem>> -> memref<2000xf32, #tpu.memory_space<vmem>>
        %dma_wait3A_482 = tpu.memref_slice %arg4[%add3A_369] : memref<1000000xf32, #tpu.memory_space<hbm>> -> memref<2000xf32, #tpu.memory_space<hbm>>
        %dma_wait3A_483 = arith.constant 0 : i32
        %dma_wait3A_484 = tpu.memref_slice %arg9[%dma_wait3A_478, %dma_wait3A_483] : memref<16x2004xf32, #tpu.memory_space<vmem>> -> memref<1x2000xf32, #tpu.memory_space<vmem>>
        %dma_wait3A_485 = tpu.memref_squeeze %dma_wait3A_484 : memref<1x2000xf32, #tpu.memory_space<vmem>> -> memref<2000xf32, #tpu.memory_space<vmem>>
        %dma_wait3A_486 = tpu.memref_slice %arg4[%add3A_369] : memref<1000000xf32, #tpu.memory_space<hbm>> -> memref<2000xf32, #tpu.memory_space<hbm>>
        tpu.wait_dma2 semaphore(%arg17 : memref<!tpu.dma_semaphore, #tpu.memory_space<semaphore_mem>>) src(%dma_wait3A_486 : memref<2000xf32, #tpu.memory_space<hbm>>) dst(%dma_wait3A_485 : memref<2000xf32, #tpu.memory_space<vmem>>)
        %dma_wait3A_487 = arith.constant 10 : i32
        %dma_wait3A_488 = arith.constant 0 : i32
        %dma_wait3A_489 = tpu.memref_slice %arg9[%dma_wait3A_487, %dma_wait3A_488] : memref<16x2004xf32, #tpu.memory_space<vmem>> -> memref<1x2000xf32, #tpu.memory_space<vmem>>
        %dma_wait3A_490 = tpu.memref_squeeze %dma_wait3A_489 : memref<1x2000xf32, #tpu.memory_space<vmem>> -> memref<2000xf32, #tpu.memory_space<vmem>>
        %dma_wait3A_491 = tpu.memref_slice %arg4[%add3A_373] : memref<1000000xf32, #tpu.memory_space<hbm>> -> memref<2000xf32, #tpu.memory_space<hbm>>
        %dma_wait3A_492 = arith.constant 0 : i32
        %dma_wait3A_493 = tpu.memref_slice %arg9[%dma_wait3A_487, %dma_wait3A_492] : memref<16x2004xf32, #tpu.memory_space<vmem>> -> memref<1x2000xf32, #tpu.memory_space<vmem>>
        %dma_wait3A_494 = tpu.memref_squeeze %dma_wait3A_493 : memref<1x2000xf32, #tpu.memory_space<vmem>> -> memref<2000xf32, #tpu.memory_space<vmem>>
        %dma_wait3A_495 = tpu.memref_slice %arg4[%add3A_373] : memref<1000000xf32, #tpu.memory_space<hbm>> -> memref<2000xf32, #tpu.memory_space<hbm>>
        tpu.wait_dma2 semaphore(%arg17 : memref<!tpu.dma_semaphore, #tpu.memory_space<semaphore_mem>>) src(%dma_wait3A_495 : memref<2000xf32, #tpu.memory_space<hbm>>) dst(%dma_wait3A_494 : memref<2000xf32, #tpu.memory_space<vmem>>)
        %dma_wait3A_496 = arith.constant 14 : i32
        %dma_wait3A_497 = arith.constant 0 : i32
        %dma_wait3A_498 = tpu.memref_slice %arg9[%dma_wait3A_496, %dma_wait3A_497] : memref<16x2004xf32, #tpu.memory_space<vmem>> -> memref<1x2000xf32, #tpu.memory_space<vmem>>
        %dma_wait3A_499 = tpu.memref_squeeze %dma_wait3A_498 : memref<1x2000xf32, #tpu.memory_space<vmem>> -> memref<2000xf32, #tpu.memory_space<vmem>>
        %dma_wait3A_500 = tpu.memref_slice %arg4[%add3A_377] : memref<1000000xf32, #tpu.memory_space<hbm>> -> memref<2000xf32, #tpu.memory_space<hbm>>
        %dma_wait3A_501 = arith.constant 0 : i32
        %dma_wait3A_502 = tpu.memref_slice %arg9[%dma_wait3A_496, %dma_wait3A_501] : memref<16x2004xf32, #tpu.memory_space<vmem>> -> memref<1x2000xf32, #tpu.memory_space<vmem>>
        %dma_wait3A_503 = tpu.memref_squeeze %dma_wait3A_502 : memref<1x2000xf32, #tpu.memory_space<vmem>> -> memref<2000xf32, #tpu.memory_space<vmem>>
        %dma_wait3A_504 = tpu.memref_slice %arg4[%add3A_377] : memref<1000000xf32, #tpu.memory_space<hbm>> -> memref<2000xf32, #tpu.memory_space<hbm>>
        tpu.wait_dma2 semaphore(%arg17 : memref<!tpu.dma_semaphore, #tpu.memory_space<semaphore_mem>>) src(%dma_wait3A_504 : memref<2000xf32, #tpu.memory_space<hbm>>) dst(%dma_wait3A_503 : memref<2000xf32, #tpu.memory_space<vmem>>)
        %dma_wait3A_505 = arith.constant 3 : i32
        %dma_wait3A_506 = arith.constant 0 : i32
        %dma_wait3A_507 = tpu.memref_slice %arg9[%dma_wait3A_505, %dma_wait3A_506] : memref<16x2004xf32, #tpu.memory_space<vmem>> -> memref<1x2000xf32, #tpu.memory_space<vmem>>
        %dma_wait3A_508 = tpu.memref_squeeze %dma_wait3A_507 : memref<1x2000xf32, #tpu.memory_space<vmem>> -> memref<2000xf32, #tpu.memory_space<vmem>>
        %dma_wait3A_509 = tpu.memref_slice %arg5[%add3A_381] : memref<1000000xf32, #tpu.memory_space<hbm>> -> memref<2000xf32, #tpu.memory_space<hbm>>
        %dma_wait3A_510 = arith.constant 0 : i32
        %dma_wait3A_511 = tpu.memref_slice %arg9[%dma_wait3A_505, %dma_wait3A_510] : memref<16x2004xf32, #tpu.memory_space<vmem>> -> memref<1x2000xf32, #tpu.memory_space<vmem>>
        %dma_wait3A_512 = tpu.memref_squeeze %dma_wait3A_511 : memref<1x2000xf32, #tpu.memory_space<vmem>> -> memref<2000xf32, #tpu.memory_space<vmem>>
        %dma_wait3A_513 = tpu.memref_slice %arg5[%add3A_381] : memref<1000000xf32, #tpu.memory_space<hbm>> -> memref<2000xf32, #tpu.memory_space<hbm>>
        tpu.wait_dma2 semaphore(%arg17 : memref<!tpu.dma_semaphore, #tpu.memory_space<semaphore_mem>>) src(%dma_wait3A_513 : memref<2000xf32, #tpu.memory_space<hbm>>) dst(%dma_wait3A_512 : memref<2000xf32, #tpu.memory_space<vmem>>)
        %dma_wait3A_514 = arith.constant 7 : i32
        %dma_wait3A_515 = arith.constant 0 : i32
        %dma_wait3A_516 = tpu.memref_slice %arg9[%dma_wait3A_514, %dma_wait3A_515] : memref<16x2004xf32, #tpu.memory_space<vmem>> -> memref<1x2000xf32, #tpu.memory_space<vmem>>
        %dma_wait3A_517 = tpu.memref_squeeze %dma_wait3A_516 : memref<1x2000xf32, #tpu.memory_space<vmem>> -> memref<2000xf32, #tpu.memory_space<vmem>>
        %dma_wait3A_518 = tpu.memref_slice %arg5[%add3A_385] : memref<1000000xf32, #tpu.memory_space<hbm>> -> memref<2000xf32, #tpu.memory_space<hbm>>
        %dma_wait3A_519 = arith.constant 0 : i32
        %dma_wait3A_520 = tpu.memref_slice %arg9[%dma_wait3A_514, %dma_wait3A_519] : memref<16x2004xf32, #tpu.memory_space<vmem>> -> memref<1x2000xf32, #tpu.memory_space<vmem>>
        %dma_wait3A_521 = tpu.memref_squeeze %dma_wait3A_520 : memref<1x2000xf32, #tpu.memory_space<vmem>> -> memref<2000xf32, #tpu.memory_space<vmem>>
        %dma_wait3A_522 = tpu.memref_slice %arg5[%add3A_385] : memref<1000000xf32, #tpu.memory_space<hbm>> -> memref<2000xf32, #tpu.memory_space<hbm>>
        tpu.wait_dma2 semaphore(%arg17 : memref<!tpu.dma_semaphore, #tpu.memory_space<semaphore_mem>>) src(%dma_wait3A_522 : memref<2000xf32, #tpu.memory_space<hbm>>) dst(%dma_wait3A_521 : memref<2000xf32, #tpu.memory_space<vmem>>)
        %dma_wait3A_523 = arith.constant 11 : i32
        %dma_wait3A_524 = arith.constant 0 : i32
        %dma_wait3A_525 = tpu.memref_slice %arg9[%dma_wait3A_523, %dma_wait3A_524] : memref<16x2004xf32, #tpu.memory_space<vmem>> -> memref<1x2000xf32, #tpu.memory_space<vmem>>
        %dma_wait3A_526 = tpu.memref_squeeze %dma_wait3A_525 : memref<1x2000xf32, #tpu.memory_space<vmem>> -> memref<2000xf32, #tpu.memory_space<vmem>>
        %dma_wait3A_527 = tpu.memref_slice %arg5[%add3A_389] : memref<1000000xf32, #tpu.memory_space<hbm>> -> memref<2000xf32, #tpu.memory_space<hbm>>
        %dma_wait3A_528 = arith.constant 0 : i32
        %dma_wait3A_529 = tpu.memref_slice %arg9[%dma_wait3A_523, %dma_wait3A_528] : memref<16x2004xf32, #tpu.memory_space<vmem>> -> memref<1x2000xf32, #tpu.memory_space<vmem>>
        %dma_wait3A_530 = tpu.memref_squeeze %dma_wait3A_529 : memref<1x2000xf32, #tpu.memory_space<vmem>> -> memref<2000xf32, #tpu.memory_space<vmem>>
        %dma_wait3A_531 = tpu.memref_slice %arg5[%add3A_389] : memref<1000000xf32, #tpu.memory_space<hbm>> -> memref<2000xf32, #tpu.memory_space<hbm>>
        tpu.wait_dma2 semaphore(%arg17 : memref<!tpu.dma_semaphore, #tpu.memory_space<semaphore_mem>>) src(%dma_wait3A_531 : memref<2000xf32, #tpu.memory_space<hbm>>) dst(%dma_wait3A_530 : memref<2000xf32, #tpu.memory_space<vmem>>)
        %dma_wait3A_532 = arith.constant 15 : i32
        %dma_wait3A_533 = arith.constant 0 : i32
        %dma_wait3A_534 = tpu.memref_slice %arg9[%dma_wait3A_532, %dma_wait3A_533] : memref<16x2004xf32, #tpu.memory_space<vmem>> -> memref<1x2000xf32, #tpu.memory_space<vmem>>
        %dma_wait3A_535 = tpu.memref_squeeze %dma_wait3A_534 : memref<1x2000xf32, #tpu.memory_space<vmem>> -> memref<2000xf32, #tpu.memory_space<vmem>>
        %dma_wait3A_536 = tpu.memref_slice %arg5[%add3A_393] : memref<1000000xf32, #tpu.memory_space<hbm>> -> memref<2000xf32, #tpu.memory_space<hbm>>
        %dma_wait3A_537 = arith.constant 0 : i32
        %dma_wait3A_538 = tpu.memref_slice %arg9[%dma_wait3A_532, %dma_wait3A_537] : memref<16x2004xf32, #tpu.memory_space<vmem>> -> memref<1x2000xf32, #tpu.memory_space<vmem>>
        %dma_wait3A_539 = tpu.memref_squeeze %dma_wait3A_538 : memref<1x2000xf32, #tpu.memory_space<vmem>> -> memref<2000xf32, #tpu.memory_space<vmem>>
        %dma_wait3A_540 = tpu.memref_slice %arg5[%add3A_393] : memref<1000000xf32, #tpu.memory_space<hbm>> -> memref<2000xf32, #tpu.memory_space<hbm>>
        tpu.wait_dma2 semaphore(%arg17 : memref<!tpu.dma_semaphore, #tpu.memory_space<semaphore_mem>>) src(%dma_wait3A_540 : memref<2000xf32, #tpu.memory_space<hbm>>) dst(%dma_wait3A_539 : memref<2000xf32, #tpu.memory_space<vmem>>)
        %dma_wait3A_541 = tpu.memref_slice %arg6[%mul3A_395] : memref<1000000xf32, #tpu.memory_space<hbm>> -> memref<8000xf32, #tpu.memory_space<hbm>>
        %dma_wait3A_542 = tpu.memref_slice %arg6[%mul3A_395] : memref<1000000xf32, #tpu.memory_space<hbm>> -> memref<8000xf32, #tpu.memory_space<hbm>>
        tpu.wait_dma2 semaphore(%arg17 : memref<!tpu.dma_semaphore, #tpu.memory_space<semaphore_mem>>) src(%dma_wait3A_542 : memref<8000xf32, #tpu.memory_space<hbm>>) dst(%arg11 : memref<8000xf32, #tpu.memory_space<vmem>>)
        %dma_wait3A_543 = tpu.memref_slice %arg7[%mul3A_397] : memref<1000000xi32, #tpu.memory_space<hbm>> -> memref<8000xi32, #tpu.memory_space<hbm>>
        %dma_wait3A_544 = tpu.memref_slice %arg7[%mul3A_397] : memref<1000000xi32, #tpu.memory_space<hbm>> -> memref<8000xi32, #tpu.memory_space<hbm>>
        tpu.wait_dma2 semaphore(%arg17 : memref<!tpu.dma_semaphore, #tpu.memory_space<semaphore_mem>>) src(%dma_wait3A_544 : memref<8000xi32, #tpu.memory_space<hbm>>) dst(%arg13 : memref<8000xi32, #tpu.memory_space<vmem>>)
        %parallel_loop3A_545 = arith.constant 0 : i32
        %parallel_loop3A_546 = arith.constant 500 : i32
        %parallel_loop3A_547 = arith.constant 1 : i32
        scf.for %parallel_loop3A_548 = %parallel_loop3A_545 to %parallel_loop3A_546 step %parallel_loop3A_547  : i32 {
          %parallel_loop3A_549 = arith.constant 4 : i32
          %parallel_loop3A_550 = arith.muli %parallel_loop3A_548, %parallel_loop3A_549 : i32
          %parallel_loop3A_551 = vector.broadcast %parallel_loop3A_550 : i32 to vector<16xi32>
          %parallel_loop3A_552 = arith.addi %select_n3A_43, %parallel_loop3A_551 : vector<16xi32>
          %parallel_loop3A_553 = tpu.vector_load_idx %arg9[%select_n3A_15, %parallel_loop3A_552] : memref<16x2004xf32, #tpu.memory_space<vmem>>[vector<16xi32>, vector<16xi32>], vector<16xf32>,
          %parallel_loop3A_554 = arith.constant 4 : i32
          %parallel_loop3A_555 = vector.broadcast %parallel_loop3A_554 : i32 to vector<16xi32>
          %parallel_loop3A_556 = arith.addi %select_n3A_15, %parallel_loop3A_555 : vector<16xi32>
          %parallel_loop3A_557 = tpu.vector_load_idx %arg9[%parallel_loop3A_556, %parallel_loop3A_552] : memref<16x2004xf32, #tpu.memory_space<vmem>>[vector<16xi32>, vector<16xi32>], vector<16xf32>,
          %parallel_loop3A_558 = arith.addf %parallel_loop3A_553, %parallel_loop3A_557 : vector<16xf32>
          %parallel_loop3A_559 = arith.constant 8 : i32
          %parallel_loop3A_560 = vector.broadcast %parallel_loop3A_559 : i32 to vector<16xi32>
          %parallel_loop3A_561 = arith.addi %select_n3A_15, %parallel_loop3A_560 : vector<16xi32>
          %parallel_loop3A_562 = tpu.vector_load_idx %arg9[%parallel_loop3A_561, %parallel_loop3A_552] : memref<16x2004xf32, #tpu.memory_space<vmem>>[vector<16xi32>, vector<16xi32>], vector<16xf32>,
          %parallel_loop3A_563 = arith.addf %parallel_loop3A_558, %parallel_loop3A_562 : vector<16xf32>
          %parallel_loop3A_564 = arith.constant 12 : i32
          %parallel_loop3A_565 = vector.broadcast %parallel_loop3A_564 : i32 to vector<16xi32>
          %parallel_loop3A_566 = arith.addi %select_n3A_15, %parallel_loop3A_565 : vector<16xi32>
          %parallel_loop3A_567 = tpu.vector_load_idx %arg9[%parallel_loop3A_566, %parallel_loop3A_552] : memref<16x2004xf32, #tpu.memory_space<vmem>>[vector<16xi32>, vector<16xi32>], vector<16xf32>,
          %parallel_loop3A_568 = arith.addf %parallel_loop3A_563, %parallel_loop3A_567 : vector<16xf32>
          %parallel_loop3A_569 = arith.constant 16 : i32
          %parallel_loop3A_570 = arith.muli %parallel_loop3A_548, %parallel_loop3A_569 : i32
          %parallel_loop3A_571 = arith.index_cast %parallel_loop3A_570 : i32 to index
          %parallel_loop3A_572 = tpu.vector_load %arg11[%parallel_loop3A_571] {strides = array<i32>} : memref<8000xf32, #tpu.memory_space<vmem>>, vector<16xf32>,
          %parallel_loop3A_573 = arith.constant 16 : i32
          %parallel_loop3A_574 = arith.muli %parallel_loop3A_548, %parallel_loop3A_573 : i32
          %parallel_loop3A_575 = arith.index_cast %parallel_loop3A_574 : i32 to index
          %parallel_loop3A_576 = tpu.vector_load %arg13[%parallel_loop3A_575] {strides = array<i32>} : memref<8000xi32, #tpu.memory_space<vmem>>, vector<16xi32>,
          %parallel_loop3A_577 = arith.addi %mul3A_46, %parallel_loop3A_576 : vector<16xi32>
          %parallel_loop3A_578 = arith.mulf %parallel_loop3A_572, %parallel_loop3A_568 : vector<16xf32>
          tpu.vector_store_idx %arg15[%parallel_loop3A_577], %parallel_loop3A_578 {add = true} : memref<4112xf32, #tpu.memory_space<vmem>>[vector<16xi32>], vector<16xf32>,
        } {sc.loop_unroll_factor = 10 : i64, sc.parallel_access}
      } else {
      }
      %mul3A_302 = arith.constant 2 : i32
      %mul3A_303 = arith.muli %scan3A_278, %mul3A_302 : i32
      %add3A_304 = arith.constant 1 : i32
      %add3A_305 = arith.addi %mul3A_303, %add3A_304 : i32
      %mul3A_306 = arith.constant 32 : i32
      %mul3A_307 = arith.muli %add3A_305, %mul3A_306 : i32
      %add3A_308 = arith.addi %add3A, %mul3A_307 : i32
      %add3A_309 = arith.constant 1 : i32
      %add3A_310 = arith.addi %add3A_305, %add3A_309 : i32
      %mul3A_311 = arith.constant 32 : i32
      %mul3A_312 = arith.muli %add3A_310, %mul3A_311 : i32
      %add3A_313 = arith.addi %add3A, %mul3A_312 : i32
      %lt3A_314 = arith.constant 125 : i32
      %lt3A_315 = arith.cmpi slt, %add3A_313, %lt3A_314 : i32
      %lt3A_316 = arith.constant 4 : i32
      %lt3A_317 = arith.cmpi slt, %add3A_310, %lt3A_316 : i32
      %and3A_318 = arith.andi %lt3A_315, %lt3A_317 : i1
      %convert_element_type3A_319 = arith.extui %and3A_318 : i1 to i32
      %cond3A_320 = arith.constant 0 : i32
      %cond3A_321 = arith.cmpi ne, %convert_element_type3A_319, %cond3A_320 : i32
      scf.if %cond3A_321 {
        %mul3A_327 = arith.constant 32 : i32
        %mul3A_328 = arith.muli %add3A_310, %mul3A_327 : i32
        %add3A_329 = arith.addi %add3A, %mul3A_328 : i32
        %mul3A_330 = arith.constant 2000 : i32
        %mul3A_331 = arith.muli %add3A_329, %mul3A_330 : i32
        %add3A_332 = arith.constant 0 : i32
        %add3A_333 = arith.addi %add3A_332, %mul3A_331 : i32
        %mul3A_334 = arith.constant 2000 : i32
        %mul3A_335 = arith.muli %add3A_329, %mul3A_334 : i32
        %add3A_336 = arith.constant 250000 : i32
        %add3A_337 = arith.addi %add3A_336, %mul3A_335 : i32
        %mul3A_338 = arith.constant 2000 : i32
        %mul3A_339 = arith.muli %add3A_329, %mul3A_338 : i32
        %add3A_340 = arith.constant 500000 : i32
        %add3A_341 = arith.addi %add3A_340, %mul3A_339 : i32
        %mul3A_342 = arith.constant 2000 : i32
        %mul3A_343 = arith.muli %add3A_329, %mul3A_342 : i32
        %add3A_344 = arith.constant 750000 : i32
        %add3A_345 = arith.addi %add3A_344, %mul3A_343 : i32
        %mul3A_346 = arith.constant 2000 : i32
        %mul3A_347 = arith.muli %add3A_329, %mul3A_346 : i32
        %add3A_348 = arith.constant 0 : i32
        %add3A_349 = arith.addi %add3A_348, %mul3A_347 : i32
        %mul3A_350 = arith.constant 2000 : i32
        %mul3A_351 = arith.muli %add3A_329, %mul3A_350 : i32
        %add3A_352 = arith.constant 250000 : i32
        %add3A_353 = arith.addi %add3A_352, %mul3A_351 : i32
        %mul3A_354 = arith.constant 2000 : i32
        %mul3A_355 = arith.muli %add3A_329, %mul3A_354 : i32
        %add3A_356 = arith.constant 500000 : i32
        %add3A_357 = arith.addi %add3A_356, %mul3A_355 : i32
        %mul3A_358 = arith.constant 2000 : i32
        %mul3A_359 = arith.muli %add3A_329, %mul3A_358 : i32
        %add3A_360 = arith.constant 750000 : i32
        %add3A_361 = arith.addi %add3A_360, %mul3A_359 : i32
        %mul3A_362 = arith.constant 2000 : i32
        %mul3A_363 = arith.muli %add3A_329, %mul3A_362 : i32
        %add3A_364 = arith.constant 0 : i32
        %add3A_365 = arith.addi %add3A_364, %mul3A_363 : i32
        %mul3A_366 = arith.constant 2000 : i32
        %mul3A_367 = arith.muli %add3A_329, %mul3A_366 : i32
        %add3A_368 = arith.constant 250000 : i32
        %add3A_369 = arith.addi %add3A_368, %mul3A_367 : i32
        %mul3A_370 = arith.constant 2000 : i32
        %mul3A_371 = arith.muli %add3A_329, %mul3A_370 : i32
        %add3A_372 = arith.constant 500000 : i32
        %add3A_373 = arith.addi %add3A_372, %mul3A_371 : i32
        %mul3A_374 = arith.constant 2000 : i32
        %mul3A_375 = arith.muli %add3A_329, %mul3A_374 : i32
        %add3A_376 = arith.constant 750000 : i32
        %add3A_377 = arith.addi %add3A_376, %mul3A_375 : i32
        %mul3A_378 = arith.constant 2000 : i32
        %mul3A_379 = arith.muli %add3A_329, %mul3A_378 : i32
        %add3A_380 = arith.constant 0 : i32
        %add3A_381 = arith.addi %add3A_380, %mul3A_379 : i32
        %mul3A_382 = arith.constant 2000 : i32
        %mul3A_383 = arith.muli %add3A_329, %mul3A_382 : i32
        %add3A_384 = arith.constant 250000 : i32
        %add3A_385 = arith.addi %add3A_384, %mul3A_383 : i32
        %mul3A_386 = arith.constant 2000 : i32
        %mul3A_387 = arith.muli %add3A_329, %mul3A_386 : i32
        %add3A_388 = arith.constant 500000 : i32
        %add3A_389 = arith.addi %add3A_388, %mul3A_387 : i32
        %mul3A_390 = arith.constant 2000 : i32
        %mul3A_391 = arith.muli %add3A_329, %mul3A_390 : i32
        %add3A_392 = arith.constant 750000 : i32
        %add3A_393 = arith.addi %add3A_392, %mul3A_391 : i32
        %mul3A_394 = arith.constant 8000 : i32
        %mul3A_395 = arith.muli %add3A_329, %mul3A_394 : i32
        %mul3A_396 = arith.constant 8000 : i32
        %mul3A_397 = arith.muli %add3A_329, %mul3A_396 : i32
        %dma_start3A_398 = arith.constant 0 : i32
        %dma_start3A_399 = arith.constant 0 : i32
        %dma_start3A_400 = tpu.memref_slice %arg9[%dma_start3A_398, %dma_start3A_399] : memref<16x2004xf32, #tpu.memory_space<vmem>> -> memref<1x2000xf32, #tpu.memory_space<vmem>>
        %dma_start3A_401 = tpu.memref_squeeze %dma_start3A_400 : memref<1x2000xf32, #tpu.memory_space<vmem>> -> memref<2000xf32, #tpu.memory_space<vmem>>
        %dma_start3A_402 = tpu.memref_slice %arg2[%add3A_333] : memref<1000000xf32, #tpu.memory_space<hbm>> -> memref<2000xf32, #tpu.memory_space<hbm>>
        %dma_start3A_403 = arith.constant 0 : i32
        %dma_start3A_404 = tpu.memref_slice %arg9[%dma_start3A_398, %dma_start3A_403] : memref<16x2004xf32, #tpu.memory_space<vmem>> -> memref<1x2000xf32, #tpu.memory_space<vmem>>
        %dma_start3A_405 = tpu.memref_squeeze %dma_start3A_404 : memref<1x2000xf32, #tpu.memory_space<vmem>> -> memref<2000xf32, #tpu.memory_space<vmem>>
        %dma_start3A_406 = tpu.memref_slice %arg2[%add3A_333] : memref<1000000xf32, #tpu.memory_space<hbm>> -> memref<2000xf32, #tpu.memory_space<hbm>>
        tpu.enqueue_dma source(%dma_start3A_406 : memref<2000xf32, #tpu.memory_space<hbm>>) target(%dma_start3A_405 : memref<2000xf32, #tpu.memory_space<vmem>>) target_semaphore(%arg17 : memref<!tpu.dma_semaphore, #tpu.memory_space<semaphore_mem>>)
        %dma_start3A_407 = arith.constant 4 : i32
        %dma_start3A_408 = arith.constant 0 : i32
        %dma_start3A_409 = tpu.memref_slice %arg9[%dma_start3A_407, %dma_start3A_408] : memref<16x2004xf32, #tpu.memory_space<vmem>> -> memref<1x2000xf32, #tpu.memory_space<vmem>>
        %dma_start3A_410 = tpu.memref_squeeze %dma_start3A_409 : memref<1x2000xf32, #tpu.memory_space<vmem>> -> memref<2000xf32, #tpu.memory_space<vmem>>
        %dma_start3A_411 = tpu.memref_slice %arg2[%add3A_337] : memref<1000000xf32, #tpu.memory_space<hbm>> -> memref<2000xf32, #tpu.memory_space<hbm>>
        %dma_start3A_412 = arith.constant 0 : i32
        %dma_start3A_413 = tpu.memref_slice %arg9[%dma_start3A_407, %dma_start3A_412] : memref<16x2004xf32, #tpu.memory_space<vmem>> -> memref<1x2000xf32, #tpu.memory_space<vmem>>
        %dma_start3A_414 = tpu.memref_squeeze %dma_start3A_413 : memref<1x2000xf32, #tpu.memory_space<vmem>> -> memref<2000xf32, #tpu.memory_space<vmem>>
        %dma_start3A_415 = tpu.memref_slice %arg2[%add3A_337] : memref<1000000xf32, #tpu.memory_space<hbm>> -> memref<2000xf32, #tpu.memory_space<hbm>>
        tpu.enqueue_dma source(%dma_start3A_415 : memref<2000xf32, #tpu.memory_space<hbm>>) target(%dma_start3A_414 : memref<2000xf32, #tpu.memory_space<vmem>>) target_semaphore(%arg17 : memref<!tpu.dma_semaphore, #tpu.memory_space<semaphore_mem>>)
        %dma_start3A_416 = arith.constant 8 : i32
        %dma_start3A_417 = arith.constant 0 : i32
        %dma_start3A_418 = tpu.memref_slice %arg9[%dma_start3A_416, %dma_start3A_417] : memref<16x2004xf32, #tpu.memory_space<vmem>> -> memref<1x2000xf32, #tpu.memory_space<vmem>>
        %dma_start3A_419 = tpu.memref_squeeze %dma_start3A_418 : memref<1x2000xf32, #tpu.memory_space<vmem>> -> memref<2000xf32, #tpu.memory_space<vmem>>
        %dma_start3A_420 = tpu.memref_slice %arg2[%add3A_341] : memref<1000000xf32, #tpu.memory_space<hbm>> -> memref<2000xf32, #tpu.memory_space<hbm>>
        %dma_start3A_421 = arith.constant 0 : i32
        %dma_start3A_422 = tpu.memref_slice %arg9[%dma_start3A_416, %dma_start3A_421] : memref<16x2004xf32, #tpu.memory_space<vmem>> -> memref<1x2000xf32, #tpu.memory_space<vmem>>
        %dma_start3A_423 = tpu.memref_squeeze %dma_start3A_422 : memref<1x2000xf32, #tpu.memory_space<vmem>> -> memref<2000xf32, #tpu.memory_space<vmem>>
        %dma_start3A_424 = tpu.memref_slice %arg2[%add3A_341] : memref<1000000xf32, #tpu.memory_space<hbm>> -> memref<2000xf32, #tpu.memory_space<hbm>>
        tpu.enqueue_dma source(%dma_start3A_424 : memref<2000xf32, #tpu.memory_space<hbm>>) target(%dma_start3A_423 : memref<2000xf32, #tpu.memory_space<vmem>>) target_semaphore(%arg17 : memref<!tpu.dma_semaphore, #tpu.memory_space<semaphore_mem>>)
        %dma_start3A_425 = arith.constant 12 : i32
        %dma_start3A_426 = arith.constant 0 : i32
        %dma_start3A_427 = tpu.memref_slice %arg9[%dma_start3A_425, %dma_start3A_426] : memref<16x2004xf32, #tpu.memory_space<vmem>> -> memref<1x2000xf32, #tpu.memory_space<vmem>>
        %dma_start3A_428 = tpu.memref_squeeze %dma_start3A_427 : memref<1x2000xf32, #tpu.memory_space<vmem>> -> memref<2000xf32, #tpu.memory_space<vmem>>
        %dma_start3A_429 = tpu.memref_slice %arg2[%add3A_345] : memref<1000000xf32, #tpu.memory_space<hbm>> -> memref<2000xf32, #tpu.memory_space<hbm>>
        %dma_start3A_430 = arith.constant 0 : i32
        %dma_start3A_431 = tpu.memref_slice %arg9[%dma_start3A_425, %dma_start3A_430] : memref<16x2004xf32, #tpu.memory_space<vmem>> -> memref<1x2000xf32, #tpu.memory_space<vmem>>
        %dma_start3A_432 = tpu.memref_squeeze %dma_start3A_431 : memref<1x2000xf32, #tpu.memory_space<vmem>> -> memref<2000xf32, #tpu.memory_space<vmem>>
        %dma_start3A_433 = tpu.memref_slice %arg2[%add3A_345] : memref<1000000xf32, #tpu.memory_space<hbm>> -> memref<2000xf32, #tpu.memory_space<hbm>>
        tpu.enqueue_dma source(%dma_start3A_433 : memref<2000xf32, #tpu.memory_space<hbm>>) target(%dma_start3A_432 : memref<2000xf32, #tpu.memory_space<vmem>>) target_semaphore(%arg17 : memref<!tpu.dma_semaphore, #tpu.memory_space<semaphore_mem>>)
        %dma_start3A_434 = arith.constant 1 : i32
        %dma_start3A_435 = arith.constant 0 : i32
        %dma_start3A_436 = tpu.memref_slice %arg9[%dma_start3A_434, %dma_start3A_435] : memref<16x2004xf32, #tpu.memory_space<vmem>> -> memref<1x2000xf32, #tpu.memory_space<vmem>>
        %dma_start3A_437 = tpu.memref_squeeze %dma_start3A_436 : memref<1x2000xf32, #tpu.memory_space<vmem>> -> memref<2000xf32, #tpu.memory_space<vmem>>
        %dma_start3A_438 = tpu.memref_slice %arg3[%add3A_349] : memref<1000000xf32, #tpu.memory_space<hbm>> -> memref<2000xf32, #tpu.memory_space<hbm>>
        %dma_start3A_439 = arith.constant 0 : i32
        %dma_start3A_440 = tpu.memref_slice %arg9[%dma_start3A_434, %dma_start3A_439] : memref<16x2004xf32, #tpu.memory_space<vmem>> -> memref<1x2000xf32, #tpu.memory_space<vmem>>
        %dma_start3A_441 = tpu.memref_squeeze %dma_start3A_440 : memref<1x2000xf32, #tpu.memory_space<vmem>> -> memref<2000xf32, #tpu.memory_space<vmem>>
        %dma_start3A_442 = tpu.memref_slice %arg3[%add3A_349] : memref<1000000xf32, #tpu.memory_space<hbm>> -> memref<2000xf32, #tpu.memory_space<hbm>>
        tpu.enqueue_dma source(%dma_start3A_442 : memref<2000xf32, #tpu.memory_space<hbm>>) target(%dma_start3A_441 : memref<2000xf32, #tpu.memory_space<vmem>>) target_semaphore(%arg17 : memref<!tpu.dma_semaphore, #tpu.memory_space<semaphore_mem>>)
        %dma_start3A_443 = arith.constant 5 : i32
        %dma_start3A_444 = arith.constant 0 : i32
        %dma_start3A_445 = tpu.memref_slice %arg9[%dma_start3A_443, %dma_start3A_444] : memref<16x2004xf32, #tpu.memory_space<vmem>> -> memref<1x2000xf32, #tpu.memory_space<vmem>>
        %dma_start3A_446 = tpu.memref_squeeze %dma_start3A_445 : memref<1x2000xf32, #tpu.memory_space<vmem>> -> memref<2000xf32, #tpu.memory_space<vmem>>
        %dma_start3A_447 = tpu.memref_slice %arg3[%add3A_353] : memref<1000000xf32, #tpu.memory_space<hbm>> -> memref<2000xf32, #tpu.memory_space<hbm>>
        %dma_start3A_448 = arith.constant 0 : i32
        %dma_start3A_449 = tpu.memref_slice %arg9[%dma_start3A_443, %dma_start3A_448] : memref<16x2004xf32, #tpu.memory_space<vmem>> -> memref<1x2000xf32, #tpu.memory_space<vmem>>
        %dma_start3A_450 = tpu.memref_squeeze %dma_start3A_449 : memref<1x2000xf32, #tpu.memory_space<vmem>> -> memref<2000xf32, #tpu.memory_space<vmem>>
        %dma_start3A_451 = tpu.memref_slice %arg3[%add3A_353] : memref<1000000xf32, #tpu.memory_space<hbm>> -> memref<2000xf32, #tpu.memory_space<hbm>>
        tpu.enqueue_dma source(%dma_start3A_451 : memref<2000xf32, #tpu.memory_space<hbm>>) target(%dma_start3A_450 : memref<2000xf32, #tpu.memory_space<vmem>>) target_semaphore(%arg17 : memref<!tpu.dma_semaphore, #tpu.memory_space<semaphore_mem>>)
        %dma_start3A_452 = arith.constant 9 : i32
        %dma_start3A_453 = arith.constant 0 : i32
        %dma_start3A_454 = tpu.memref_slice %arg9[%dma_start3A_452, %dma_start3A_453] : memref<16x2004xf32, #tpu.memory_space<vmem>> -> memref<1x2000xf32, #tpu.memory_space<vmem>>
        %dma_start3A_455 = tpu.memref_squeeze %dma_start3A_454 : memref<1x2000xf32, #tpu.memory_space<vmem>> -> memref<2000xf32, #tpu.memory_space<vmem>>
        %dma_start3A_456 = tpu.memref_slice %arg3[%add3A_357] : memref<1000000xf32, #tpu.memory_space<hbm>> -> memref<2000xf32, #tpu.memory_space<hbm>>
        %dma_start3A_457 = arith.constant 0 : i32
        %dma_start3A_458 = tpu.memref_slice %arg9[%dma_start3A_452, %dma_start3A_457] : memref<16x2004xf32, #tpu.memory_space<vmem>> -> memref<1x2000xf32, #tpu.memory_space<vmem>>
        %dma_start3A_459 = tpu.memref_squeeze %dma_start3A_458 : memref<1x2000xf32, #tpu.memory_space<vmem>> -> memref<2000xf32, #tpu.memory_space<vmem>>
        %dma_start3A_460 = tpu.memref_slice %arg3[%add3A_357] : memref<1000000xf32, #tpu.memory_space<hbm>> -> memref<2000xf32, #tpu.memory_space<hbm>>
        tpu.enqueue_dma source(%dma_start3A_460 : memref<2000xf32, #tpu.memory_space<hbm>>) target(%dma_start3A_459 : memref<2000xf32, #tpu.memory_space<vmem>>) target_semaphore(%arg17 : memref<!tpu.dma_semaphore, #tpu.memory_space<semaphore_mem>>)
        %dma_start3A_461 = arith.constant 13 : i32
        %dma_start3A_462 = arith.constant 0 : i32
        %dma_start3A_463 = tpu.memref_slice %arg9[%dma_start3A_461, %dma_start3A_462] : memref<16x2004xf32, #tpu.memory_space<vmem>> -> memref<1x2000xf32, #tpu.memory_space<vmem>>
        %dma_start3A_464 = tpu.memref_squeeze %dma_start3A_463 : memref<1x2000xf32, #tpu.memory_space<vmem>> -> memref<2000xf32, #tpu.memory_space<vmem>>
        %dma_start3A_465 = tpu.memref_slice %arg3[%add3A_361] : memref<1000000xf32, #tpu.memory_space<hbm>> -> memref<2000xf32, #tpu.memory_space<hbm>>
        %dma_start3A_466 = arith.constant 0 : i32
        %dma_start3A_467 = tpu.memref_slice %arg9[%dma_start3A_461, %dma_start3A_466] : memref<16x2004xf32, #tpu.memory_space<vmem>> -> memref<1x2000xf32, #tpu.memory_space<vmem>>
        %dma_start3A_468 = tpu.memref_squeeze %dma_start3A_467 : memref<1x2000xf32, #tpu.memory_space<vmem>> -> memref<2000xf32, #tpu.memory_space<vmem>>
        %dma_start3A_469 = tpu.memref_slice %arg3[%add3A_361] : memref<1000000xf32, #tpu.memory_space<hbm>> -> memref<2000xf32, #tpu.memory_space<hbm>>
        tpu.enqueue_dma source(%dma_start3A_469 : memref<2000xf32, #tpu.memory_space<hbm>>) target(%dma_start3A_468 : memref<2000xf32, #tpu.memory_space<vmem>>) target_semaphore(%arg17 : memref<!tpu.dma_semaphore, #tpu.memory_space<semaphore_mem>>)
        %dma_start3A_470 = arith.constant 2 : i32
        %dma_start3A_471 = arith.constant 0 : i32
        %dma_start3A_472 = tpu.memref_slice %arg9[%dma_start3A_470, %dma_start3A_471] : memref<16x2004xf32, #tpu.memory_space<vmem>> -> memref<1x2000xf32, #tpu.memory_space<vmem>>
        %dma_start3A_473 = tpu.memref_squeeze %dma_start3A_472 : memref<1x2000xf32, #tpu.memory_space<vmem>> -> memref<2000xf32, #tpu.memory_space<vmem>>
        %dma_start3A_474 = tpu.memref_slice %arg4[%add3A_365] : memref<1000000xf32, #tpu.memory_space<hbm>> -> memref<2000xf32, #tpu.memory_space<hbm>>
        %dma_start3A_475 = arith.constant 0 : i32
        %dma_start3A_476 = tpu.memref_slice %arg9[%dma_start3A_470, %dma_start3A_475] : memref<16x2004xf32, #tpu.memory_space<vmem>> -> memref<1x2000xf32, #tpu.memory_space<vmem>>
        %dma_start3A_477 = tpu.memref_squeeze %dma_start3A_476 : memref<1x2000xf32, #tpu.memory_space<vmem>> -> memref<2000xf32, #tpu.memory_space<vmem>>
        %dma_start3A_478 = tpu.memref_slice %arg4[%add3A_365] : memref<1000000xf32, #tpu.memory_space<hbm>> -> memref<2000xf32, #tpu.memory_space<hbm>>
        tpu.enqueue_dma source(%dma_start3A_478 : memref<2000xf32, #tpu.memory_space<hbm>>) target(%dma_start3A_477 : memref<2000xf32, #tpu.memory_space<vmem>>) target_semaphore(%arg17 : memref<!tpu.dma_semaphore, #tpu.memory_space<semaphore_mem>>)
        %dma_start3A_479 = arith.constant 6 : i32
        %dma_start3A_480 = arith.constant 0 : i32
        %dma_start3A_481 = tpu.memref_slice %arg9[%dma_start3A_479, %dma_start3A_480] : memref<16x2004xf32, #tpu.memory_space<vmem>> -> memref<1x2000xf32, #tpu.memory_space<vmem>>
        %dma_start3A_482 = tpu.memref_squeeze %dma_start3A_481 : memref<1x2000xf32, #tpu.memory_space<vmem>> -> memref<2000xf32, #tpu.memory_space<vmem>>
        %dma_start3A_483 = tpu.memref_slice %arg4[%add3A_369] : memref<1000000xf32, #tpu.memory_space<hbm>> -> memref<2000xf32, #tpu.memory_space<hbm>>
        %dma_start3A_484 = arith.constant 0 : i32
        %dma_start3A_485 = tpu.memref_slice %arg9[%dma_start3A_479, %dma_start3A_484] : memref<16x2004xf32, #tpu.memory_space<vmem>> -> memref<1x2000xf32, #tpu.memory_space<vmem>>
        %dma_start3A_486 = tpu.memref_squeeze %dma_start3A_485 : memref<1x2000xf32, #tpu.memory_space<vmem>> -> memref<2000xf32, #tpu.memory_space<vmem>>
        %dma_start3A_487 = tpu.memref_slice %arg4[%add3A_369] : memref<1000000xf32, #tpu.memory_space<hbm>> -> memref<2000xf32, #tpu.memory_space<hbm>>
        tpu.enqueue_dma source(%dma_start3A_487 : memref<2000xf32, #tpu.memory_space<hbm>>) target(%dma_start3A_486 : memref<2000xf32, #tpu.memory_space<vmem>>) target_semaphore(%arg17 : memref<!tpu.dma_semaphore, #tpu.memory_space<semaphore_mem>>)
        %dma_start3A_488 = arith.constant 10 : i32
        %dma_start3A_489 = arith.constant 0 : i32
        %dma_start3A_490 = tpu.memref_slice %arg9[%dma_start3A_488, %dma_start3A_489] : memref<16x2004xf32, #tpu.memory_space<vmem>> -> memref<1x2000xf32, #tpu.memory_space<vmem>>
        %dma_start3A_491 = tpu.memref_squeeze %dma_start3A_490 : memref<1x2000xf32, #tpu.memory_space<vmem>> -> memref<2000xf32, #tpu.memory_space<vmem>>
        %dma_start3A_492 = tpu.memref_slice %arg4[%add3A_373] : memref<1000000xf32, #tpu.memory_space<hbm>> -> memref<2000xf32, #tpu.memory_space<hbm>>
        %dma_start3A_493 = arith.constant 0 : i32
        %dma_start3A_494 = tpu.memref_slice %arg9[%dma_start3A_488, %dma_start3A_493] : memref<16x2004xf32, #tpu.memory_space<vmem>> -> memref<1x2000xf32, #tpu.memory_space<vmem>>
        %dma_start3A_495 = tpu.memref_squeeze %dma_start3A_494 : memref<1x2000xf32, #tpu.memory_space<vmem>> -> memref<2000xf32, #tpu.memory_space<vmem>>
        %dma_start3A_496 = tpu.memref_slice %arg4[%add3A_373] : memref<1000000xf32, #tpu.memory_space<hbm>> -> memref<2000xf32, #tpu.memory_space<hbm>>
        tpu.enqueue_dma source(%dma_start3A_496 : memref<2000xf32, #tpu.memory_space<hbm>>) target(%dma_start3A_495 : memref<2000xf32, #tpu.memory_space<vmem>>) target_semaphore(%arg17 : memref<!tpu.dma_semaphore, #tpu.memory_space<semaphore_mem>>)
        %dma_start3A_497 = arith.constant 14 : i32
        %dma_start3A_498 = arith.constant 0 : i32
        %dma_start3A_499 = tpu.memref_slice %arg9[%dma_start3A_497, %dma_start3A_498] : memref<16x2004xf32, #tpu.memory_space<vmem>> -> memref<1x2000xf32, #tpu.memory_space<vmem>>
        %dma_start3A_500 = tpu.memref_squeeze %dma_start3A_499 : memref<1x2000xf32, #tpu.memory_space<vmem>> -> memref<2000xf32, #tpu.memory_space<vmem>>
        %dma_start3A_501 = tpu.memref_slice %arg4[%add3A_377] : memref<1000000xf32, #tpu.memory_space<hbm>> -> memref<2000xf32, #tpu.memory_space<hbm>>
        %dma_start3A_502 = arith.constant 0 : i32
        %dma_start3A_503 = tpu.memref_slice %arg9[%dma_start3A_497, %dma_start3A_502] : memref<16x2004xf32, #tpu.memory_space<vmem>> -> memref<1x2000xf32, #tpu.memory_space<vmem>>
        %dma_start3A_504 = tpu.memref_squeeze %dma_start3A_503 : memref<1x2000xf32, #tpu.memory_space<vmem>> -> memref<2000xf32, #tpu.memory_space<vmem>>
        %dma_start3A_505 = tpu.memref_slice %arg4[%add3A_377] : memref<1000000xf32, #tpu.memory_space<hbm>> -> memref<2000xf32, #tpu.memory_space<hbm>>
        tpu.enqueue_dma source(%dma_start3A_505 : memref<2000xf32, #tpu.memory_space<hbm>>) target(%dma_start3A_504 : memref<2000xf32, #tpu.memory_space<vmem>>) target_semaphore(%arg17 : memref<!tpu.dma_semaphore, #tpu.memory_space<semaphore_mem>>)
        %dma_start3A_506 = arith.constant 3 : i32
        %dma_start3A_507 = arith.constant 0 : i32
        %dma_start3A_508 = tpu.memref_slice %arg9[%dma_start3A_506, %dma_start3A_507] : memref<16x2004xf32, #tpu.memory_space<vmem>> -> memref<1x2000xf32, #tpu.memory_space<vmem>>
        %dma_start3A_509 = tpu.memref_squeeze %dma_start3A_508 : memref<1x2000xf32, #tpu.memory_space<vmem>> -> memref<2000xf32, #tpu.memory_space<vmem>>
        %dma_start3A_510 = tpu.memref_slice %arg5[%add3A_381] : memref<1000000xf32, #tpu.memory_space<hbm>> -> memref<2000xf32, #tpu.memory_space<hbm>>
        %dma_start3A_511 = arith.constant 0 : i32
        %dma_start3A_512 = tpu.memref_slice %arg9[%dma_start3A_506, %dma_start3A_511] : memref<16x2004xf32, #tpu.memory_space<vmem>> -> memref<1x2000xf32, #tpu.memory_space<vmem>>
        %dma_start3A_513 = tpu.memref_squeeze %dma_start3A_512 : memref<1x2000xf32, #tpu.memory_space<vmem>> -> memref<2000xf32, #tpu.memory_space<vmem>>
        %dma_start3A_514 = tpu.memref_slice %arg5[%add3A_381] : memref<1000000xf32, #tpu.memory_space<hbm>> -> memref<2000xf32, #tpu.memory_space<hbm>>
        tpu.enqueue_dma source(%dma_start3A_514 : memref<2000xf32, #tpu.memory_space<hbm>>) target(%dma_start3A_513 : memref<2000xf32, #tpu.memory_space<vmem>>) target_semaphore(%arg17 : memref<!tpu.dma_semaphore, #tpu.memory_space<semaphore_mem>>)
        %dma_start3A_515 = arith.constant 7 : i32
        %dma_start3A_516 = arith.constant 0 : i32
        %dma_start3A_517 = tpu.memref_slice %arg9[%dma_start3A_515, %dma_start3A_516] : memref<16x2004xf32, #tpu.memory_space<vmem>> -> memref<1x2000xf32, #tpu.memory_space<vmem>>
        %dma_start3A_518 = tpu.memref_squeeze %dma_start3A_517 : memref<1x2000xf32, #tpu.memory_space<vmem>> -> memref<2000xf32, #tpu.memory_space<vmem>>
        %dma_start3A_519 = tpu.memref_slice %arg5[%add3A_385] : memref<1000000xf32, #tpu.memory_space<hbm>> -> memref<2000xf32, #tpu.memory_space<hbm>>
        %dma_start3A_520 = arith.constant 0 : i32
        %dma_start3A_521 = tpu.memref_slice %arg9[%dma_start3A_515, %dma_start3A_520] : memref<16x2004xf32, #tpu.memory_space<vmem>> -> memref<1x2000xf32, #tpu.memory_space<vmem>>
        %dma_start3A_522 = tpu.memref_squeeze %dma_start3A_521 : memref<1x2000xf32, #tpu.memory_space<vmem>> -> memref<2000xf32, #tpu.memory_space<vmem>>
        %dma_start3A_523 = tpu.memref_slice %arg5[%add3A_385] : memref<1000000xf32, #tpu.memory_space<hbm>> -> memref<2000xf32, #tpu.memory_space<hbm>>
        tpu.enqueue_dma source(%dma_start3A_523 : memref<2000xf32, #tpu.memory_space<hbm>>) target(%dma_start3A_522 : memref<2000xf32, #tpu.memory_space<vmem>>) target_semaphore(%arg17 : memref<!tpu.dma_semaphore, #tpu.memory_space<semaphore_mem>>)
        %dma_start3A_524 = arith.constant 11 : i32
        %dma_start3A_525 = arith.constant 0 : i32
        %dma_start3A_526 = tpu.memref_slice %arg9[%dma_start3A_524, %dma_start3A_525] : memref<16x2004xf32, #tpu.memory_space<vmem>> -> memref<1x2000xf32, #tpu.memory_space<vmem>>
        %dma_start3A_527 = tpu.memref_squeeze %dma_start3A_526 : memref<1x2000xf32, #tpu.memory_space<vmem>> -> memref<2000xf32, #tpu.memory_space<vmem>>
        %dma_start3A_528 = tpu.memref_slice %arg5[%add3A_389] : memref<1000000xf32, #tpu.memory_space<hbm>> -> memref<2000xf32, #tpu.memory_space<hbm>>
        %dma_start3A_529 = arith.constant 0 : i32
        %dma_start3A_530 = tpu.memref_slice %arg9[%dma_start3A_524, %dma_start3A_529] : memref<16x2004xf32, #tpu.memory_space<vmem>> -> memref<1x2000xf32, #tpu.memory_space<vmem>>
        %dma_start3A_531 = tpu.memref_squeeze %dma_start3A_530 : memref<1x2000xf32, #tpu.memory_space<vmem>> -> memref<2000xf32, #tpu.memory_space<vmem>>
        %dma_start3A_532 = tpu.memref_slice %arg5[%add3A_389] : memref<1000000xf32, #tpu.memory_space<hbm>> -> memref<2000xf32, #tpu.memory_space<hbm>>
        tpu.enqueue_dma source(%dma_start3A_532 : memref<2000xf32, #tpu.memory_space<hbm>>) target(%dma_start3A_531 : memref<2000xf32, #tpu.memory_space<vmem>>) target_semaphore(%arg17 : memref<!tpu.dma_semaphore, #tpu.memory_space<semaphore_mem>>)
        %dma_start3A_533 = arith.constant 15 : i32
        %dma_start3A_534 = arith.constant 0 : i32
        %dma_start3A_535 = tpu.memref_slice %arg9[%dma_start3A_533, %dma_start3A_534] : memref<16x2004xf32, #tpu.memory_space<vmem>> -> memref<1x2000xf32, #tpu.memory_space<vmem>>
        %dma_start3A_536 = tpu.memref_squeeze %dma_start3A_535 : memref<1x2000xf32, #tpu.memory_space<vmem>> -> memref<2000xf32, #tpu.memory_space<vmem>>
        %dma_start3A_537 = tpu.memref_slice %arg5[%add3A_393] : memref<1000000xf32, #tpu.memory_space<hbm>> -> memref<2000xf32, #tpu.memory_space<hbm>>
        %dma_start3A_538 = arith.constant 0 : i32
        %dma_start3A_539 = tpu.memref_slice %arg9[%dma_start3A_533, %dma_start3A_538] : memref<16x2004xf32, #tpu.memory_space<vmem>> -> memref<1x2000xf32, #tpu.memory_space<vmem>>
        %dma_start3A_540 = tpu.memref_squeeze %dma_start3A_539 : memref<1x2000xf32, #tpu.memory_space<vmem>> -> memref<2000xf32, #tpu.memory_space<vmem>>
        %dma_start3A_541 = tpu.memref_slice %arg5[%add3A_393] : memref<1000000xf32, #tpu.memory_space<hbm>> -> memref<2000xf32, #tpu.memory_space<hbm>>
        tpu.enqueue_dma source(%dma_start3A_541 : memref<2000xf32, #tpu.memory_space<hbm>>) target(%dma_start3A_540 : memref<2000xf32, #tpu.memory_space<vmem>>) target_semaphore(%arg17 : memref<!tpu.dma_semaphore, #tpu.memory_space<semaphore_mem>>)
        %dma_start3A_542 = tpu.memref_slice %arg6[%mul3A_395] : memref<1000000xf32, #tpu.memory_space<hbm>> -> memref<8000xf32, #tpu.memory_space<hbm>>
        %dma_start3A_543 = tpu.memref_slice %arg6[%mul3A_395] : memref<1000000xf32, #tpu.memory_space<hbm>> -> memref<8000xf32, #tpu.memory_space<hbm>>
        tpu.enqueue_dma source(%dma_start3A_543 : memref<8000xf32, #tpu.memory_space<hbm>>) target(%arg11 : memref<8000xf32, #tpu.memory_space<vmem>>) target_semaphore(%arg17 : memref<!tpu.dma_semaphore, #tpu.memory_space<semaphore_mem>>)
        %dma_start3A_544 = tpu.memref_slice %arg7[%mul3A_397] : memref<1000000xi32, #tpu.memory_space<hbm>> -> memref<8000xi32, #tpu.memory_space<hbm>>
        %dma_start3A_545 = tpu.memref_slice %arg7[%mul3A_397] : memref<1000000xi32, #tpu.memory_space<hbm>> -> memref<8000xi32, #tpu.memory_space<hbm>>
        tpu.enqueue_dma source(%dma_start3A_545 : memref<8000xi32, #tpu.memory_space<hbm>>) target(%arg13 : memref<8000xi32, #tpu.memory_space<vmem>>) target_semaphore(%arg17 : memref<!tpu.dma_semaphore, #tpu.memory_space<semaphore_mem>>)
      } else {
      }
      %lt3A_322 = arith.constant 125 : i32
      %lt3A_323 = arith.cmpi slt, %add3A_308, %lt3A_322 : i32
      %convert_element_type3A_324 = arith.extui %lt3A_323 : i1 to i32
      %cond3A_325 = arith.constant 0 : i32
      %cond3A_326 = arith.cmpi ne, %convert_element_type3A_324, %cond3A_325 : i32
      scf.if %cond3A_326 {
        %mul3A_327 = arith.constant 32 : i32
        %mul3A_328 = arith.muli %add3A_305, %mul3A_327 : i32
        %add3A_329 = arith.addi %add3A, %mul3A_328 : i32
        %mul3A_330 = arith.constant 2000 : i32
        %mul3A_331 = arith.muli %add3A_329, %mul3A_330 : i32
        %add3A_332 = arith.constant 0 : i32
        %add3A_333 = arith.addi %add3A_332, %mul3A_331 : i32
        %mul3A_334 = arith.constant 2000 : i32
        %mul3A_335 = arith.muli %add3A_329, %mul3A_334 : i32
        %add3A_336 = arith.constant 250000 : i32
        %add3A_337 = arith.addi %add3A_336, %mul3A_335 : i32
        %mul3A_338 = arith.constant 2000 : i32
        %mul3A_339 = arith.muli %add3A_329, %mul3A_338 : i32
        %add3A_340 = arith.constant 500000 : i32
        %add3A_341 = arith.addi %add3A_340, %mul3A_339 : i32
        %mul3A_342 = arith.constant 2000 : i32
        %mul3A_343 = arith.muli %add3A_329, %mul3A_342 : i32
        %add3A_344 = arith.constant 750000 : i32
        %add3A_345 = arith.addi %add3A_344, %mul3A_343 : i32
        %mul3A_346 = arith.constant 2000 : i32
        %mul3A_347 = arith.muli %add3A_329, %mul3A_346 : i32
        %add3A_348 = arith.constant 0 : i32
        %add3A_349 = arith.addi %add3A_348, %mul3A_347 : i32
        %mul3A_350 = arith.constant 2000 : i32
        %mul3A_351 = arith.muli %add3A_329, %mul3A_350 : i32
        %add3A_352 = arith.constant 250000 : i32
        %add3A_353 = arith.addi %add3A_352, %mul3A_351 : i32
        %mul3A_354 = arith.constant 2000 : i32
        %mul3A_355 = arith.muli %add3A_329, %mul3A_354 : i32
        %add3A_356 = arith.constant 500000 : i32
        %add3A_357 = arith.addi %add3A_356, %mul3A_355 : i32
        %mul3A_358 = arith.constant 2000 : i32
        %mul3A_359 = arith.muli %add3A_329, %mul3A_358 : i32
        %add3A_360 = arith.constant 750000 : i32
        %add3A_361 = arith.addi %add3A_360, %mul3A_359 : i32
        %mul3A_362 = arith.constant 2000 : i32
        %mul3A_363 = arith.muli %add3A_329, %mul3A_362 : i32
        %add3A_364 = arith.constant 0 : i32
        %add3A_365 = arith.addi %add3A_364, %mul3A_363 : i32
        %mul3A_366 = arith.constant 2000 : i32
        %mul3A_367 = arith.muli %add3A_329, %mul3A_366 : i32
        %add3A_368 = arith.constant 250000 : i32
        %add3A_369 = arith.addi %add3A_368, %mul3A_367 : i32
        %mul3A_370 = arith.constant 2000 : i32
        %mul3A_371 = arith.muli %add3A_329, %mul3A_370 : i32
        %add3A_372 = arith.constant 500000 : i32
        %add3A_373 = arith.addi %add3A_372, %mul3A_371 : i32
        %mul3A_374 = arith.constant 2000 : i32
        %mul3A_375 = arith.muli %add3A_329, %mul3A_374 : i32
        %add3A_376 = arith.constant 750000 : i32
        %add3A_377 = arith.addi %add3A_376, %mul3A_375 : i32
        %mul3A_378 = arith.constant 2000 : i32
        %mul3A_379 = arith.muli %add3A_329, %mul3A_378 : i32
        %add3A_380 = arith.constant 0 : i32
        %add3A_381 = arith.addi %add3A_380, %mul3A_379 : i32
        %mul3A_382 = arith.constant 2000 : i32
        %mul3A_383 = arith.muli %add3A_329, %mul3A_382 : i32
        %add3A_384 = arith.constant 250000 : i32
        %add3A_385 = arith.addi %add3A_384, %mul3A_383 : i32
        %mul3A_386 = arith.constant 2000 : i32
        %mul3A_387 = arith.muli %add3A_329, %mul3A_386 : i32
        %add3A_388 = arith.constant 500000 : i32
        %add3A_389 = arith.addi %add3A_388, %mul3A_387 : i32
        %mul3A_390 = arith.constant 2000 : i32
        %mul3A_391 = arith.muli %add3A_329, %mul3A_390 : i32
        %add3A_392 = arith.constant 750000 : i32
        %add3A_393 = arith.addi %add3A_392, %mul3A_391 : i32
        %mul3A_394 = arith.constant 8000 : i32
        %mul3A_395 = arith.muli %add3A_329, %mul3A_394 : i32
        %mul3A_396 = arith.constant 8000 : i32
        %mul3A_397 = arith.muli %add3A_329, %mul3A_396 : i32
        %dma_wait3A = arith.constant 0 : i32
        %dma_wait3A_398 = arith.constant 0 : i32
        %dma_wait3A_399 = tpu.memref_slice %arg10[%dma_wait3A, %dma_wait3A_398] : memref<16x2004xf32, #tpu.memory_space<vmem>> -> memref<1x2000xf32, #tpu.memory_space<vmem>>
        %dma_wait3A_400 = tpu.memref_squeeze %dma_wait3A_399 : memref<1x2000xf32, #tpu.memory_space<vmem>> -> memref<2000xf32, #tpu.memory_space<vmem>>
        %dma_wait3A_401 = tpu.memref_slice %arg2[%add3A_333] : memref<1000000xf32, #tpu.memory_space<hbm>> -> memref<2000xf32, #tpu.memory_space<hbm>>
        %dma_wait3A_402 = arith.constant 0 : i32
        %dma_wait3A_403 = tpu.memref_slice %arg10[%dma_wait3A, %dma_wait3A_402] : memref<16x2004xf32, #tpu.memory_space<vmem>> -> memref<1x2000xf32, #tpu.memory_space<vmem>>
        %dma_wait3A_404 = tpu.memref_squeeze %dma_wait3A_403 : memref<1x2000xf32, #tpu.memory_space<vmem>> -> memref<2000xf32, #tpu.memory_space<vmem>>
        %dma_wait3A_405 = tpu.memref_slice %arg2[%add3A_333] : memref<1000000xf32, #tpu.memory_space<hbm>> -> memref<2000xf32, #tpu.memory_space<hbm>>
        tpu.wait_dma2 semaphore(%arg18 : memref<!tpu.dma_semaphore, #tpu.memory_space<semaphore_mem>>) src(%dma_wait3A_405 : memref<2000xf32, #tpu.memory_space<hbm>>) dst(%dma_wait3A_404 : memref<2000xf32, #tpu.memory_space<vmem>>)
        %dma_wait3A_406 = arith.constant 4 : i32
        %dma_wait3A_407 = arith.constant 0 : i32
        %dma_wait3A_408 = tpu.memref_slice %arg10[%dma_wait3A_406, %dma_wait3A_407] : memref<16x2004xf32, #tpu.memory_space<vmem>> -> memref<1x2000xf32, #tpu.memory_space<vmem>>
        %dma_wait3A_409 = tpu.memref_squeeze %dma_wait3A_408 : memref<1x2000xf32, #tpu.memory_space<vmem>> -> memref<2000xf32, #tpu.memory_space<vmem>>
        %dma_wait3A_410 = tpu.memref_slice %arg2[%add3A_337] : memref<1000000xf32, #tpu.memory_space<hbm>> -> memref<2000xf32, #tpu.memory_space<hbm>>
        %dma_wait3A_411 = arith.constant 0 : i32
        %dma_wait3A_412 = tpu.memref_slice %arg10[%dma_wait3A_406, %dma_wait3A_411] : memref<16x2004xf32, #tpu.memory_space<vmem>> -> memref<1x2000xf32, #tpu.memory_space<vmem>>
        %dma_wait3A_413 = tpu.memref_squeeze %dma_wait3A_412 : memref<1x2000xf32, #tpu.memory_space<vmem>> -> memref<2000xf32, #tpu.memory_space<vmem>>
        %dma_wait3A_414 = tpu.memref_slice %arg2[%add3A_337] : memref<1000000xf32, #tpu.memory_space<hbm>> -> memref<2000xf32, #tpu.memory_space<hbm>>
        tpu.wait_dma2 semaphore(%arg18 : memref<!tpu.dma_semaphore, #tpu.memory_space<semaphore_mem>>) src(%dma_wait3A_414 : memref<2000xf32, #tpu.memory_space<hbm>>) dst(%dma_wait3A_413 : memref<2000xf32, #tpu.memory_space<vmem>>)
        %dma_wait3A_415 = arith.constant 8 : i32
        %dma_wait3A_416 = arith.constant 0 : i32
        %dma_wait3A_417 = tpu.memref_slice %arg10[%dma_wait3A_415, %dma_wait3A_416] : memref<16x2004xf32, #tpu.memory_space<vmem>> -> memref<1x2000xf32, #tpu.memory_space<vmem>>
        %dma_wait3A_418 = tpu.memref_squeeze %dma_wait3A_417 : memref<1x2000xf32, #tpu.memory_space<vmem>> -> memref<2000xf32, #tpu.memory_space<vmem>>
        %dma_wait3A_419 = tpu.memref_slice %arg2[%add3A_341] : memref<1000000xf32, #tpu.memory_space<hbm>> -> memref<2000xf32, #tpu.memory_space<hbm>>
        %dma_wait3A_420 = arith.constant 0 : i32
        %dma_wait3A_421 = tpu.memref_slice %arg10[%dma_wait3A_415, %dma_wait3A_420] : memref<16x2004xf32, #tpu.memory_space<vmem>> -> memref<1x2000xf32, #tpu.memory_space<vmem>>
        %dma_wait3A_422 = tpu.memref_squeeze %dma_wait3A_421 : memref<1x2000xf32, #tpu.memory_space<vmem>> -> memref<2000xf32, #tpu.memory_space<vmem>>
        %dma_wait3A_423 = tpu.memref_slice %arg2[%add3A_341] : memref<1000000xf32, #tpu.memory_space<hbm>> -> memref<2000xf32, #tpu.memory_space<hbm>>
        tpu.wait_dma2 semaphore(%arg18 : memref<!tpu.dma_semaphore, #tpu.memory_space<semaphore_mem>>) src(%dma_wait3A_423 : memref<2000xf32, #tpu.memory_space<hbm>>) dst(%dma_wait3A_422 : memref<2000xf32, #tpu.memory_space<vmem>>)
        %dma_wait3A_424 = arith.constant 12 : i32
        %dma_wait3A_425 = arith.constant 0 : i32
        %dma_wait3A_426 = tpu.memref_slice %arg10[%dma_wait3A_424, %dma_wait3A_425] : memref<16x2004xf32, #tpu.memory_space<vmem>> -> memref<1x2000xf32, #tpu.memory_space<vmem>>
        %dma_wait3A_427 = tpu.memref_squeeze %dma_wait3A_426 : memref<1x2000xf32, #tpu.memory_space<vmem>> -> memref<2000xf32, #tpu.memory_space<vmem>>
        %dma_wait3A_428 = tpu.memref_slice %arg2[%add3A_345] : memref<1000000xf32, #tpu.memory_space<hbm>> -> memref<2000xf32, #tpu.memory_space<hbm>>
        %dma_wait3A_429 = arith.constant 0 : i32
        %dma_wait3A_430 = tpu.memref_slice %arg10[%dma_wait3A_424, %dma_wait3A_429] : memref<16x2004xf32, #tpu.memory_space<vmem>> -> memref<1x2000xf32, #tpu.memory_space<vmem>>
        %dma_wait3A_431 = tpu.memref_squeeze %dma_wait3A_430 : memref<1x2000xf32, #tpu.memory_space<vmem>> -> memref<2000xf32, #tpu.memory_space<vmem>>
        %dma_wait3A_432 = tpu.memref_slice %arg2[%add3A_345] : memref<1000000xf32, #tpu.memory_space<hbm>> -> memref<2000xf32, #tpu.memory_space<hbm>>
        tpu.wait_dma2 semaphore(%arg18 : memref<!tpu.dma_semaphore, #tpu.memory_space<semaphore_mem>>) src(%dma_wait3A_432 : memref<2000xf32, #tpu.memory_space<hbm>>) dst(%dma_wait3A_431 : memref<2000xf32, #tpu.memory_space<vmem>>)
        %dma_wait3A_433 = arith.constant 1 : i32
        %dma_wait3A_434 = arith.constant 0 : i32
        %dma_wait3A_435 = tpu.memref_slice %arg10[%dma_wait3A_433, %dma_wait3A_434] : memref<16x2004xf32, #tpu.memory_space<vmem>> -> memref<1x2000xf32, #tpu.memory_space<vmem>>
        %dma_wait3A_436 = tpu.memref_squeeze %dma_wait3A_435 : memref<1x2000xf32, #tpu.memory_space<vmem>> -> memref<2000xf32, #tpu.memory_space<vmem>>
        %dma_wait3A_437 = tpu.memref_slice %arg3[%add3A_349] : memref<1000000xf32, #tpu.memory_space<hbm>> -> memref<2000xf32, #tpu.memory_space<hbm>>
        %dma_wait3A_438 = arith.constant 0 : i32
        %dma_wait3A_439 = tpu.memref_slice %arg10[%dma_wait3A_433, %dma_wait3A_438] : memref<16x2004xf32, #tpu.memory_space<vmem>> -> memref<1x2000xf32, #tpu.memory_space<vmem>>
        %dma_wait3A_440 = tpu.memref_squeeze %dma_wait3A_439 : memref<1x2000xf32, #tpu.memory_space<vmem>> -> memref<2000xf32, #tpu.memory_space<vmem>>
        %dma_wait3A_441 = tpu.memref_slice %arg3[%add3A_349] : memref<1000000xf32, #tpu.memory_space<hbm>> -> memref<2000xf32, #tpu.memory_space<hbm>>
        tpu.wait_dma2 semaphore(%arg18 : memref<!tpu.dma_semaphore, #tpu.memory_space<semaphore_mem>>) src(%dma_wait3A_441 : memref<2000xf32, #tpu.memory_space<hbm>>) dst(%dma_wait3A_440 : memref<2000xf32, #tpu.memory_space<vmem>>)
        %dma_wait3A_442 = arith.constant 5 : i32
        %dma_wait3A_443 = arith.constant 0 : i32
        %dma_wait3A_444 = tpu.memref_slice %arg10[%dma_wait3A_442, %dma_wait3A_443] : memref<16x2004xf32, #tpu.memory_space<vmem>> -> memref<1x2000xf32, #tpu.memory_space<vmem>>
        %dma_wait3A_445 = tpu.memref_squeeze %dma_wait3A_444 : memref<1x2000xf32, #tpu.memory_space<vmem>> -> memref<2000xf32, #tpu.memory_space<vmem>>
        %dma_wait3A_446 = tpu.memref_slice %arg3[%add3A_353] : memref<1000000xf32, #tpu.memory_space<hbm>> -> memref<2000xf32, #tpu.memory_space<hbm>>
        %dma_wait3A_447 = arith.constant 0 : i32
        %dma_wait3A_448 = tpu.memref_slice %arg10[%dma_wait3A_442, %dma_wait3A_447] : memref<16x2004xf32, #tpu.memory_space<vmem>> -> memref<1x2000xf32, #tpu.memory_space<vmem>>
        %dma_wait3A_449 = tpu.memref_squeeze %dma_wait3A_448 : memref<1x2000xf32, #tpu.memory_space<vmem>> -> memref<2000xf32, #tpu.memory_space<vmem>>
        %dma_wait3A_450 = tpu.memref_slice %arg3[%add3A_353] : memref<1000000xf32, #tpu.memory_space<hbm>> -> memref<2000xf32, #tpu.memory_space<hbm>>
        tpu.wait_dma2 semaphore(%arg18 : memref<!tpu.dma_semaphore, #tpu.memory_space<semaphore_mem>>) src(%dma_wait3A_450 : memref<2000xf32, #tpu.memory_space<hbm>>) dst(%dma_wait3A_449 : memref<2000xf32, #tpu.memory_space<vmem>>)
        %dma_wait3A_451 = arith.constant 9 : i32
        %dma_wait3A_452 = arith.constant 0 : i32
        %dma_wait3A_453 = tpu.memref_slice %arg10[%dma_wait3A_451, %dma_wait3A_452] : memref<16x2004xf32, #tpu.memory_space<vmem>> -> memref<1x2000xf32, #tpu.memory_space<vmem>>
        %dma_wait3A_454 = tpu.memref_squeeze %dma_wait3A_453 : memref<1x2000xf32, #tpu.memory_space<vmem>> -> memref<2000xf32, #tpu.memory_space<vmem>>
        %dma_wait3A_455 = tpu.memref_slice %arg3[%add3A_357] : memref<1000000xf32, #tpu.memory_space<hbm>> -> memref<2000xf32, #tpu.memory_space<hbm>>
        %dma_wait3A_456 = arith.constant 0 : i32
        %dma_wait3A_457 = tpu.memref_slice %arg10[%dma_wait3A_451, %dma_wait3A_456] : memref<16x2004xf32, #tpu.memory_space<vmem>> -> memref<1x2000xf32, #tpu.memory_space<vmem>>
        %dma_wait3A_458 = tpu.memref_squeeze %dma_wait3A_457 : memref<1x2000xf32, #tpu.memory_space<vmem>> -> memref<2000xf32, #tpu.memory_space<vmem>>
        %dma_wait3A_459 = tpu.memref_slice %arg3[%add3A_357] : memref<1000000xf32, #tpu.memory_space<hbm>> -> memref<2000xf32, #tpu.memory_space<hbm>>
        tpu.wait_dma2 semaphore(%arg18 : memref<!tpu.dma_semaphore, #tpu.memory_space<semaphore_mem>>) src(%dma_wait3A_459 : memref<2000xf32, #tpu.memory_space<hbm>>) dst(%dma_wait3A_458 : memref<2000xf32, #tpu.memory_space<vmem>>)
        %dma_wait3A_460 = arith.constant 13 : i32
        %dma_wait3A_461 = arith.constant 0 : i32
        %dma_wait3A_462 = tpu.memref_slice %arg10[%dma_wait3A_460, %dma_wait3A_461] : memref<16x2004xf32, #tpu.memory_space<vmem>> -> memref<1x2000xf32, #tpu.memory_space<vmem>>
        %dma_wait3A_463 = tpu.memref_squeeze %dma_wait3A_462 : memref<1x2000xf32, #tpu.memory_space<vmem>> -> memref<2000xf32, #tpu.memory_space<vmem>>
        %dma_wait3A_464 = tpu.memref_slice %arg3[%add3A_361] : memref<1000000xf32, #tpu.memory_space<hbm>> -> memref<2000xf32, #tpu.memory_space<hbm>>
        %dma_wait3A_465 = arith.constant 0 : i32
        %dma_wait3A_466 = tpu.memref_slice %arg10[%dma_wait3A_460, %dma_wait3A_465] : memref<16x2004xf32, #tpu.memory_space<vmem>> -> memref<1x2000xf32, #tpu.memory_space<vmem>>
        %dma_wait3A_467 = tpu.memref_squeeze %dma_wait3A_466 : memref<1x2000xf32, #tpu.memory_space<vmem>> -> memref<2000xf32, #tpu.memory_space<vmem>>
        %dma_wait3A_468 = tpu.memref_slice %arg3[%add3A_361] : memref<1000000xf32, #tpu.memory_space<hbm>> -> memref<2000xf32, #tpu.memory_space<hbm>>
        tpu.wait_dma2 semaphore(%arg18 : memref<!tpu.dma_semaphore, #tpu.memory_space<semaphore_mem>>) src(%dma_wait3A_468 : memref<2000xf32, #tpu.memory_space<hbm>>) dst(%dma_wait3A_467 : memref<2000xf32, #tpu.memory_space<vmem>>)
        %dma_wait3A_469 = arith.constant 2 : i32
        %dma_wait3A_470 = arith.constant 0 : i32
        %dma_wait3A_471 = tpu.memref_slice %arg10[%dma_wait3A_469, %dma_wait3A_470] : memref<16x2004xf32, #tpu.memory_space<vmem>> -> memref<1x2000xf32, #tpu.memory_space<vmem>>
        %dma_wait3A_472 = tpu.memref_squeeze %dma_wait3A_471 : memref<1x2000xf32, #tpu.memory_space<vmem>> -> memref<2000xf32, #tpu.memory_space<vmem>>
        %dma_wait3A_473 = tpu.memref_slice %arg4[%add3A_365] : memref<1000000xf32, #tpu.memory_space<hbm>> -> memref<2000xf32, #tpu.memory_space<hbm>>
        %dma_wait3A_474 = arith.constant 0 : i32
        %dma_wait3A_475 = tpu.memref_slice %arg10[%dma_wait3A_469, %dma_wait3A_474] : memref<16x2004xf32, #tpu.memory_space<vmem>> -> memref<1x2000xf32, #tpu.memory_space<vmem>>
        %dma_wait3A_476 = tpu.memref_squeeze %dma_wait3A_475 : memref<1x2000xf32, #tpu.memory_space<vmem>> -> memref<2000xf32, #tpu.memory_space<vmem>>
        %dma_wait3A_477 = tpu.memref_slice %arg4[%add3A_365] : memref<1000000xf32, #tpu.memory_space<hbm>> -> memref<2000xf32, #tpu.memory_space<hbm>>
        tpu.wait_dma2 semaphore(%arg18 : memref<!tpu.dma_semaphore, #tpu.memory_space<semaphore_mem>>) src(%dma_wait3A_477 : memref<2000xf32, #tpu.memory_space<hbm>>) dst(%dma_wait3A_476 : memref<2000xf32, #tpu.memory_space<vmem>>)
        %dma_wait3A_478 = arith.constant 6 : i32
        %dma_wait3A_479 = arith.constant 0 : i32
        %dma_wait3A_480 = tpu.memref_slice %arg10[%dma_wait3A_478, %dma_wait3A_479] : memref<16x2004xf32, #tpu.memory_space<vmem>> -> memref<1x2000xf32, #tpu.memory_space<vmem>>
        %dma_wait3A_481 = tpu.memref_squeeze %dma_wait3A_480 : memref<1x2000xf32, #tpu.memory_space<vmem>> -> memref<2000xf32, #tpu.memory_space<vmem>>
        %dma_wait3A_482 = tpu.memref_slice %arg4[%add3A_369] : memref<1000000xf32, #tpu.memory_space<hbm>> -> memref<2000xf32, #tpu.memory_space<hbm>>
        %dma_wait3A_483 = arith.constant 0 : i32
        %dma_wait3A_484 = tpu.memref_slice %arg10[%dma_wait3A_478, %dma_wait3A_483] : memref<16x2004xf32, #tpu.memory_space<vmem>> -> memref<1x2000xf32, #tpu.memory_space<vmem>>
        %dma_wait3A_485 = tpu.memref_squeeze %dma_wait3A_484 : memref<1x2000xf32, #tpu.memory_space<vmem>> -> memref<2000xf32, #tpu.memory_space<vmem>>
        %dma_wait3A_486 = tpu.memref_slice %arg4[%add3A_369] : memref<1000000xf32, #tpu.memory_space<hbm>> -> memref<2000xf32, #tpu.memory_space<hbm>>
        tpu.wait_dma2 semaphore(%arg18 : memref<!tpu.dma_semaphore, #tpu.memory_space<semaphore_mem>>) src(%dma_wait3A_486 : memref<2000xf32, #tpu.memory_space<hbm>>) dst(%dma_wait3A_485 : memref<2000xf32, #tpu.memory_space<vmem>>)
        %dma_wait3A_487 = arith.constant 10 : i32
        %dma_wait3A_488 = arith.constant 0 : i32
        %dma_wait3A_489 = tpu.memref_slice %arg10[%dma_wait3A_487, %dma_wait3A_488] : memref<16x2004xf32, #tpu.memory_space<vmem>> -> memref<1x2000xf32, #tpu.memory_space<vmem>>
        %dma_wait3A_490 = tpu.memref_squeeze %dma_wait3A_489 : memref<1x2000xf32, #tpu.memory_space<vmem>> -> memref<2000xf32, #tpu.memory_space<vmem>>
        %dma_wait3A_491 = tpu.memref_slice %arg4[%add3A_373] : memref<1000000xf32, #tpu.memory_space<hbm>> -> memref<2000xf32, #tpu.memory_space<hbm>>
        %dma_wait3A_492 = arith.constant 0 : i32
        %dma_wait3A_493 = tpu.memref_slice %arg10[%dma_wait3A_487, %dma_wait3A_492] : memref<16x2004xf32, #tpu.memory_space<vmem>> -> memref<1x2000xf32, #tpu.memory_space<vmem>>
        %dma_wait3A_494 = tpu.memref_squeeze %dma_wait3A_493 : memref<1x2000xf32, #tpu.memory_space<vmem>> -> memref<2000xf32, #tpu.memory_space<vmem>>
        %dma_wait3A_495 = tpu.memref_slice %arg4[%add3A_373] : memref<1000000xf32, #tpu.memory_space<hbm>> -> memref<2000xf32, #tpu.memory_space<hbm>>
        tpu.wait_dma2 semaphore(%arg18 : memref<!tpu.dma_semaphore, #tpu.memory_space<semaphore_mem>>) src(%dma_wait3A_495 : memref<2000xf32, #tpu.memory_space<hbm>>) dst(%dma_wait3A_494 : memref<2000xf32, #tpu.memory_space<vmem>>)
        %dma_wait3A_496 = arith.constant 14 : i32
        %dma_wait3A_497 = arith.constant 0 : i32
        %dma_wait3A_498 = tpu.memref_slice %arg10[%dma_wait3A_496, %dma_wait3A_497] : memref<16x2004xf32, #tpu.memory_space<vmem>> -> memref<1x2000xf32, #tpu.memory_space<vmem>>
        %dma_wait3A_499 = tpu.memref_squeeze %dma_wait3A_498 : memref<1x2000xf32, #tpu.memory_space<vmem>> -> memref<2000xf32, #tpu.memory_space<vmem>>
        %dma_wait3A_500 = tpu.memref_slice %arg4[%add3A_377] : memref<1000000xf32, #tpu.memory_space<hbm>> -> memref<2000xf32, #tpu.memory_space<hbm>>
        %dma_wait3A_501 = arith.constant 0 : i32
        %dma_wait3A_502 = tpu.memref_slice %arg10[%dma_wait3A_496, %dma_wait3A_501] : memref<16x2004xf32, #tpu.memory_space<vmem>> -> memref<1x2000xf32, #tpu.memory_space<vmem>>
        %dma_wait3A_503 = tpu.memref_squeeze %dma_wait3A_502 : memref<1x2000xf32, #tpu.memory_space<vmem>> -> memref<2000xf32, #tpu.memory_space<vmem>>
        %dma_wait3A_504 = tpu.memref_slice %arg4[%add3A_377] : memref<1000000xf32, #tpu.memory_space<hbm>> -> memref<2000xf32, #tpu.memory_space<hbm>>
        tpu.wait_dma2 semaphore(%arg18 : memref<!tpu.dma_semaphore, #tpu.memory_space<semaphore_mem>>) src(%dma_wait3A_504 : memref<2000xf32, #tpu.memory_space<hbm>>) dst(%dma_wait3A_503 : memref<2000xf32, #tpu.memory_space<vmem>>)
        %dma_wait3A_505 = arith.constant 3 : i32
        %dma_wait3A_506 = arith.constant 0 : i32
        %dma_wait3A_507 = tpu.memref_slice %arg10[%dma_wait3A_505, %dma_wait3A_506] : memref<16x2004xf32, #tpu.memory_space<vmem>> -> memref<1x2000xf32, #tpu.memory_space<vmem>>
        %dma_wait3A_508 = tpu.memref_squeeze %dma_wait3A_507 : memref<1x2000xf32, #tpu.memory_space<vmem>> -> memref<2000xf32, #tpu.memory_space<vmem>>
        %dma_wait3A_509 = tpu.memref_slice %arg5[%add3A_381] : memref<1000000xf32, #tpu.memory_space<hbm>> -> memref<2000xf32, #tpu.memory_space<hbm>>
        %dma_wait3A_510 = arith.constant 0 : i32
        %dma_wait3A_511 = tpu.memref_slice %arg10[%dma_wait3A_505, %dma_wait3A_510] : memref<16x2004xf32, #tpu.memory_space<vmem>> -> memref<1x2000xf32, #tpu.memory_space<vmem>>
        %dma_wait3A_512 = tpu.memref_squeeze %dma_wait3A_511 : memref<1x2000xf32, #tpu.memory_space<vmem>> -> memref<2000xf32, #tpu.memory_space<vmem>>
        %dma_wait3A_513 = tpu.memref_slice %arg5[%add3A_381] : memref<1000000xf32, #tpu.memory_space<hbm>> -> memref<2000xf32, #tpu.memory_space<hbm>>
        tpu.wait_dma2 semaphore(%arg18 : memref<!tpu.dma_semaphore, #tpu.memory_space<semaphore_mem>>) src(%dma_wait3A_513 : memref<2000xf32, #tpu.memory_space<hbm>>) dst(%dma_wait3A_512 : memref<2000xf32, #tpu.memory_space<vmem>>)
        %dma_wait3A_514 = arith.constant 7 : i32
        %dma_wait3A_515 = arith.constant 0 : i32
        %dma_wait3A_516 = tpu.memref_slice %arg10[%dma_wait3A_514, %dma_wait3A_515] : memref<16x2004xf32, #tpu.memory_space<vmem>> -> memref<1x2000xf32, #tpu.memory_space<vmem>>
        %dma_wait3A_517 = tpu.memref_squeeze %dma_wait3A_516 : memref<1x2000xf32, #tpu.memory_space<vmem>> -> memref<2000xf32, #tpu.memory_space<vmem>>
        %dma_wait3A_518 = tpu.memref_slice %arg5[%add3A_385] : memref<1000000xf32, #tpu.memory_space<hbm>> -> memref<2000xf32, #tpu.memory_space<hbm>>
        %dma_wait3A_519 = arith.constant 0 : i32
        %dma_wait3A_520 = tpu.memref_slice %arg10[%dma_wait3A_514, %dma_wait3A_519] : memref<16x2004xf32, #tpu.memory_space<vmem>> -> memref<1x2000xf32, #tpu.memory_space<vmem>>
        %dma_wait3A_521 = tpu.memref_squeeze %dma_wait3A_520 : memref<1x2000xf32, #tpu.memory_space<vmem>> -> memref<2000xf32, #tpu.memory_space<vmem>>
        %dma_wait3A_522 = tpu.memref_slice %arg5[%add3A_385] : memref<1000000xf32, #tpu.memory_space<hbm>> -> memref<2000xf32, #tpu.memory_space<hbm>>
        tpu.wait_dma2 semaphore(%arg18 : memref<!tpu.dma_semaphore, #tpu.memory_space<semaphore_mem>>) src(%dma_wait3A_522 : memref<2000xf32, #tpu.memory_space<hbm>>) dst(%dma_wait3A_521 : memref<2000xf32, #tpu.memory_space<vmem>>)
        %dma_wait3A_523 = arith.constant 11 : i32
        %dma_wait3A_524 = arith.constant 0 : i32
        %dma_wait3A_525 = tpu.memref_slice %arg10[%dma_wait3A_523, %dma_wait3A_524] : memref<16x2004xf32, #tpu.memory_space<vmem>> -> memref<1x2000xf32, #tpu.memory_space<vmem>>
        %dma_wait3A_526 = tpu.memref_squeeze %dma_wait3A_525 : memref<1x2000xf32, #tpu.memory_space<vmem>> -> memref<2000xf32, #tpu.memory_space<vmem>>
        %dma_wait3A_527 = tpu.memref_slice %arg5[%add3A_389] : memref<1000000xf32, #tpu.memory_space<hbm>> -> memref<2000xf32, #tpu.memory_space<hbm>>
        %dma_wait3A_528 = arith.constant 0 : i32
        %dma_wait3A_529 = tpu.memref_slice %arg10[%dma_wait3A_523, %dma_wait3A_528] : memref<16x2004xf32, #tpu.memory_space<vmem>> -> memref<1x2000xf32, #tpu.memory_space<vmem>>
        %dma_wait3A_530 = tpu.memref_squeeze %dma_wait3A_529 : memref<1x2000xf32, #tpu.memory_space<vmem>> -> memref<2000xf32, #tpu.memory_space<vmem>>
        %dma_wait3A_531 = tpu.memref_slice %arg5[%add3A_389] : memref<1000000xf32, #tpu.memory_space<hbm>> -> memref<2000xf32, #tpu.memory_space<hbm>>
        tpu.wait_dma2 semaphore(%arg18 : memref<!tpu.dma_semaphore, #tpu.memory_space<semaphore_mem>>) src(%dma_wait3A_531 : memref<2000xf32, #tpu.memory_space<hbm>>) dst(%dma_wait3A_530 : memref<2000xf32, #tpu.memory_space<vmem>>)
        %dma_wait3A_532 = arith.constant 15 : i32
        %dma_wait3A_533 = arith.constant 0 : i32
        %dma_wait3A_534 = tpu.memref_slice %arg10[%dma_wait3A_532, %dma_wait3A_533] : memref<16x2004xf32, #tpu.memory_space<vmem>> -> memref<1x2000xf32, #tpu.memory_space<vmem>>
        %dma_wait3A_535 = tpu.memref_squeeze %dma_wait3A_534 : memref<1x2000xf32, #tpu.memory_space<vmem>> -> memref<2000xf32, #tpu.memory_space<vmem>>
        %dma_wait3A_536 = tpu.memref_slice %arg5[%add3A_393] : memref<1000000xf32, #tpu.memory_space<hbm>> -> memref<2000xf32, #tpu.memory_space<hbm>>
        %dma_wait3A_537 = arith.constant 0 : i32
        %dma_wait3A_538 = tpu.memref_slice %arg10[%dma_wait3A_532, %dma_wait3A_537] : memref<16x2004xf32, #tpu.memory_space<vmem>> -> memref<1x2000xf32, #tpu.memory_space<vmem>>
        %dma_wait3A_539 = tpu.memref_squeeze %dma_wait3A_538 : memref<1x2000xf32, #tpu.memory_space<vmem>> -> memref<2000xf32, #tpu.memory_space<vmem>>
        %dma_wait3A_540 = tpu.memref_slice %arg5[%add3A_393] : memref<1000000xf32, #tpu.memory_space<hbm>> -> memref<2000xf32, #tpu.memory_space<hbm>>
        tpu.wait_dma2 semaphore(%arg18 : memref<!tpu.dma_semaphore, #tpu.memory_space<semaphore_mem>>) src(%dma_wait3A_540 : memref<2000xf32, #tpu.memory_space<hbm>>) dst(%dma_wait3A_539 : memref<2000xf32, #tpu.memory_space<vmem>>)
        %dma_wait3A_541 = tpu.memref_slice %arg6[%mul3A_395] : memref<1000000xf32, #tpu.memory_space<hbm>> -> memref<8000xf32, #tpu.memory_space<hbm>>
        %dma_wait3A_542 = tpu.memref_slice %arg6[%mul3A_395] : memref<1000000xf32, #tpu.memory_space<hbm>> -> memref<8000xf32, #tpu.memory_space<hbm>>
        tpu.wait_dma2 semaphore(%arg18 : memref<!tpu.dma_semaphore, #tpu.memory_space<semaphore_mem>>) src(%dma_wait3A_542 : memref<8000xf32, #tpu.memory_space<hbm>>) dst(%arg12 : memref<8000xf32, #tpu.memory_space<vmem>>)
        %dma_wait3A_543 = tpu.memref_slice %arg7[%mul3A_397] : memref<1000000xi32, #tpu.memory_space<hbm>> -> memref<8000xi32, #tpu.memory_space<hbm>>
        %dma_wait3A_544 = tpu.memref_slice %arg7[%mul3A_397] : memref<1000000xi32, #tpu.memory_space<hbm>> -> memref<8000xi32, #tpu.memory_space<hbm>>
        tpu.wait_dma2 semaphore(%arg18 : memref<!tpu.dma_semaphore, #tpu.memory_space<semaphore_mem>>) src(%dma_wait3A_544 : memref<8000xi32, #tpu.memory_space<hbm>>) dst(%arg14 : memref<8000xi32, #tpu.memory_space<vmem>>)
        %parallel_loop3A_545 = arith.constant 0 : i32
        %parallel_loop3A_546 = arith.constant 500 : i32
        %parallel_loop3A_547 = arith.constant 1 : i32
        scf.for %parallel_loop3A_548 = %parallel_loop3A_545 to %parallel_loop3A_546 step %parallel_loop3A_547  : i32 {
          %parallel_loop3A_549 = arith.constant 4 : i32
          %parallel_loop3A_550 = arith.muli %parallel_loop3A_548, %parallel_loop3A_549 : i32
          %parallel_loop3A_551 = vector.broadcast %parallel_loop3A_550 : i32 to vector<16xi32>
          %parallel_loop3A_552 = arith.addi %select_n3A_43, %parallel_loop3A_551 : vector<16xi32>
          %parallel_loop3A_553 = tpu.vector_load_idx %arg10[%select_n3A_15, %parallel_loop3A_552] : memref<16x2004xf32, #tpu.memory_space<vmem>>[vector<16xi32>, vector<16xi32>], vector<16xf32>,
          %parallel_loop3A_554 = arith.constant 4 : i32
          %parallel_loop3A_555 = vector.broadcast %parallel_loop3A_554 : i32 to vector<16xi32>
          %parallel_loop3A_556 = arith.addi %select_n3A_15, %parallel_loop3A_555 : vector<16xi32>
          %parallel_loop3A_557 = tpu.vector_load_idx %arg10[%parallel_loop3A_556, %parallel_loop3A_552] : memref<16x2004xf32, #tpu.memory_space<vmem>>[vector<16xi32>, vector<16xi32>], vector<16xf32>,
          %parallel_loop3A_558 = arith.addf %parallel_loop3A_553, %parallel_loop3A_557 : vector<16xf32>
          %parallel_loop3A_559 = arith.constant 8 : i32
          %parallel_loop3A_560 = vector.broadcast %parallel_loop3A_559 : i32 to vector<16xi32>
          %parallel_loop3A_561 = arith.addi %select_n3A_15, %parallel_loop3A_560 : vector<16xi32>
          %parallel_loop3A_562 = tpu.vector_load_idx %arg10[%parallel_loop3A_561, %parallel_loop3A_552] : memref<16x2004xf32, #tpu.memory_space<vmem>>[vector<16xi32>, vector<16xi32>], vector<16xf32>,
          %parallel_loop3A_563 = arith.addf %parallel_loop3A_558, %parallel_loop3A_562 : vector<16xf32>
          %parallel_loop3A_564 = arith.constant 12 : i32
          %parallel_loop3A_565 = vector.broadcast %parallel_loop3A_564 : i32 to vector<16xi32>
          %parallel_loop3A_566 = arith.addi %select_n3A_15, %parallel_loop3A_565 : vector<16xi32>
          %parallel_loop3A_567 = tpu.vector_load_idx %arg10[%parallel_loop3A_566, %parallel_loop3A_552] : memref<16x2004xf32, #tpu.memory_space<vmem>>[vector<16xi32>, vector<16xi32>], vector<16xf32>,
          %parallel_loop3A_568 = arith.addf %parallel_loop3A_563, %parallel_loop3A_567 : vector<16xf32>
          %parallel_loop3A_569 = arith.constant 16 : i32
          %parallel_loop3A_570 = arith.muli %parallel_loop3A_548, %parallel_loop3A_569 : i32
          %parallel_loop3A_571 = arith.index_cast %parallel_loop3A_570 : i32 to index
          %parallel_loop3A_572 = tpu.vector_load %arg12[%parallel_loop3A_571] {strides = array<i32>} : memref<8000xf32, #tpu.memory_space<vmem>>, vector<16xf32>,
          %parallel_loop3A_573 = arith.constant 16 : i32
          %parallel_loop3A_574 = arith.muli %parallel_loop3A_548, %parallel_loop3A_573 : i32
          %parallel_loop3A_575 = arith.index_cast %parallel_loop3A_574 : i32 to index
          %parallel_loop3A_576 = tpu.vector_load %arg14[%parallel_loop3A_575] {strides = array<i32>} : memref<8000xi32, #tpu.memory_space<vmem>>, vector<16xi32>,
          %parallel_loop3A_577 = arith.addi %mul3A_46, %parallel_loop3A_576 : vector<16xi32>
          %parallel_loop3A_578 = arith.mulf %parallel_loop3A_572, %parallel_loop3A_568 : vector<16xf32>
          tpu.vector_store_idx %arg15[%parallel_loop3A_577], %parallel_loop3A_578 {add = true} : memref<4112xf32, #tpu.memory_space<vmem>>[vector<16xi32>], vector<16xf32>,
        } {sc.loop_unroll_factor = 10 : i64, sc.parallel_access}
      } else {
      }
    }
    %scan3A_271 = arith.constant 2 : i32
    %scan3A_272 = arith.constant 0 : i32
    %scan3A_273 = arith.constant 0 : i32
    %scan3A_274 = arith.constant 16 : i32
    %scan3A_275 = arith.addi %scan3A_273, %scan3A_274 : i32
    %scan3A_276 = arith.constant 1 : i32
    scf.for %scan3A_278 = %scan3A_273 to %scan3A_275 step %scan3A_276  : i32 {
      %broadcast_in_dim3A_279 = arith.constant 0.000000e+00 : f32
      %broadcast_in_dim3A_280 = vector.broadcast %broadcast_in_dim3A_279 : f32 to vector<16xf32>
      %mul3A_281 = arith.constant 16 : i32
      %mul3A_282 = arith.muli %scan3A_278, %mul3A_281 : i32
      %add3A_283 = arith.constant 0 : i32
      %add3A_284 = arith.addi %add3A_283, %mul3A_282 : i32
      %add3A_285 = vector.broadcast %add3A_284 : i32 to vector<16xi32>
      %add3A_286 = arith.addi %iota3A, %add3A_285 : vector<16xi32>
      %gather3A = tpu.vector_load_idx %arg15[%add3A_286] : memref<4112xf32, #tpu.memory_space<vmem>>[vector<16xi32>], vector<16xf32>,
      %add3A_287 = arith.addf %broadcast_in_dim3A_280, %gather3A : vector<16xf32>
      %mul3A_288 = arith.constant 16 : i32
      %mul3A_289 = arith.muli %scan3A_278, %mul3A_288 : i32
      %add3A_290 = arith.constant 257 : i32
      %add3A_291 = arith.addi %add3A_290, %mul3A_289 : i32
      %add3A_292 = vector.broadcast %add3A_291 : i32 to vector<16xi32>
      %add3A_293 = arith.addi %iota3A, %add3A_292 : vector<16xi32>
      %gather3A_294 = tpu.vector_load_idx %arg15[%add3A_293] : memref<4112xf32, #tpu.memory_space<vmem>>[vector<16xi32>], vector<16xf32>,
      %add3A_295 = arith.addf %add3A_287, %gather3A_294 : vector<16xf32>
      %mul3A_296 = arith.constant 16 : i32
      %mul3A_297 = arith.muli %scan3A_278, %mul3A_296 : i32
      %add3A_298 = arith.constant 514 : i32
      %add3A_299 = arith.addi %add3A_298, %mul3A_297 : i32
      %add3A_300 = vector.broadcast %add3A_299 : i32 to vector<16xi32>
      %add3A_301 = arith.addi %iota3A, %add3A_300 : vector<16xi32>
      %gather3A_302 = tpu.vector_load_idx %arg15[%add3A_301] : memref<4112xf32, #tpu.memory_space<vmem>>[vector<16xi32>], vector<16xf32>,
      %add3A_303 = arith.addf %add3A_295, %gather3A_302 : vector<16xf32>
      %mul3A_304 = arith.constant 16 : i32
      %mul3A_305 = arith.muli %scan3A_278, %mul3A_304 : i32
      %add3A_306 = arith.constant 771 : i32
      %add3A_307 = arith.addi %add3A_306, %mul3A_305 : i32
      %add3A_308 = vector.broadcast %add3A_307 : i32 to vector<16xi32>
      %add3A_309 = arith.addi %iota3A, %add3A_308 : vector<16xi32>
      %gather3A_310 = tpu.vector_load_idx %arg15[%add3A_309] : memref<4112xf32, #tpu.memory_space<vmem>>[vector<16xi32>], vector<16xf32>,
      %add3A_311 = arith.addf %add3A_303, %gather3A_310 : vector<16xf32>
      %mul3A_312 = arith.constant 16 : i32
      %mul3A_313 = arith.muli %scan3A_278, %mul3A_312 : i32
      %add3A_314 = arith.constant 1028 : i32
      %add3A_315 = arith.addi %add3A_314, %mul3A_313 : i32
      %add3A_316 = vector.broadcast %add3A_315 : i32 to vector<16xi32>
      %add3A_317 = arith.addi %iota3A, %add3A_316 : vector<16xi32>
      %gather3A_318 = tpu.vector_load_idx %arg15[%add3A_317] : memref<4112xf32, #tpu.memory_space<vmem>>[vector<16xi32>], vector<16xf32>,
      %add3A_319 = arith.addf %add3A_311, %gather3A_318 : vector<16xf32>
      %mul3A_320 = arith.constant 16 : i32
      %mul3A_321 = arith.muli %scan3A_278, %mul3A_320 : i32
      %add3A_322 = arith.constant 1285 : i32
      %add3A_323 = arith.addi %add3A_322, %mul3A_321 : i32
      %add3A_324 = vector.broadcast %add3A_323 : i32 to vector<16xi32>
      %add3A_325 = arith.addi %iota3A, %add3A_324 : vector<16xi32>
      %gather3A_326 = tpu.vector_load_idx %arg15[%add3A_325] : memref<4112xf32, #tpu.memory_space<vmem>>[vector<16xi32>], vector<16xf32>,
      %add3A_327 = arith.addf %add3A_319, %gather3A_326 : vector<16xf32>
      %mul3A_328 = arith.constant 16 : i32
      %mul3A_329 = arith.muli %scan3A_278, %mul3A_328 : i32
      %add3A_330 = arith.constant 1542 : i32
      %add3A_331 = arith.addi %add3A_330, %mul3A_329 : i32
      %add3A_332 = vector.broadcast %add3A_331 : i32 to vector<16xi32>
      %add3A_333 = arith.addi %iota3A, %add3A_332 : vector<16xi32>
      %gather3A_334 = tpu.vector_load_idx %arg15[%add3A_333] : memref<4112xf32, #tpu.memory_space<vmem>>[vector<16xi32>], vector<16xf32>,
      %add3A_335 = arith.addf %add3A_327, %gather3A_334 : vector<16xf32>
      %mul3A_336 = arith.constant 16 : i32
      %mul3A_337 = arith.muli %scan3A_278, %mul3A_336 : i32
      %add3A_338 = arith.constant 1799 : i32
      %add3A_339 = arith.addi %add3A_338, %mul3A_337 : i32
      %add3A_340 = vector.broadcast %add3A_339 : i32 to vector<16xi32>
      %add3A_341 = arith.addi %iota3A, %add3A_340 : vector<16xi32>
      %gather3A_342 = tpu.vector_load_idx %arg15[%add3A_341] : memref<4112xf32, #tpu.memory_space<vmem>>[vector<16xi32>], vector<16xf32>,
      %add3A_343 = arith.addf %add3A_335, %gather3A_342 : vector<16xf32>
      %mul3A_344 = arith.constant 16 : i32
      %mul3A_345 = arith.muli %scan3A_278, %mul3A_344 : i32
      %add3A_346 = arith.constant 2056 : i32
      %add3A_347 = arith.addi %add3A_346, %mul3A_345 : i32
      %add3A_348 = vector.broadcast %add3A_347 : i32 to vector<16xi32>
      %add3A_349 = arith.addi %iota3A, %add3A_348 : vector<16xi32>
      %gather3A_350 = tpu.vector_load_idx %arg15[%add3A_349] : memref<4112xf32, #tpu.memory_space<vmem>>[vector<16xi32>], vector<16xf32>,
      %add3A_351 = arith.addf %add3A_343, %gather3A_350 : vector<16xf32>
      %mul3A_352 = arith.constant 16 : i32
      %mul3A_353 = arith.muli %scan3A_278, %mul3A_352 : i32
      %add3A_354 = arith.constant 2313 : i32
      %add3A_355 = arith.addi %add3A_354, %mul3A_353 : i32
      %add3A_356 = vector.broadcast %add3A_355 : i32 to vector<16xi32>
      %add3A_357 = arith.addi %iota3A, %add3A_356 : vector<16xi32>
      %gather3A_358 = tpu.vector_load_idx %arg15[%add3A_357] : memref<4112xf32, #tpu.memory_space<vmem>>[vector<16xi32>], vector<16xf32>,
      %add3A_359 = arith.addf %add3A_351, %gather3A_358 : vector<16xf32>
      %mul3A_360 = arith.constant 16 : i32
      %mul3A_361 = arith.muli %scan3A_278, %mul3A_360 : i32
      %add3A_362 = arith.constant 2570 : i32
      %add3A_363 = arith.addi %add3A_362, %mul3A_361 : i32
      %add3A_364 = vector.broadcast %add3A_363 : i32 to vector<16xi32>
      %add3A_365 = arith.addi %iota3A, %add3A_364 : vector<16xi32>
      %gather3A_366 = tpu.vector_load_idx %arg15[%add3A_365] : memref<4112xf32, #tpu.memory_space<vmem>>[vector<16xi32>], vector<16xf32>,
      %add3A_367 = arith.addf %add3A_359, %gather3A_366 : vector<16xf32>
      %mul3A_368 = arith.constant 16 : i32
      %mul3A_369 = arith.muli %scan3A_278, %mul3A_368 : i32
      %add3A_370 = arith.constant 2827 : i32
      %add3A_371 = arith.addi %add3A_370, %mul3A_369 : i32
      %add3A_372 = vector.broadcast %add3A_371 : i32 to vector<16xi32>
      %add3A_373 = arith.addi %iota3A, %add3A_372 : vector<16xi32>
      %gather3A_374 = tpu.vector_load_idx %arg15[%add3A_373] : memref<4112xf32, #tpu.memory_space<vmem>>[vector<16xi32>], vector<16xf32>,
      %add3A_375 = arith.addf %add3A_367, %gather3A_374 : vector<16xf32>
      %mul3A_376 = arith.constant 16 : i32
      %mul3A_377 = arith.muli %scan3A_278, %mul3A_376 : i32
      %add3A_378 = arith.constant 3084 : i32
      %add3A_379 = arith.addi %add3A_378, %mul3A_377 : i32
      %add3A_380 = vector.broadcast %add3A_379 : i32 to vector<16xi32>
      %add3A_381 = arith.addi %iota3A, %add3A_380 : vector<16xi32>
      %gather3A_382 = tpu.vector_load_idx %arg15[%add3A_381] : memref<4112xf32, #tpu.memory_space<vmem>>[vector<16xi32>], vector<16xf32>,
      %add3A_383 = arith.addf %add3A_375, %gather3A_382 : vector<16xf32>
      %mul3A_384 = arith.constant 16 : i32
      %mul3A_385 = arith.muli %scan3A_278, %mul3A_384 : i32
      %add3A_386 = arith.constant 3341 : i32
      %add3A_387 = arith.addi %add3A_386, %mul3A_385 : i32
      %add3A_388 = vector.broadcast %add3A_387 : i32 to vector<16xi32>
      %add3A_389 = arith.addi %iota3A, %add3A_388 : vector<16xi32>
      %gather3A_390 = tpu.vector_load_idx %arg15[%add3A_389] : memref<4112xf32, #tpu.memory_space<vmem>>[vector<16xi32>], vector<16xf32>,
      %add3A_391 = arith.addf %add3A_383, %gather3A_390 : vector<16xf32>
      %mul3A_392 = arith.constant 16 : i32
      %mul3A_393 = arith.muli %scan3A_278, %mul3A_392 : i32
      %add3A_394 = arith.constant 3598 : i32
      %add3A_395 = arith.addi %add3A_394, %mul3A_393 : i32
      %add3A_396 = vector.broadcast %add3A_395 : i32 to vector<16xi32>
      %add3A_397 = arith.addi %iota3A, %add3A_396 : vector<16xi32>
      %gather3A_398 = tpu.vector_load_idx %arg15[%add3A_397] : memref<4112xf32, #tpu.memory_space<vmem>>[vector<16xi32>], vector<16xf32>,
      %add3A_399 = arith.addf %add3A_391, %gather3A_398 : vector<16xf32>
      %mul3A_400 = arith.constant 16 : i32
      %mul3A_401 = arith.muli %scan3A_278, %mul3A_400 : i32
      %add3A_402 = arith.constant 3855 : i32
      %add3A_403 = arith.addi %add3A_402, %mul3A_401 : i32
      %add3A_404 = vector.broadcast %add3A_403 : i32 to vector<16xi32>
      %add3A_405 = arith.addi %iota3A, %add3A_404 : vector<16xi32>
      %gather3A_406 = tpu.vector_load_idx %arg15[%add3A_405] : memref<4112xf32, #tpu.memory_space<vmem>>[vector<16xi32>], vector<16xf32>,
      %add3A_407 = arith.addf %add3A_399, %gather3A_406 : vector<16xf32>
      %mul3A_408 = arith.constant 16 : i32
      %mul3A_409 = arith.muli %scan3A_278, %mul3A_408 : i32
      %swap3A = arith.index_cast %mul3A_409 : i32 to index
      %swap3A_410 = tpu.vector_load %arg16[%swap3A] {strides = array<i32>} : memref<256xf32, #tpu.memory_space<vmem>>, vector<16xf32>,
      tpu.vector_store %arg16[%swap3A], %add3A_407 {strides = array<i32>} : memref<256xf32, #tpu.memory_space<vmem>>, vector<16xf32>,
    }
    %scan3A_277 = arith.constant 16 : i32
    "tpu.region"() ({
      %run_scoped3A = tpu.sem_alloc : memref<!tpu.dma_semaphore, #tpu.memory_space<semaphore_mem>>
      %dma_start3A_278 = arith.constant 0 : i32
      %dma_start3A_279 = tpu.memref_slice %arg8[%add3A, %dma_start3A_278] : memref<32x256xf32, #tpu.memory_space<hbm>> -> memref<1x256xf32, #tpu.memory_space<hbm>>
      %dma_start3A_280 = tpu.memref_squeeze %dma_start3A_279 : memref<1x256xf32, #tpu.memory_space<hbm>> -> memref<256xf32, #tpu.memory_space<hbm>>
      %dma_start3A_281 = arith.constant 0 : i32
      %dma_start3A_282 = tpu.memref_slice %arg8[%add3A, %dma_start3A_281] : memref<32x256xf32, #tpu.memory_space<hbm>> -> memref<1x256xf32, #tpu.memory_space<hbm>>
      %dma_start3A_283 = tpu.memref_squeeze %dma_start3A_282 : memref<1x256xf32, #tpu.memory_space<hbm>> -> memref<256xf32, #tpu.memory_space<hbm>>
      tpu.enqueue_dma source(%arg16 : memref<256xf32, #tpu.memory_space<vmem>>) target(%dma_start3A_283 : memref<256xf32, #tpu.memory_space<hbm>>) target_semaphore(%run_scoped3A : memref<!tpu.dma_semaphore, #tpu.memory_space<semaphore_mem>>)
      %dma_wait3A = arith.constant 0 : i32
      %dma_wait3A_284 = tpu.memref_slice %arg8[%add3A, %dma_wait3A] : memref<32x256xf32, #tpu.memory_space<hbm>> -> memref<1x256xf32, #tpu.memory_space<hbm>>
      %dma_wait3A_285 = tpu.memref_squeeze %dma_wait3A_284 : memref<1x256xf32, #tpu.memory_space<hbm>> -> memref<256xf32, #tpu.memory_space<hbm>>
      %dma_wait3A_286 = arith.constant 0 : i32
      %dma_wait3A_287 = tpu.memref_slice %arg8[%add3A, %dma_wait3A_286] : memref<32x256xf32, #tpu.memory_space<hbm>> -> memref<1x256xf32, #tpu.memory_space<hbm>>
      %dma_wait3A_288 = tpu.memref_squeeze %dma_wait3A_287 : memref<1x256xf32, #tpu.memory_space<hbm>> -> memref<256xf32, #tpu.memory_space<hbm>>
      tpu.wait_dma2 semaphore(%run_scoped3A : memref<!tpu.dma_semaphore, #tpu.memory_space<semaphore_mem>>) src(%arg16 : memref<256xf32, #tpu.memory_space<vmem>>) dst(%dma_wait3A_288 : memref<256xf32, #tpu.memory_space<hbm>>)
      tpu.yield
    }) : () -> ()
    return
  }
}

module attributes {stable_mosaic.version = 14 : i64} {
  func.func @_finish_body(%arg0: memref<8192xf32, #tpu.memory_space<vmem>>, %arg1: memref<1x1xf32, #tpu.memory_space<vmem>>) attributes {dimension_semantics = [], scalar_prefetch = 0 : i64, scratch_operands = 0 : i64, tpu.core_type = #tpu.core_type<tc>} {
    %broadcast_in_dim3A = arith.constant 0.000000e+00 : f32
    %broadcast_in_dim3A_0 = vector.broadcast %broadcast_in_dim3A : f32 to vector<256xf32>
    %get3A = arith.constant 0 : index
    %get3A_1 = vector.load %arg0[%get3A] : memref<8192xf32, #tpu.memory_space<vmem>>, vector<256xf32>
    %add3A = arith.addf %broadcast_in_dim3A_0, %get3A_1 : vector<256xf32>
    %get3A_2 = arith.constant 256 : index
    %get3A_3 = vector.load %arg0[%get3A_2] : memref<8192xf32, #tpu.memory_space<vmem>>, vector<256xf32>
    %add3A_4 = arith.addf %add3A, %get3A_3 : vector<256xf32>
    %get3A_5 = arith.constant 512 : index
    %get3A_6 = vector.load %arg0[%get3A_5] : memref<8192xf32, #tpu.memory_space<vmem>>, vector<256xf32>
    %add3A_7 = arith.addf %add3A_4, %get3A_6 : vector<256xf32>
    %get3A_8 = arith.constant 768 : index
    %get3A_9 = vector.load %arg0[%get3A_8] : memref<8192xf32, #tpu.memory_space<vmem>>, vector<256xf32>
    %add3A_10 = arith.addf %add3A_7, %get3A_9 : vector<256xf32>
    %get3A_11 = arith.constant 1024 : index
    %get3A_12 = vector.load %arg0[%get3A_11] : memref<8192xf32, #tpu.memory_space<vmem>>, vector<256xf32>
    %add3A_13 = arith.addf %add3A_10, %get3A_12 : vector<256xf32>
    %get3A_14 = arith.constant 1280 : index
    %get3A_15 = vector.load %arg0[%get3A_14] : memref<8192xf32, #tpu.memory_space<vmem>>, vector<256xf32>
    %add3A_16 = arith.addf %add3A_13, %get3A_15 : vector<256xf32>
    %get3A_17 = arith.constant 1536 : index
    %get3A_18 = vector.load %arg0[%get3A_17] : memref<8192xf32, #tpu.memory_space<vmem>>, vector<256xf32>
    %add3A_19 = arith.addf %add3A_16, %get3A_18 : vector<256xf32>
    %get3A_20 = arith.constant 1792 : index
    %get3A_21 = vector.load %arg0[%get3A_20] : memref<8192xf32, #tpu.memory_space<vmem>>, vector<256xf32>
    %add3A_22 = arith.addf %add3A_19, %get3A_21 : vector<256xf32>
    %get3A_23 = arith.constant 2048 : index
    %get3A_24 = vector.load %arg0[%get3A_23] : memref<8192xf32, #tpu.memory_space<vmem>>, vector<256xf32>
    %add3A_25 = arith.addf %add3A_22, %get3A_24 : vector<256xf32>
    %get3A_26 = arith.constant 2304 : index
    %get3A_27 = vector.load %arg0[%get3A_26] : memref<8192xf32, #tpu.memory_space<vmem>>, vector<256xf32>
    %add3A_28 = arith.addf %add3A_25, %get3A_27 : vector<256xf32>
    %get3A_29 = arith.constant 2560 : index
    %get3A_30 = vector.load %arg0[%get3A_29] : memref<8192xf32, #tpu.memory_space<vmem>>, vector<256xf32>
    %add3A_31 = arith.addf %add3A_28, %get3A_30 : vector<256xf32>
    %get3A_32 = arith.constant 2816 : index
    %get3A_33 = vector.load %arg0[%get3A_32] : memref<8192xf32, #tpu.memory_space<vmem>>, vector<256xf32>
    %add3A_34 = arith.addf %add3A_31, %get3A_33 : vector<256xf32>
    %get3A_35 = arith.constant 3072 : index
    %get3A_36 = vector.load %arg0[%get3A_35] : memref<8192xf32, #tpu.memory_space<vmem>>, vector<256xf32>
    %add3A_37 = arith.addf %add3A_34, %get3A_36 : vector<256xf32>
    %get3A_38 = arith.constant 3328 : index
    %get3A_39 = vector.load %arg0[%get3A_38] : memref<8192xf32, #tpu.memory_space<vmem>>, vector<256xf32>
    %add3A_40 = arith.addf %add3A_37, %get3A_39 : vector<256xf32>
    %get3A_41 = arith.constant 3584 : index
    %get3A_42 = vector.load %arg0[%get3A_41] : memref<8192xf32, #tpu.memory_space<vmem>>, vector<256xf32>
    %add3A_43 = arith.addf %add3A_40, %get3A_42 : vector<256xf32>
    %get3A_44 = arith.constant 3840 : index
    %get3A_45 = vector.load %arg0[%get3A_44] : memref<8192xf32, #tpu.memory_space<vmem>>, vector<256xf32>
    %add3A_46 = arith.addf %add3A_43, %get3A_45 : vector<256xf32>
    %get3A_47 = arith.constant 4096 : index
    %get3A_48 = vector.load %arg0[%get3A_47] : memref<8192xf32, #tpu.memory_space<vmem>>, vector<256xf32>
    %add3A_49 = arith.addf %add3A_46, %get3A_48 : vector<256xf32>
    %get3A_50 = arith.constant 4352 : index
    %get3A_51 = vector.load %arg0[%get3A_50] : memref<8192xf32, #tpu.memory_space<vmem>>, vector<256xf32>
    %add3A_52 = arith.addf %add3A_49, %get3A_51 : vector<256xf32>
    %get3A_53 = arith.constant 4608 : index
    %get3A_54 = vector.load %arg0[%get3A_53] : memref<8192xf32, #tpu.memory_space<vmem>>, vector<256xf32>
    %add3A_55 = arith.addf %add3A_52, %get3A_54 : vector<256xf32>
    %get3A_56 = arith.constant 4864 : index
    %get3A_57 = vector.load %arg0[%get3A_56] : memref<8192xf32, #tpu.memory_space<vmem>>, vector<256xf32>
    %add3A_58 = arith.addf %add3A_55, %get3A_57 : vector<256xf32>
    %get3A_59 = arith.constant 5120 : index
    %get3A_60 = vector.load %arg0[%get3A_59] : memref<8192xf32, #tpu.memory_space<vmem>>, vector<256xf32>
    %add3A_61 = arith.addf %add3A_58, %get3A_60 : vector<256xf32>
    %get3A_62 = arith.constant 5376 : index
    %get3A_63 = vector.load %arg0[%get3A_62] : memref<8192xf32, #tpu.memory_space<vmem>>, vector<256xf32>
    %add3A_64 = arith.addf %add3A_61, %get3A_63 : vector<256xf32>
    %get3A_65 = arith.constant 5632 : index
    %get3A_66 = vector.load %arg0[%get3A_65] : memref<8192xf32, #tpu.memory_space<vmem>>, vector<256xf32>
    %add3A_67 = arith.addf %add3A_64, %get3A_66 : vector<256xf32>
    %get3A_68 = arith.constant 5888 : index
    %get3A_69 = vector.load %arg0[%get3A_68] : memref<8192xf32, #tpu.memory_space<vmem>>, vector<256xf32>
    %add3A_70 = arith.addf %add3A_67, %get3A_69 : vector<256xf32>
    %get3A_71 = arith.constant 6144 : index
    %get3A_72 = vector.load %arg0[%get3A_71] : memref<8192xf32, #tpu.memory_space<vmem>>, vector<256xf32>
    %add3A_73 = arith.addf %add3A_70, %get3A_72 : vector<256xf32>
    %get3A_74 = arith.constant 6400 : index
    %get3A_75 = vector.load %arg0[%get3A_74] : memref<8192xf32, #tpu.memory_space<vmem>>, vector<256xf32>
    %add3A_76 = arith.addf %add3A_73, %get3A_75 : vector<256xf32>
    %get3A_77 = arith.constant 6656 : index
    %get3A_78 = vector.load %arg0[%get3A_77] : memref<8192xf32, #tpu.memory_space<vmem>>, vector<256xf32>
    %add3A_79 = arith.addf %add3A_76, %get3A_78 : vector<256xf32>
    %get3A_80 = arith.constant 6912 : index
    %get3A_81 = vector.load %arg0[%get3A_80] : memref<8192xf32, #tpu.memory_space<vmem>>, vector<256xf32>
    %add3A_82 = arith.addf %add3A_79, %get3A_81 : vector<256xf32>
    %get3A_83 = arith.constant 7168 : index
    %get3A_84 = vector.load %arg0[%get3A_83] : memref<8192xf32, #tpu.memory_space<vmem>>, vector<256xf32>
    %add3A_85 = arith.addf %add3A_82, %get3A_84 : vector<256xf32>
    %get3A_86 = arith.constant 7424 : index
    %get3A_87 = vector.load %arg0[%get3A_86] : memref<8192xf32, #tpu.memory_space<vmem>>, vector<256xf32>
    %add3A_88 = arith.addf %add3A_85, %get3A_87 : vector<256xf32>
    %get3A_89 = arith.constant 7680 : index
    %get3A_90 = vector.load %arg0[%get3A_89] : memref<8192xf32, #tpu.memory_space<vmem>>, vector<256xf32>
    %add3A_91 = arith.addf %add3A_88, %get3A_90 : vector<256xf32>
    %get3A_92 = arith.constant 7936 : index
    %get3A_93 = vector.load %arg0[%get3A_92] : memref<8192xf32, #tpu.memory_space<vmem>>, vector<256xf32>
    %add3A_94 = arith.addf %add3A_91, %get3A_93 : vector<256xf32>
    %reduce_sum3A = vector.shape_cast %add3A_94 : vector<256xf32> to vector<1x256xf32>
    %reduce_sum3A_95 = arith.constant dense<0.000000e+00> : vector<1xf32>
    %reduce_sum3A_96 = vector.multi_reduction <add>, %reduce_sum3A, %reduce_sum3A_95 [1] : vector<1x256xf32> to vector<1xf32>
    %reduce_sum3A_97 = vector.shape_cast %reduce_sum3A_96 : vector<1xf32> to vector<1x1xf32>
    %reduce_sum3A_98 = vector.extract %reduce_sum3A_97[0, 0] : f32 from vector<1x1xf32>
    %mul3A = arith.mulf %add3A_94, %add3A_94 : vector<256xf32>
    %reduce_sum3A_99 = vector.shape_cast %mul3A : vector<256xf32> to vector<1x256xf32>
    %reduce_sum3A_100 = arith.constant dense<0.000000e+00> : vector<1xf32>
    %reduce_sum3A_101 = vector.multi_reduction <add>, %reduce_sum3A_99, %reduce_sum3A_100 [1] : vector<1x256xf32> to vector<1xf32>
    %reduce_sum3A_102 = vector.shape_cast %reduce_sum3A_101 : vector<1xf32> to vector<1x1xf32>
    %reduce_sum3A_103 = vector.extract %reduce_sum3A_102[0, 0] : f32 from vector<1x1xf32>
    %max3A = arith.constant 0.000000e+00 : f32
    %max3A_104 = arith.maximumf %reduce_sum3A_98, %max3A : f32
    %mul3A_105 = arith.mulf %reduce_sum3A_98, %max3A_104 : f32
    %neg3A = arith.constant 0.000000e+00 : f32
    %neg3A_106 = arith.subf %neg3A, %mul3A_105 : f32
    %div3A = arith.divf %neg3A_106, %reduce_sum3A_103 : f32
    %div3A_107 = arith.constant 2.500000e+02 : f32
    %div3A_108 = arith.divf %div3A, %div3A_107 : f32
    %broadcast_in_dim3A_109 = vector.broadcast %div3A_108 : f32 to vector<1x1xf32>
    %swap3A = arith.constant 0 : index
    %swap3A_110 = arith.constant 0 : index
    %swap3A_111 = vector.load %arg1[%swap3A, %swap3A_110] : memref<1x1xf32, #tpu.memory_space<vmem>>, vector<1x1xf32>
    tpu.vector_store %arg1[%swap3A, %swap3A_110], %broadcast_in_dim3A_109 {strides = array<i32>} : memref<1x1xf32, #tpu.memory_space<vmem>>, vector<1x1xf32>,
    return
  }
}

module attributes {stable_mosaic.version = 14 : i64} {
  func.func @_dense_body(%arg0: i32, %arg1: memref<5x122880xf32, #tpu.memory_space<vmem>>, %arg2: memref<5x122880xf32, #tpu.memory_space<vmem>>, %arg3: memref<122880xf32, #tpu.memory_space<vmem>>, %arg4: memref<122880xf32, #tpu.memory_space<vmem>>, %arg5: memref<122880xf32, #tpu.memory_space<vmem>>, %arg6: memref<122880xf32, #tpu.memory_space<vmem>>) attributes {dimension_semantics = [#tpu.dimension_semantics<arbitrary>], iteration_bounds = array<i64: 9>, scalar_prefetch = 0 : i64, scratch_operands = 0 : i64, tpu.core_type = #tpu.core_type<tc>, window_params = [{transform_indices = @transform_0, window_bounds = array<i64: 5, 122880>}, {transform_indices = @transform_1, window_bounds = array<i64: 5, 122880>}, {transform_indices = @transform_2, window_bounds = array<i64: 122880>}, {transform_indices = @transform_3, window_bounds = array<i64: 122880>}, {transform_indices = @transform_4, window_bounds = array<i64: 122880>}, {transform_indices = @transform_5, window_bounds = array<i64: 122880>}]} {
    %get3A = arith.constant 0 : index
    %get3A_0 = arith.constant 0 : index
    %get3A_1 = vector.load %arg1[%get3A, %get3A_0] : memref<5x122880xf32, #tpu.memory_space<vmem>>, vector<4x122880xf32>
    %get3A_2 = arith.constant 0 : index
    %get3A_3 = arith.constant 0 : index
    %get3A_4 = vector.load %arg2[%get3A_2, %get3A_3] : memref<5x122880xf32, #tpu.memory_space<vmem>>, vector<4x122880xf32>
    %mul3A = arith.constant 5.000000e-01 : f32
    %mul3A_5 = vector.broadcast %mul3A : f32 to vector<4x122880xf32>
    %mul3A_6 = arith.mulf %mul3A_5, %get3A_4 : vector<4x122880xf32>
    %mul3A_7 = arith.constant 6.000000e+00 : f32
    %mul3A_8 = vector.broadcast %mul3A_7 : f32 to vector<4x122880xf32>
    %mul3A_9 = arith.mulf %mul3A_8, %get3A_1 : vector<4x122880xf32>
    %tanh3A = math.tanh %mul3A_9 : vector<4x122880xf32>
    %mul3A_10 = arith.mulf %mul3A_6, %tanh3A : vector<4x122880xf32>
    %add3A = arith.addf %mul3A_6, %mul3A_10 : vector<4x122880xf32>
    %slice3A = vector.extract_strided_slice %add3A {offsets = [0, 0], sizes = [1, 122880], strides = [1, 1]} : vector<4x122880xf32> to vector<1x122880xf32>
    %squeeze3A = vector.shape_cast %slice3A : vector<1x122880xf32> to vector<122880xf32>
    %swap3A = arith.constant 0 : index
    %swap3A_11 = vector.load %arg3[%swap3A] : memref<122880xf32, #tpu.memory_space<vmem>>, vector<122880xf32>
    tpu.vector_store %arg3[%swap3A], %squeeze3A {strides = array<i32>} : memref<122880xf32, #tpu.memory_space<vmem>>, vector<122880xf32>,
    %slice3A_12 = vector.extract_strided_slice %add3A {offsets = [1, 0], sizes = [1, 122880], strides = [1, 1]} : vector<4x122880xf32> to vector<1x122880xf32>
    %squeeze3A_13 = vector.shape_cast %slice3A_12 : vector<1x122880xf32> to vector<122880xf32>
    %swap3A_14 = arith.constant 0 : index
    %swap3A_15 = vector.load %arg4[%swap3A_14] : memref<122880xf32, #tpu.memory_space<vmem>>, vector<122880xf32>
    tpu.vector_store %arg4[%swap3A_14], %squeeze3A_13 {strides = array<i32>} : memref<122880xf32, #tpu.memory_space<vmem>>, vector<122880xf32>,
    %slice3A_16 = vector.extract_strided_slice %add3A {offsets = [2, 0], sizes = [1, 122880], strides = [1, 1]} : vector<4x122880xf32> to vector<1x122880xf32>
    %squeeze3A_17 = vector.shape_cast %slice3A_16 : vector<1x122880xf32> to vector<122880xf32>
    %swap3A_18 = arith.constant 0 : index
    %swap3A_19 = vector.load %arg5[%swap3A_18] : memref<122880xf32, #tpu.memory_space<vmem>>, vector<122880xf32>
    tpu.vector_store %arg5[%swap3A_18], %squeeze3A_17 {strides = array<i32>} : memref<122880xf32, #tpu.memory_space<vmem>>, vector<122880xf32>,
    %slice3A_20 = vector.extract_strided_slice %add3A {offsets = [3, 0], sizes = [1, 122880], strides = [1, 1]} : vector<4x122880xf32> to vector<1x122880xf32>
    %squeeze3A_21 = vector.shape_cast %slice3A_20 : vector<1x122880xf32> to vector<122880xf32>
    %swap3A_22 = arith.constant 0 : index
    %swap3A_23 = vector.load %arg6[%swap3A_22] : memref<122880xf32, #tpu.memory_space<vmem>>, vector<122880xf32>
    tpu.vector_store %arg6[%swap3A_22], %squeeze3A_21 {strides = array<i32>} : memref<122880xf32, #tpu.memory_space<vmem>>, vector<122880xf32>,
    return
  }
  func.func @transform_0(%arg0: i32) -> (i32, i32) {
    %c0_i32 = arith.constant 0 : i32
    %c0_i32_0 = arith.constant 0 : i32
    return %c0_i32, %arg0 : i32, i32
  }
  func.func @transform_1(%arg0: i32) -> (i32, i32) {
    %c0_i32 = arith.constant 0 : i32
    %c0_i32_0 = arith.constant 0 : i32
    return %c0_i32, %arg0 : i32, i32
  }
  func.func @transform_2(%arg0: i32) -> i32 {
    %c0_i32 = arith.constant 0 : i32
    return %arg0 : i32
  }
  func.func @transform_3(%arg0: i32) -> i32 {
    %c0_i32 = arith.constant 0 : i32
    return %arg0 : i32
  }
  func.func @transform_4(%arg0: i32) -> i32 {
    %c0_i32 = arith.constant 0 : i32
    return %arg0 : i32
  }
  func.func @transform_5(%arg0: i32) -> i32 {
    %c0_i32 = arith.constant 0 : i32
    return %arg0 : i32
  }
}

</mosaic_0001>

<sc_bundles>
// kernel: kernel.5.cloned.1.call-start
scs
__scs_entry_jumppad:
0x0: {  	(pc) =	sbr.rel $0x88, $3  }
0x1: {  	(tag) =	ssettag $0x0;
	lr =	simm.s32 $0x1  }
0x2: {  	[smem:$0x3F9D] =	sst lr;
	_ =	strace $0xD0000000  }
0x3: {  	_ = 	snop  }
0x4: {  	_ = 	snop  }
0x5: {  	_ = 	snop  }
0x6: {  	_ = 	snop  }
0x7: {  	_ = 	snop  }
__scs_overlays_trampoline_lowered:
0x8: {  	[smem:$0x3FAC] =	sst s0  }
0x9: {  	[smem:$0x3FAD] =	sst s1  }
0xa: {  	[smem:$0x3FAE] =	sst s2  }
0xb: {  	[smem:$0x3FAF] =	sst s3  }
0xc: {  	[smem:$0x3FB0] =	sst s4  }
0xd: {  	[smem:$0x3FB1] =	sst s5  }
0xe: {  	[smem:$0x3FB2] =	sst s6  }
0xf: {  	[smem:$0x3FB3] =	sst s7  }
0x10: {  	[smem:$0x3FB4] =	sst s8  }
0x11: {  	[smem:$0x3FB5] =	sst s9;
	s0 =	simm.s32 @!p0 $0x0  }
0x12: {  	s1 =	sld [smem:$0x3F9B];
	s0 =	simm.s32 @p0 $0x1  }
0x13: {  	[smem:$0x3FB6] =	sst s0;
	s0 =	simm.s32 @!p1 $0x0  }
0x14: {  	s2 =	sld [smem:$0x3F9A];
	s0 =	simm.s32 @p1 $0x1  }
0x15: {  	[smem:$0x3FB7] =	sst s0;
	s0 =	simm.s32 @!p2 $0x0  }
0x16: {  	s3 =	sld [smem:$0x3FDB];
	s0 =	simm.s32 @p2 $0x1  }
0x17: {  	s4 =	simm.s32 $0x1BF5;
	[smem:$0x3FB9] =	sst s0  }
0x18: {  	s0 =	sld [smem:$0x3F9C];
	_ =	swait.ge [sflag:s4], $0x0  }
0x19: {  	s7 =	sld [smem:$0x3F9D]  }
0x1a: {  	s8 =	sadd.s32 $0xFFFFE003, lr  }
0x1b: {  	s9 =	sadd.s32 $0xFFFFFEF7, lr;
	s5 =	simm.s32 $0xFFFFFFFF;
	p2 =	slt.u32 s8, $0xFFFFF086  }
0x1c: {  	p1 =	slt.u32 s9, $0xF7A;
	s5 =	simm.s32 @!p2 $0x0  }
0x1d: {  	s5 =	simm.s32 @p1 $0x1;
	p0 =	seq.s32 s7, s2  }
0x1e: {  	s7 =	smul.u32 @!p0 $0xF7A, s2;
	p2 =	seq.s32 @!p0 s5, $0x0  }
0x1f: {  	s9 =	smul.u32 $0xF7A, s1;
	s8 =	simm.s32 @!p0 $0x1BF5;
	p2 =	por !p2, p0  }
0x20: {  	[sflag:s8] =	ssyncset.s32 @!p0 $0xFFFFF086;
	s6 =	sadd.s32 @!p0 s3, s7;
	s7 =	simm.s32 @!p0 $0x108  }
0x21: {  	s3 =	sadd.s32 s3, s9;
	s6 =	sadd.s32 @!p0 $0x88, s6;
	s7 =	simm.s32 @p2 $0x1082  }
0x22: {  	[simem:s7], [sflag:s8] =	dma.local @!p0 [hbm:s6], $0xF7A  }
0x23: {  	s9 =	sor.u32 $0xD0000000, s2;
	s6 =	simm.s32 $0x108;
	_ =	swait.ge @!p0 [sflag:s8], $0x0  }
0x24: {  	s3 =	sadd.s32 $0x88, s3;
	s6 =	simm.s32 @!p1 $0x1082;
	[sflag:s4] =	ssyncset.s32 $0xFFFFF086  }
0x25: {  	[simem:s6], [sflag:s4] =	dma.local [hbm:s3], $0xF7A  }
0x26: {  	[smem:$0x3F9D] =	sst s1;
	(tag) =	ssettag s2;
	_ =	strace s9  }
0x27: {  	s1 =	sld [smem:$0x3FAD]  }
0x28: {  	s2 =	sld [smem:$0x3FAE]  }
0x29: {  	s4 =	sld [smem:$0x3FB0]  }
0x2a: {  	p0 =	seq.s32 s5, $0x0;
	s5 =	sld [smem:$0x3FB1]  }
0x2b: {  	s6 =	sld [smem:$0x3FB2]  }
0x2c: {  	s7 =	sld [smem:$0x3FB3]  }
0x2d: {  	s3 =	simm.s32 $0x108;
	s8 =	sld [smem:$0x3FB4]  }
0x2e: {  	s3 =	simm.s32 @!p0 $0x1082;
	s9 =	sld [smem:$0x3FB5]  }
0x2f: {  	lr =	sadd.s32 s0, s3;
	s0 =	sld [smem:$0x3FAC]  }
0x30: {  	s3 =	sld [smem:$0x3FAF]  }
0x31: {  	[smem:$0x3FB8] =	sst s10  }
0x32: {  	s10 =	sld [smem:$0x3FB6];
	_ =	sdelay $0x3  }
0x33: {  	p0 =	seq.s32 s10, $0x1;
	s10 =	sld [smem:$0x3FB8];
	_ =	sdelay $0x3  }
0x34: {  	[smem:$0x3FB8] =	sst s10  }
0x35: {  	s10 =	sld [smem:$0x3FB7];
	_ =	sdelay $0x3  }
0x36: {  	p1 =	seq.s32 s10, $0x1;
	s10 =	sld [smem:$0x3FB8];
	_ =	sdelay $0x3  }
0x37: {  	[smem:$0x3FB8] =	sst s10  }
0x38: {  	s10 =	sld [smem:$0x3FB9]  }
0x39: {  	_ = 	snop;
	(pc) =	sbr.ind lr, $3  }
0x3a: {  	_ = 	snop  }
0x3b: {  	_ = 	snop  }
0x3c: {  	p2 =	seq.s32 s10, $0x1;
	s10 =	sld [smem:$0x3FB8]  }
0x3d: {  	_ =	shalt  }
0x3e: {  	_ =	shalt  }
0x3f: {  	_ =	shalt  }
0x40: {  	_ =	shalt  }
0x41: {  	_ =	shalt  }
0x42: {  	_ =	shalt  }
0x43: {  	_ =	shalt  }
0x44: {  	_ =	shalt  }
0x45: {  	_ =	shalt  }
0x46: {  	_ =	shalt  }
0x47: {  	_ =	shalt  }
0x48: {  	_ =	shalt  }
0x49: {  	_ =	shalt  }
0x4a: {  	_ =	shalt  }
0x4b: {  	_ =	shalt  }
0x4c: {  	_ =	shalt  }
0x4d: {  	_ =	shalt  }
0x4e: {  	_ =	shalt  }
0x4f: {  	_ =	shalt  }
0x50: {  	_ =	shalt  }
0x51: {  	_ =	shalt  }
0x52: {  	_ =	shalt  }
0x53: {  	_ =	shalt  }
0x54: {  	_ =	shalt  }
0x55: {  	_ =	shalt  }
0x56: {  	_ =	shalt  }
0x57: {  	_ =	shalt  }
0x58: {  	_ =	shalt  }
0x59: {  	_ =	shalt  }
0x5a: {  	_ =	shalt  }
0x5b: {  	_ =	shalt  }
0x5c: {  	_ =	shalt  }
0x5d: {  	_ =	shalt  }
0x5e: {  	_ =	shalt  }
0x5f: {  	_ =	shalt  }
0x60: {  	_ =	shalt  }
0x61: {  	_ =	shalt  }
0x62: {  	_ =	shalt  }
0x63: {  	_ =	shalt  }
0x64: {  	_ =	shalt  }
0x65: {  	_ =	shalt  }
0x66: {  	_ =	shalt  }
0x67: {  	_ =	shalt  }
0x68: {  	_ =	shalt  }
0x69: {  	_ =	shalt  }
0x6a: {  	_ =	shalt  }
0x6b: {  	_ =	shalt  }
0x6c: {  	_ =	shalt  }
0x6d: {  	_ =	shalt  }
0x6e: {  	_ =	shalt  }
0x6f: {  	_ =	shalt  }
0x70: {  	_ =	shalt  }
0x71: {  	_ =	shalt  }
0x72: {  	_ =	shalt  }
0x73: {  	_ =	shalt  }
0x74: {  	_ =	shalt  }
0x75: {  	_ =	shalt  }
0x76: {  	_ =	shalt  }
0x77: {  	_ =	shalt  }
0x78: {  	_ =	shalt  }
0x79: {  	_ =	shalt  }
0x7a: {  	_ =	shalt  }
0x7b: {  	_ =	shalt  }
0x7c: {  	_ =	shalt  }
0x7d: {  	_ =	shalt  }
0x7e: {  	_ =	shalt  }
0x7f: {  	_ =	shalt  }
0x80: {  	_ =	shalt  }
0x81: {  	_ =	shalt  }
0x82: {  	_ =	shalt  }
0x83: {  	_ =	shalt  }
0x84: {  	_ =	shalt  }
0x85: {  	_ =	shalt  }
0x86: {  	_ =	shalt  }
0x87: {  	_ =	shalt  }
.Lfunc_end0:
.L_simem_size_0:
called_computation_lowered:
.L_overlay_start_0:
0x88: {  	s2 =	sld [smem:$0x3FD9]  }
0x89: {  	s3 =	sld [smem:$0x3FFE];
	_ =	sdelay $0x1  }
0x8a: {  	s1 =	srdreg.scid  }
0x8b: {  	s0 =	sand.u32 $0x1, s1  }
0x8c: {  	s17 =	sshll.u32 s0, $0xA;
	s2 =	sadd.s32 s3, s2  }
0x8d: {  	s2 =	sadd.s32 s2, s17  }
0x8e: {  	[smem:$0x3FC4] =	sst s2  }
0x8f: {  	_ = 	snop  }
0x90: {  	s2 =	sld [smem:$0x3FC7]  }
0x91: {  	s18 =	sld [smem:$0x3FC6];
	(tm) =	ssettm $0x1  }
0x92: {  	s4 =	sld [smem:$0x3FFB];
	_ =	sdelay $0x3  }
0x93: {  	_ =	strace s4  }
0x94: {  	s4 =	sld [smem:$0x3FFC];
	_ =	sdelay $0x3  }
0x95: {  	_ =	strace s4  }
0x96: {  	s4 =	sld [smem:$0x3FFD];
	_ =	sdelay $0x3  }
0x97: {  	_ =	strace s4  }
0x98: {  	_ =	strace $0x8FFFFFFF  }
0x99: {  	s19 =	sld [smem:$0x3FDB];
	_ =	sdelay $0x1  }
0x9a: {  	s5 =	simm.s32 $_scs_section_size  }
0x9b: {  	s6 =	simm.s32 $_size__tile_overlayer_lowered;
	s7 =	simm.s32 $_tile_overlayer_lowered  }
0x9c: {  	s22 =	simm.s32 $0x1BFF;
	s21 =	sshll.u32 s7, $0x1;
	s4 =	sadd.s32 s5, s19  }
0x9d: {  	s8 =	simm.s32 $0x0;
	s20 =	sshll.u32 s6, $0x1;
	s6 =	sadd.s32 s21, s4  }
0x9e: {  	[timem:s8], [sflag:s22] =	dma.local [hbm:s6], s20  }
0x9f: {  	_ =	swait.ge [sflag:s22], s20  }
0xa0: {  	s5 =	ssub.s32 $0x0, s20;
	[sflag:s22] =	ssyncset.done $0x0  }
0xa1: {  	[sflag:s22] =	ssyncadd.s32 s5;
	_ =	sdelay $0x1  }
0xa2: {  	s23 =	simm.s32 $0x1B8B  }
0xa3: {  	_ =	swait.ge [sflag:s23], $0x1  }
0xa4: {  	[sflag:s23] =	ssyncset.done $0x0  }
0xa5: {  	s25 =	simm.s32 $0x1B8E;
	s24 =	sld [smem:$0x3FFE];
	[sflag:s23] =	ssyncadd.s32 $0xFFFFFFFF  }
0xa6: {  	s26 =	simm.s32 $execute0_lowered;
	[smem:$0x3FD2] =	sst s25  }
0xa7: {  	s6 =	sshll.u32 s26, $0x1;
	_ =	strace $0x80000046;
	[dreg:$0x1] =	wrdreg $0xFFFFFFFF  }
0xa8: {  	s28 =	simm.s32 $_size_execute0_lowered;
	s4 =	sadd.s32 s4, s6;
	[dreg:$0x0] =	wrdreg $0x0  }
0xa9: {  	s6 =	sshll.u32 s28, $0x1;
	[dreg:$0x2] =	wrdreg s4  }
0xaa: {  	[dreg:$0x3] =	wrdreg s6  }
0xab: {  	[dreg:$0x4] =	wrdreg $0xC0  }
0xac: {  	_ =	task [dreg:s8], $0x5FFFF  }
0xad: {  	[dreg:$0x1] =	wrdreg $0xFFFFFFFF  }
0xae: {  	[dreg:$0x0] =	wrdreg $0x60  }
0xaf: {  	[dreg:$0x2] =	wrdreg s24  }
0xb0: {  	[dreg:$0x3] =	wrdreg s2  }
0xb1: {  	[dreg:$0x4] =	wrdreg s18  }
0xb2: {  	[dreg:$0x5] =	wrdreg $0x9  }
0xb3: {  	_ =	task.clear_ibuf [dreg:s8], $0x6FFFF;
	_ =	strace $0x90000046  }
0xb4: {  	s29 =	simm.s32 $0x9;
	_ =	strace $0x80000048  }
0xb5: {  	_ =	swait.ge [sflag:s29], $0x1  }
0xb6: {  	[sflag:s29] =	ssyncadd.s32 $0xFFFFFFFF  }
0xb7: {  	_ =	strace $0x90000048  }
0xb8: {  	_ =	sfence  }
0xb9: {  	s30 =	sld [smem:$0x0];
	_ =	sdelay $0x2  }
0xba: {  	s31 =	sshll.u32 s1, $0xD;
	s1 =	sshrl.u32 s1, $0x2  }
0xbb: {  	s3 =	sand.u32 $0x4000, s31;
	s1 =	sadd.s32 s1, s30  }
0xbc: {  	s0 =	sor.u32 s3, s0;
	s1 =	sshll.u32 s1, $0x11  }
0xbd: {  	s0 =	sor.u32 s1, s0  }
0xbe: {  	s0 =	sadd.s32 $0x8F2B, s0  }
0xbf: {  	[sflag:s0] =	ssyncadd.remote.s32 $0x1  }
0xc0: {  	_ =	sfence.sel $0xFFFF  }
0xc1: {  	[dreg:$0x0] =	wrdreg $0xFFFFFFFF;
	(pc) =	sbr.abs _section_cstart, $3  }
0xc2: {  	[dreg:$0x1] =	wrdreg $0xFFFFFFFF  }
0xc3: {  	_ =	task.clear_ibuf [dreg:s8], $0x2FFFF;
	_ =	strace $0x9FFFFFFF  }
0xc4: {  	(tm) =	ssettm $0x7FFFFFFF  }
0xc5: {  	_ =	shalt  }
tec
execute0_lowered:
.L_overlay_start_1:
0x0: {  	(tag) =	ssettag $0x1  }
0x1: {  	vm13 =	vcmask $0x300  }
0x2: {  	v2 =	vimm.s32 $0x178B;
	vm14 =	vcmask $0x704;
	v3 =	vimm.s32 $0x36EB  }
0x3: {  	vm12 =	vcmask $0xB08;
	vm11 =	vcmask $0xF0C;
	vm10 =	vcmask $0x1310  }
0x4: {  	vm9 =	vcmask $0x1714;
	vm7 =	vcmask $0x1B18;
	vm8 =	vcmask $0x1F1C  }
0x5: {  	vm6 =	vcmask $0x2320;
	vm5 =	vcmask $0x2724;
	vm4 =	vcmask $0x2B28  }
0x6: {  	vm3 =	vcmask $0x2F2C;
	vm2 =	vcmask $0x3330;
	vm1 =	vcmask $0x3734  }
0x7: {  	vm0 =	vcmask $0x3B38;
	v4 =	vimm.s32 $0x564B;
	v5 =	vimm.s32 $0x75AB  }
0x8: {  	v6 =	vimm.s32 $0x178F;
	v9 =	vimm.s32 $0x36EF;
	v10 =	vimm.s32 $0x564F  }
0x9: {  	v11 =	vimm.s32 $0x75AF;
	v2 =	vsel vm13, $0x0, v2;
	v3 =	vsel vm13, $0x1F60, v3  }
0xa: {  	v4 =	vsel vm13, $0x3EC0, v4;
	v5 =	vsel vm13, $0x5E20, v5;
	v6 =	vsel vm13, $0x4, v6  }
0xb: {  	v9 =	vsel vm13, $0x1F64, v9;
	v10 =	vsel vm13, $0x3EC4, v10;
	v11 =	vsel vm13, $0x5E24, v11  }
0xc: {  	v2 =	vsel vm14, $0x7D8, v2;
	v3 =	vsel vm14, $0x2738, v3;
	v4 =	vsel vm14, $0x4698, v4  }
0xd: {  	v5 =	vsel vm14, $0x65F8, v5;
	v6 =	vsel vm14, $0x7DC, v6;
	v9 =	vsel vm14, $0x273C, v9  }
0xe: {  	v10 =	vsel vm14, $0x469C, v10;
	v11 =	vsel vm14, $0x65FC, v11;
	v2 =	vsel vm12, $0xFB0, v2  }
0xf: {  	v3 =	vsel vm12, $0x2F10, v3;
	v4 =	vsel vm12, $0x4E70, v4;
	v5 =	vsel vm12, $0x6DD0, v5  }
0x10: {  	v6 =	vsel vm12, $0xFB4, v6;
	v9 =	vsel vm12, $0x2F14, v9;
	v10 =	vsel vm12, $0x4E74, v10  }
0x11: {  	v11 =	vsel vm12, $0x6DD4, v11;
	v2 =	vsel vm11, $0x1788, v2;
	v3 =	vsel vm11, $0x36E8, v3  }
0x12: {  	v4 =	vsel vm11, $0x5648, v4;
	v5 =	vsel vm11, $0x75A8, v5;
	v6 =	vsel vm11, $0x178C, v6  }
0x13: {  	v9 =	vsel vm11, $0x36EC, v9;
	v10 =	vsel vm11, $0x564C, v10;
	v11 =	vsel vm11, $0x75AC, v11  }
0x14: {  	v2 =	vsel vm10, $0x1, v2;
	v3 =	vsel vm10, $0x1F61, v3;
	v4 =	vsel vm10, $0x3EC1, v4  }
0x15: {  	v5 =	vsel vm10, $0x5E21, v5;
	v6 =	vsel vm10, $0x5, v6;
	v9 =	vsel vm10, $0x1F65, v9  }
0x16: {  	v10 =	vsel vm10, $0x3EC5, v10;
	v11 =	vsel vm10, $0x5E25, v11;
	v2 =	vsel vm9, $0x7D9, v2  }
0x17: {  	v3 =	vsel vm9, $0x2739, v3;
	v4 =	vsel vm9, $0x4699, v4;
	v5 =	vsel vm9, $0x65F9, v5  }
0x18: {  	v6 =	vsel vm9, $0x7DD, v6;
	v9 =	vsel vm9, $0x273D, v9;
	v10 =	vsel vm9, $0x469D, v10  }
0x19: {  	v11 =	vsel vm9, $0x65FD, v11;
	v2 =	vsel vm7, $0xFB1, v2;
	v3 =	vsel vm7, $0x2F11, v3  }
0x1a: {  	v4 =	vsel vm7, $0x4E71, v4;
	v5 =	vsel vm7, $0x6DD1, v5;
	v6 =	vsel vm7, $0xFB5, v6  }
0x1b: {  	v9 =	vsel vm7, $0x2F15, v9;
	v10 =	vsel vm7, $0x4E75, v10;
	v11 =	vsel vm7, $0x6DD5, v11  }
0x1c: {  	s3 =	rddreg [dreg:$0x0];
	v2 =	vsel vm8, $0x1789, v2;
	v3 =	vsel vm8, $0x36E9, v3;
	v4 =	vsel vm8, $0x5649, v4  }
0x1d: {  	s0 =	rddreg [dreg:$0x1];
	v5 =	vsel vm8, $0x75A9, v5;
	v6 =	vsel vm8, $0x178D, v6;
	v9 =	vsel vm8, $0x36ED, v9  }
0x1e: {  	s2 =	rddreg [dreg:$0x2];
	v10 =	vsel vm8, $0x564D, v10;
	v11 =	vsel vm8, $0x75AD, v11;
	v2 =	vsel vm6, $0x2, v2  }
0x1f: {  	s1 =	srdreg.scid;
	s5 =	stileid.u32;
	v3 =	vsel vm6, $0x1F62, v3;
	v4 =	vsel vm6, $0x3EC2, v4;
	v5 =	vsel vm6, $0x5E22, v5  }
0x20: {  	s4 =	simm.s32 $0x0;
	s9 =	sand.u32 $0x1, s1;
	s12 =	sshll.u32 s5, $0x1;
	v6 =	vsel vm6, $0x6, v6;
	v9 =	vsel vm6, $0x1F66, v9;
	v10 =	vsel vm6, $0x3EC6, v10  }
0x21: {  	[smem:$0x7FF] =	sst s4;
	s1 =	sor.u32 s9, s12;
	v11 =	vsel vm6, $0x5E26, v11;
	v2 =	vsel vm5, $0x7DA, v2;
	v3 =	vsel vm5, $0x273A, v3  }
0x22: {  	s5 =	sadd.s32 $0x1000, s3;
	s6 =	sadd.s32 $0x1FA00, s3;
	s10 =	smul.u32 $0x7D0, s1;
	v4 =	vsel vm5, $0x469A, v4;
	v5 =	vsel vm5, $0x65FA, v5;
	v6 =	vsel vm5, $0x7DE, v6  }
0x23: {  	s7 =	sadd.s32 $0x3E400, s3;
	s8 =	sadd.s32 $0x5CE00, s3;
	s9 =	ssub.s32 $0x2, s9;
	v9 =	vsel vm5, $0x273E, v9;
	v10 =	vsel vm5, $0x469E, v10;
	v11 =	vsel vm5, $0x65FE, v11  }
0x24: {  	_ =	strace $0x80000047;
	s13 =	sshrl.u32 s9, $0x1;
	s10 =	sshrl.u32 s10, $0x3;
	v2 =	vsel vm4, $0xFB2, v2;
	v3 =	vsel vm4, $0x2F12, v3;
	v4 =	vsel vm4, $0x4E72, v4  }
0x25: {  	s11 =	sshll.u32 s1, $0x5;
	s9 =	ssub.s32 s9, s13;
	s14 =	sadd.s32 s5, s10;
	v5 =	vsel vm4, $0x6DD2, v5;
	v6 =	vsel vm4, $0xFB6, v6;
	v9 =	vsel vm4, $0x2F16, v9  }
0x26: {  	s15 =	sadd.s32 $0x7A12, s10;
	s18 =	sadd.s32 s6, s10;
	[dreg:$0x4] =	wrdreg s14;
	v10 =	vsel vm4, $0x4E76, v10;
	v11 =	vsel vm4, $0x6DD6, v11;
	v2 =	vsel vm3, $0x178A, v2  }
0x27: {  	s16 =	sadd.s32 $0xF424, s10;
	s21 =	sadd.s32 s7, s10;
	[dreg:$0x8] =	wrdreg s18;
	v3 =	vsel vm3, $0x36EA, v3;
	v4 =	vsel vm3, $0x564A, v4;
	v5 =	vsel vm3, $0x75AA, v5  }
0x28: {  	s13 =	sadd.s32 $0x16E36, s10;
	s10 =	sadd.s32 s8, s10;
	[dreg:$0xb] =	wrdreg s21;
	v6 =	vsel vm3, $0x178E, v6;
	v9 =	vsel vm3, $0x36EE, v9;
	v10 =	vsel vm3, $0x564E, v10  }
0x29: {  	s26 =	smul.u32 $0x3E8, s1;
	s12 =	sadd.s32 s5, s15;
	[dreg:$0xe] =	wrdreg s10;
	v11 =	vsel vm3, $0x75AE, v11;
	v2 =	vsel vm2, $0x3, v2;
	v5 =	vsel vm2, $0x5E23, v5  }
0x2a: {  	s30 =	sor.u32 $0x40, s1;
	s14 =	sadd.s32 s5, s16;
	[dreg:$0x5] =	wrdreg s12;
	v3 =	vsel vm2, $0x1F63, v3;
	v4 =	vsel vm2, $0x3EC3, v4;
	v5 =	vsel vm1, $0x65FB, v5  }
0x2b: {  	s31 =	sor.u32 $0x20, s1;
	s17 =	sadd.s32 s5, s13;
	[dreg:$0x6] =	wrdreg s14;
	v7 =	vsel vm2, $0x7, v6;
	v2 =	vsel vm1, $0x7DB, v2;
	v5 =	vsel vm0, $0x6DD3, v5  }
0x2c: {  	s1 =	simm.s32 $0x17800;
	s19 =	sadd.s32 s6, s15;
	[dreg:$0x7] =	wrdreg s17;
	v9 =	vsel vm2, $0x1F67, v9;
	v3 =	vsel vm1, $0x273B, v3;
	v2 =	vsel vm0, $0xFB3, v2;
	[tilespmem:$0x1FF70] =	vst v5  }
0x2d: {  	s3 =	sadd.s32 s11, s3;
	s20 =	sadd.s32 s6, s16;
	[dreg:$0x9] =	wrdreg s19;
	v10 =	vsel vm2, $0x3EC7, v10;
	v4 =	vsel vm1, $0x469B, v4;
	v3 =	vsel vm0, $0x2F13, v3;
	[tilespmem:$0x1FF80] =	vst v2  }
0x2e: {  	s11 =	simm.s32 $0x3;
	s22 =	sadd.s32 s7, s15;
	[dreg:$0xa] =	wrdreg s20;
	v11 =	vsel vm2, $0x5E27, v11;
	v10 =	vsel vm1, $0x469F, v10;
	v4 =	vsel vm0, $0x4E73, v4;
	[tilespmem:$0x1FF90] =	vst v3  }
0x2f: {  	s28 =	sadd.s32 $0x7B800, s3;
	s23 =	sadd.s32 s7, s16;
	[dreg:$0xc] =	wrdreg s22;
	v8 =	vsel vm1, $0x7DF, v7;
	v9 =	vsel vm1, $0x273F, v9;
	v6 =	vsel vm0, $0x4E77, v10;
	[tilespmem:$0x1FFA0] =	vst v4  }
0x30: {  	s29 =	smax.u32 s9, $0x1;
	s24 =	sadd.s32 s8, s15;
	[dreg:$0xd] =	wrdreg s23;
	v11 =	vsel vm1, $0x65FF, v11;
	v50 =	vsel vm0, $0xFB7, v8;
	v8 =	vsel vm0, $0x2F17, v9;
	[tilespmem:$0x1FFD0] =	vst v6  }
0x31: {  	s3 =	simm.s32 $0x1;
	s25 =	sadd.s32 s8, s16;
	[dreg:$0xf] =	wrdreg s24;
	v5 =	vlaneseq.u32;
	[tilespmem:$0x1FFE0] =	vst v50;
	v10 =	vmov v8;
	v8 =	vsel vm0, $0x6DD7, v11  }
0x32: {  	s9 =	simm.s32 $0x2;
	s10 =	simm.s32 $0x7D80;
	[dreg:$0x10] =	wrdreg s25;
	v9 =	vand.u32 $0x7, v5;
	[tilespmem:$0x1FFB0] =	vst v8  }
0x33: {  	v1 =	vimm.s32 $0x0;
	s22 =	sadd.s32 s6, s13;
	s23 =	sadd.s32 s7, s13;
	s24 =	sadd.s32 s8, s13;
	[tilespmem:$0x1FFC0] =	vst v9  }
0x34: {  	v0 =	vimm.f32 $0.0e+00;
	v44 =	vsel vm13, $0x3, v1;
	s25 =	sadd.s32 s0, s26;
	s26 =	sadd.s32 s2, s26;
	s12 =	simm.s32 $0x0;
	v61 =	vmul.u32 $0x101, v5;
	v11 =	vmovc v6;
	[tilespmem:$0x1FFF0] =	vst v10  }
.LBB2_1:
0x35: {  	s13 =	simm.s32 $0x17840  }
0x36: {  	[tilespmem:s13+$0xFFFFFFC0] =	vst v0  }
0x37: {  	[tilespmem:s13+$0x30] =	vst v0  }
0x38: {  	[tilespmem:s13+$0x20] =	vst v0  }
0x39: {  	[tilespmem:s13+$0x10] =	vst v0  }
0x3a: {  	[tilespmem:s13+$0x0] =	vst v0  }
0x3b: {  	[tilespmem:s13+$0xFFFFFFF0] =	vst v0  }
0x3c: {  	s14 =	simm.s32 $0x0;
	[tilespmem:s13+$0xFFFFFFE0] =	vst v0  }
.LBB2_2:
0x3d: {  	s14 =	sadd.s32 $0x8, s14;
	[tilespmem:s13+$0xFFFFFFD0] =	vst v0;
	s13 =	sadd.s32 $0x80, s13  }
0x3e: {  	[tilespmem:s13+$0xFFFFFFC0] =	vst v0;
	p0 =	slt.u32 s14, $0xF8  }
0x3f: {  	[tilespmem:s13+$0x30] =	vst v0  }
.Ltmp0:
0x40: {  	[tilespmem:s13+$0x20] =	vst v0;
	(pc) =	sbr.rel @p0 .LBB2_2-.Ltmp0, $4  }
0x41: {  	[tilespmem:s13+$0x10] =	vst v0  }
0x42: {  	[tilespmem:s13+$0x0] =	vst v0  }
0x43: {  	[tilespmem:s13+$0xFFFFFFF0] =	vst v0  }
0x44: {  	[tilespmem:s13+$0xFFFFFFE0] =	vst v0  }
0x45: {  	[tilespmem:s13+$0xFFFFFFD0] =	vst v0  }
0x46: {  	s13 =	simm.s32 $0x0;
	[tilespmem:$0x18800] =	vst v0;
	s14 =	rddreg [dreg:$0x4]  }
0x47: {  	[tilespmem:s13], [sflag:$0x1] =	stream.linear.gather [hbm4b:s14+s13], $0x7D0, $0x38;
	[tilespmem:$0x18910] =	vst v63  }
0x48: {  	s15 =	simm.s32 $0x1F60;
	s21 =	rddreg [dreg:$0x5]  }
0x49: {  	[tilespmem:s15], [sflag:$0x1] =	stream.linear.gather [hbm4b:s21+s13], $0x7D0, $0x38;
	[tilespmem:$0x18910] =	vst v63  }
0x4a: {  	s17 =	simm.s32 $0x3EC0;
	s16 =	rddreg [dreg:$0x6]  }
0x4b: {  	[tilespmem:s17], [sflag:$0x1] =	stream.linear.gather [hbm4b:s16+s13], $0x7D0, $0x38;
	[tilespmem:$0x18910] =	vst v63  }
0x4c: {  	s19 =	simm.s32 $0x5E20;
	s18 =	rddreg [dreg:$0x7]  }
0x4d: {  	[tilespmem:s19], [sflag:$0x1] =	stream.linear.gather [hbm4b:s18+s13], $0x7D0, $0x38;
	[tilespmem:$0x18910] =	vst v63  }
0x4e: {  	s20 =	rddreg [dreg:$0x8];
	s21 =	simm.s32 $0x7D8  }
0x4f: {  	[tilespmem:s21], [sflag:$0x1] =	stream.linear.gather [hbm4b:s20+s13], $0x7D0, $0x38;
	[tilespmem:$0x18910] =	vst v63  }
0x50: {  	s15 =	rddreg [dreg:$0x9];
	s16 =	simm.s32 $0x2738  }
0x51: {  	[tilespmem:s16], [sflag:$0x1] =	stream.linear.gather [hbm4b:s15+s13], $0x7D0, $0x38;
	[tilespmem:$0x18910] =	vst v63  }
0x52: {  	s17 =	rddreg [dreg:$0xa];
	s18 =	simm.s32 $0x4698  }
0x53: {  	[tilespmem:s18], [sflag:$0x1] =	stream.linear.gather [hbm4b:s17+s13], $0x7D0, $0x38;
	[tilespmem:$0x18910] =	vst v63  }
0x54: {  	s19 =	simm.s32 $0x65F8  }
0x55: {  	[tilespmem:s19], [sflag:$0x1] =	stream.linear.gather [hbm4b:s22+s13], $0x7D0, $0x38;
	[tilespmem:$0x18910] =	vst v63  }
0x56: {  	s20 =	rddreg [dreg:$0xb];
	s21 =	simm.s32 $0xFB0  }
0x57: {  	[tilespmem:s21], [sflag:$0x1] =	stream.linear.gather [hbm4b:s20+s13], $0x7D0, $0x38;
	[tilespmem:$0x18910] =	vst v63  }
0x58: {  	s15 =	rddreg [dreg:$0xc];
	s16 =	simm.s32 $0x2F10  }
0x59: {  	[tilespmem:s16], [sflag:$0x1] =	stream.linear.gather [hbm4b:s15+s13], $0x7D0, $0x38;
	[tilespmem:$0x18910] =	vst v63  }
0x5a: {  	s17 =	rddreg [dreg:$0xd];
	s18 =	simm.s32 $0x4E70  }
0x5b: {  	[tilespmem:s18], [sflag:$0x1] =	stream.linear.gather [hbm4b:s17+s13], $0x7D0, $0x38;
	[tilespmem:$0x18910] =	vst v63  }
0x5c: {  	s19 =	simm.s32 $0x6DD0  }
0x5d: {  	[tilespmem:s19], [sflag:$0x1] =	stream.linear.gather [hbm4b:s23+s13], $0x7D0, $0x38;
	[tilespmem:$0x18910] =	vst v63  }
0x5e: {  	s20 =	rddreg [dreg:$0xe];
	s21 =	simm.s32 $0x1788  }
0x5f: {  	[tilespmem:s21], [sflag:$0x1] =	stream.linear.gather [hbm4b:s20+s13], $0x7D0, $0x38;
	[tilespmem:$0x18910] =	vst v63  }
0x60: {  	s15 =	rddreg [dreg:$0xf];
	s16 =	simm.s32 $0x36E8  }
0x61: {  	[tilespmem:s16], [sflag:$0x1] =	stream.linear.gather [hbm4b:s15+s13], $0x7D0, $0x38;
	[tilespmem:$0x18910] =	vst v63  }
0x62: {  	s17 =	rddreg [dreg:$0x10];
	s18 =	simm.s32 $0x5648  }
0x63: {  	[tilespmem:s18], [sflag:$0x1] =	stream.linear.gather [hbm4b:s17+s13], $0x7D0, $0x38;
	[tilespmem:$0x18910] =	vst v63  }
0x64: {  	s19 =	simm.s32 $0x75A8  }
0x65: {  	[tilespmem:s19], [sflag:$0x1] =	stream.linear.gather [hbm4b:s24+s13], $0x7D0, $0x38;
	[tilespmem:$0x18910] =	vst v63  }
.Ltmp1:
0x66: {  	_ = 	snop;
	(pc) =	sbr.rel .LBB2_4-.Ltmp1, $4  }
0x67: {  	s20 =	simm.s32 $0xFB00  }
0x68: {  	[tilespmem:s20], [sflag:$0x1] =	stream.linear.gather [hbm4b:s25+s13], $0x1F40, $0x38;
	[tilespmem:$0x18910] =	vst v63  }
0x69: {  	p2 =	por $0x1, $0x1;
	s21 =	simm.s32 $0x13980  }
0x6a: {  	v2 =	vld [tilespmem:$0x1FF70];
	[tilespmem:s21], [sflag:$0x1] =	stream.linear.gather [hbm4b:s26+s13], $0x1F40, $0x38  }
.LBB2_10:
.Ltmp2:
0x6b: {  	(pc) =	sbr.rel @!p0 .LBB2_11-.Ltmp2, $3  }
0x6c: {  	_ =	sdelay $0x1  }
0x6d: {  	s15 =	simm.s32 $0xF0F  }
0x6e: {  	s14 =	simm.s32 $0x18810;
	s13 =	simm.s32 $0x40;
	p2 =	por $0x0, $0x0  }
.LBB2_4:
0x6f: {  	s14 =	sor.u32 s31, s13  }
0x70: {  	p1 =	sgt.u32 s14, $0x7C  }
0x71: {  	s15 =	smul.u32 @!p1 $0x7D0, s14;
	_ =	sdelay $0x1  }
0x72: {  	s15 =	sshrl.u32 @!p1 s15, $0x3  }
0x73: {  	s17 =	simm.s32 @!p1 $0x0;
	s18 =	simm.s32 @!p1 $0x7D80;
	s16 =	sadd.s32 @!p1 s5, s15  }
0x74: {  	[tilespmem:s18], [sflag:$0x2] =	stream.linear.gather @!p1 [hbm4b:s16+s17], $0x7D0, $0x38;
	[tilespmem:$0x18910] =	vst v63  }
0x75: {  	s16 =	sadd.s32 @!p1 $0x7A12, s15  }
0x76: {  	s19 =	simm.s32 @!p1 $0x9CE0;
	s18 =	sadd.s32 @!p1 s5, s16  }
0x77: {  	[tilespmem:s19], [sflag:$0x2] =	stream.linear.gather @!p1 [hbm4b:s18+s17], $0x7D0, $0x38;
	[tilespmem:$0x18910] =	vst v63  }
0x78: {  	s18 =	sadd.s32 @!p1 $0xF424, s15  }
0x79: {  	s20 =	simm.s32 @!p1 $0xBC40;
	s19 =	sadd.s32 @!p1 s5, s18  }
0x7a: {  	[tilespmem:s20], [sflag:$0x2] =	stream.linear.gather @!p1 [hbm4b:s19+s17], $0x7D0, $0x38;
	[tilespmem:$0x18910] =	vst v63  }
0x7b: {  	s19 =	sadd.s32 @!p1 $0x16E36, s15  }
0x7c: {  	s21 =	simm.s32 @!p1 $0xDBA0;
	s20 =	sadd.s32 @!p1 s5, s19  }
0x7d: {  	[tilespmem:s21], [sflag:$0x2] =	stream.linear.gather @!p1 [hbm4b:s20+s17], $0x7D0, $0x38;
	[tilespmem:$0x18910] =	vst v63  }
0x7e: {  	s20 =	sadd.s32 @!p1 s6, s15;
	s21 =	simm.s32 @!p1 $0x8558  }
0x7f: {  	[tilespmem:s21], [sflag:$0x2] =	stream.linear.gather @!p1 [hbm4b:s20+s17], $0x7D0, $0x38;
	[tilespmem:$0x18910] =	vst v63  }
0x80: {  	s20 =	sadd.s32 @!p1 s6, s16;
	s21 =	simm.s32 @!p1 $0xA4B8  }
0x81: {  	[tilespmem:s21], [sflag:$0x2] =	stream.linear.gather @!p1 [hbm4b:s20+s17], $0x7D0, $0x38;
	[tilespmem:$0x18910] =	vst v63  }
0x82: {  	s20 =	sadd.s32 @!p1 s6, s18;
	s21 =	simm.s32 @!p1 $0xC418  }
0x83: {  	[tilespmem:s21], [sflag:$0x2] =	stream.linear.gather @!p1 [hbm4b:s20+s17], $0x7D0, $0x38;
	[tilespmem:$0x18910] =	vst v63  }
0x84: {  	s20 =	sadd.s32 @!p1 s6, s19;
	s21 =	simm.s32 @!p1 $0xE378  }
0x85: {  	[tilespmem:s21], [sflag:$0x2] =	stream.linear.gather @!p1 [hbm4b:s20+s17], $0x7D0, $0x38;
	[tilespmem:$0x18910] =	vst v63  }
0x86: {  	s20 =	sadd.s32 @!p1 s7, s15;
	s21 =	simm.s32 @!p1 $0x8D30  }
0x87: {  	[tilespmem:s21], [sflag:$0x2] =	stream.linear.gather @!p1 [hbm4b:s20+s17], $0x7D0, $0x38;
	[tilespmem:$0x18910] =	vst v63  }
0x88: {  	s20 =	sadd.s32 @!p1 s7, s16;
	s21 =	simm.s32 @!p1 $0xAC90  }
0x89: {  	[tilespmem:s21], [sflag:$0x2] =	stream.linear.gather @!p1 [hbm4b:s20+s17], $0x7D0, $0x38;
	[tilespmem:$0x18910] =	vst v63  }
0x8a: {  	s20 =	sadd.s32 @!p1 s7, s18;
	s21 =	simm.s32 @!p1 $0xCBF0  }
0x8b: {  	[tilespmem:s21], [sflag:$0x2] =	stream.linear.gather @!p1 [hbm4b:s20+s17], $0x7D0, $0x38;
	[tilespmem:$0x18910] =	vst v63  }
0x8c: {  	s20 =	sadd.s32 @!p1 s7, s19;
	s21 =	simm.s32 @!p1 $0xEB50  }
0x8d: {  	[tilespmem:s21], [sflag:$0x2] =	stream.linear.gather @!p1 [hbm4b:s20+s17], $0x7D0, $0x38;
	[tilespmem:$0x18910] =	vst v63  }
0x8e: {  	s15 =	sadd.s32 @!p1 s8, s15;
	s20 =	simm.s32 @!p1 $0x9508  }
0x8f: {  	[tilespmem:s20], [sflag:$0x2] =	stream.linear.gather @!p1 [hbm4b:s15+s17], $0x7D0, $0x38;
	[tilespmem:$0x18910] =	vst v63  }
0x90: {  	s15 =	sadd.s32 @!p1 s8, s16;
	s16 =	simm.s32 @!p1 $0xB468  }
0x91: {  	[tilespmem:s16], [sflag:$0x2] =	stream.linear.gather @!p1 [hbm4b:s15+s17], $0x7D0, $0x38;
	[tilespmem:$0x18910] =	vst v63  }
0x92: {  	s15 =	sadd.s32 @!p1 s8, s18;
	s16 =	simm.s32 @!p1 $0xD3C8  }
0x93: {  	[tilespmem:s16], [sflag:$0x2] =	stream.linear.gather @!p1 [hbm4b:s15+s17], $0x7D0, $0x38;
	[tilespmem:$0x18910] =	vst v63  }
0x94: {  	s14 =	smul.u32 @!p1 $0x3E8, s14;
	s15 =	sadd.s32 @!p1 s8, s19;
	s16 =	simm.s32 @!p1 $0xF328  }
0x95: {  	[tilespmem:s16], [sflag:$0x2] =	stream.linear.gather @!p1 [hbm4b:s15+s17], $0x7D0, $0x38;
	[tilespmem:$0x18910] =	vst v63  }
0x96: {  	s15 =	sadd.s32 @!p1 s0, s14;
	s16 =	simm.s32 @!p1 $0x11A40  }
0x97: {  	[tilespmem:s16], [sflag:$0x2] =	stream.linear.gather @!p1 [hbm4b:s15+s17], $0x1F40, $0x38;
	[tilespmem:$0x18910] =	vst v63  }
0x98: {  	s14 =	sadd.s32 @!p1 s2, s14;
	s15 =	simm.s32 @!p1 $0x158C0  }
0x99: {  	[tilespmem:s15], [sflag:$0x2] =	stream.linear.gather @!p1 [hbm4b:s14+s17], $0x1F40, $0x38;
	[tilespmem:$0x18910] =	vst v63  }
0x9a: {  	_ =	swait.ge [sflag:s3], $0x7D0  }
0x9b: {  	[sflag:s3] =	ssyncset.done $0x0  }
0x9c: {  	[sflag:s3] =	ssyncadd.s32 $0xFFFFF830  }
0x9d: {  	_ =	swait.ge [sflag:s3], $0x7D0  }
0x9e: {  	[sflag:s3] =	ssyncset.done $0x0  }
0x9f: {  	[sflag:s3] =	ssyncadd.s32 $0xFFFFF830  }
0xa0: {  	_ =	swait.ge [sflag:s3], $0x7D0  }
0xa1: {  	[sflag:s3] =	ssyncset.done $0x0  }
0xa2: {  	[sflag:s3] =	ssyncadd.s32 $0xFFFFF830  }
0xa3: {  	_ =	swait.ge [sflag:s3], $0x7D0  }
0xa4: {  	[sflag:s3] =	ssyncset.done $0x0  }
0xa5: {  	[sflag:s3] =	ssyncadd.s32 $0xFFFFF830  }
0xa6: {  	_ =	swait.ge [sflag:s3], $0x7D0  }
0xa7: {  	[sflag:s3] =	ssyncset.done $0x0  }
0xa8: {  	[sflag:s3] =	ssyncadd.s32 $0xFFFFF830  }
0xa9: {  	_ =	swait.ge [sflag:s3], $0x7D0  }
0xaa: {  	[sflag:s3] =	ssyncset.done $0x0  }
0xab: {  	[sflag:s3] =	ssyncadd.s32 $0xFFFFF830  }
0xac: {  	_ =	swait.ge [sflag:s3], $0x7D0  }
0xad: {  	[sflag:s3] =	ssyncset.done $0x0  }
0xae: {  	[sflag:s3] =	ssyncadd.s32 $0xFFFFF830  }
0xaf: {  	_ =	swait.ge [sflag:s3], $0x7D0  }
0xb0: {  	[sflag:s3] =	ssyncset.done $0x0  }
0xb1: {  	[sflag:s3] =	ssyncadd.s32 $0xFFFFF830  }
0xb2: {  	_ =	swait.ge [sflag:s3], $0x7D0  }
0xb3: {  	[sflag:s3] =	ssyncset.done $0x0  }
0xb4: {  	[sflag:s3] =	ssyncadd.s32 $0xFFFFF830  }
0xb5: {  	_ =	swait.ge [sflag:s3], $0x7D0  }
0xb6: {  	[sflag:s3] =	ssyncset.done $0x0  }
0xb7: {  	[sflag:s3] =	ssyncadd.s32 $0xFFFFF830  }
0xb8: {  	_ =	swait.ge [sflag:s3], $0x7D0  }
0xb9: {  	[sflag:s3] =	ssyncset.done $0x0  }
0xba: {  	[sflag:s3] =	ssyncadd.s32 $0xFFFFF830  }
0xbb: {  	_ =	swait.ge [sflag:s3], $0x7D0  }
0xbc: {  	[sflag:s3] =	ssyncset.done $0x0  }
0xbd: {  	[sflag:s3] =	ssyncadd.s32 $0xFFFFF830  }
0xbe: {  	_ =	swait.ge [sflag:s3], $0x7D0  }
0xbf: {  	[sflag:s3] =	ssyncset.done $0x0  }
0xc0: {  	[sflag:s3] =	ssyncadd.s32 $0xFFFFF830  }
0xc1: {  	_ =	swait.ge [sflag:s3], $0x7D0  }
0xc2: {  	[sflag:s3] =	ssyncset.done $0x0  }
0xc3: {  	[sflag:s3] =	ssyncadd.s32 $0xFFFFF830  }
0xc4: {  	_ =	swait.ge [sflag:s3], $0x7D0  }
0xc5: {  	[sflag:s3] =	ssyncset.done $0x0  }
0xc6: {  	[sflag:s3] =	ssyncadd.s32 $0xFFFFF830  }
0xc7: {  	_ =	swait.ge [sflag:s3], $0x7D0  }
0xc8: {  	[sflag:s3] =	ssyncset.done $0x0  }
0xc9: {  	[sflag:s3] =	ssyncadd.s32 $0xFFFFF830  }
0xca: {  	_ =	swait.ge [sflag:s3], $0x1F40  }
0xcb: {  	[sflag:s3] =	ssyncset.done $0x0  }
0xcc: {  	[sflag:s3] =	ssyncadd.s32 $0xFFFFE0C0  }
0xcd: {  	_ =	swait.ge [sflag:s3], $0x1F40  }
0xce: {  	[sflag:s3] =	ssyncset.done $0x0;
	v0 =	vld [tilespmem:$0x1FF90]  }
0xcf: {  	s14 =	simm.s32 $0xFB50;
	s17 =	simm.s32 $0x0;
	v1 =	vld [tilespmem:$0x1FF80];
	[sflag:s3] =	ssyncadd.s32 $0xFFFFE0C0  }
0xd0: {  	v15 =	vmov s17;
	v13 =	vld [tilespmem:s14+$0x20]  }
0xd1: {  	v15 =	vshrl.u32 v15, $0x3;
	v14 =	vld [tilespmem:s14+$0xFFFFFFC0]  }
0xd2: {  	s15 =	simm.s32 $0x139D0;
	v15 =	vshll.u32 v15, v44;
	v17 =	vld [tilespmem:s14+$0x0]  }
0xd3: {  	s18 =	simm.s32 $0x20;
	v21 =	vbroadcast v15, $0x0;
	v19 =	vld [tilespmem:s15+$0xFFFFFFB0]  }
0xd4: {  	v18 =	vmov s18;
	v20 =	vld [tilespmem:s14+$0xFFFFFFD0]  }
0xd5: {  	v18 =	vshrl.u32 v18, $0x3;
	v15 =	vld [tilespmem:s14+$0x10];
	v22 =	vadd.s32 v0, v21  }
0xd6: {  	v26 =	vshll.u32 v18, v44;
	v16 =	vld [tilespmem:s15+$0xFFFFFFC0];
	v24 =	vadd.s32 v1, v21  }
0xd7: {  	v26 =	vbroadcast v26, $0x0;
	v28 =	vadd.s32 v4, v21;
	v23 =	vld [tilespmem:s15+$0xFFFFFFE0]  }
0xd8: {  	v25 =	vld [tilespmem:s14+$0xFFFFFFE0];
	v21 =	vadd.s32 v2, v21  }
0xd9: {  	v27 =	vld [tilespmem:s14+$0xFFFFFFB0];
	v31 =	vadd.s32 v0, v26  }
0xda: {  	s19 =	simm.s32 $0x8;
	v32 =	vadd.s32 v1, v26;
	v22 =	vld.idx.msk [tilespmem:v22+s4+$0x0], $0xffff  }
0xdb: {  	v30 =	vmov s19;
	v24 =	vld.idx.msk [tilespmem:v24+s4+$0x0], $0xffff  }
0xdc: {  	v30 =	vshrl.u32 v30, $0x3;
	v35 =	vadd.s32 v4, v26;
	v28 =	vld.idx.msk [tilespmem:v28+s4+$0x0], $0xffff  }
0xdd: {  	v30 =	vshll.u32 v30, v44;
	v21 =	vld.idx.msk [tilespmem:v21+s4+$0x0], $0xffff  }
0xde: {  	v30 =	vbroadcast v30, $0x0;
	v26 =	vadd.s32 v2, v26;
	v31 =	vld.idx.msk [tilespmem:v31+s4+$0x0], $0xffff  }
0xdf: {  	v62 =	vld.idx.msk [tilespmem:v32+s4+$0x0], $0xffff  }
0xe0: {  	v18 =	vld [tilespmem:s15+$0x0];
	v36 =	vadd.s32 v1, v30;
	v22 =	vadd.f32 v22, v24  }
0xe1: {  	s20 =	simm.s32 $0xC;
	v35 =	vld.idx.msk [tilespmem:v35+s4+$0x0], $0xffff;
	v37 =	vadd.s32 v0, v30  }
0xe2: {  	v33 =	vmov s20;
	v41 =	vadd.s32 v4, v30;
	v34 =	vld [tilespmem:s14+$0x30];
	v22 =	vadd.f32 v28, v22  }
0xe3: {  	v33 =	vshrl.u32 v33, $0x3;
	v19 =	vadd.s32 v61, v19;
	v26 =	vld.idx.msk [tilespmem:v26+s4+$0x0], $0xffff  }
0xe4: {  	v33 =	vshll.u32 v33, v44;
	v38 =	vld [tilespmem:s15+$0x30];
	v24 =	vadd.f32 v31, v62;
	v21 =	vadd.f32 v21, v22  }
0xe5: {  	v33 =	vbroadcast v33, $0x0;
	v36 =	vld.idx.msk [tilespmem:v36+s4+$0x0], $0xffff  }
0xe6: {  	s18 =	simm.s32 $0x14;
	v30 =	vadd.s32 v2, v30;
	v42 =	vld.idx.msk [tilespmem:v37+s4+$0x0], $0xffff;
	v24 =	vadd.f32 v35, v24;
	v21 =	vmul.f32 v21, v27  }
0xe7: {  	v48 =	vmov s18;
	v39 =	vadd.s32 v50, v33;
	v28 =	vld.idx.msk [tilespmem:v41+s4+$0x0], $0xffff  }
0xe8: {  	v24 =	vadd.f32 v26, v24;
	v26 =	vshrl.u32 v48, $0x3;
	[tilespmem:v19+s1+$0x0] =	vst.idx.add.f32.msk $0xffff, v21  }
0xe9: {  	s20 =	simm.s32 $0x18;
	v63 =	vadd.s32 v10, v33;
	v26 =	vshll.u32 v26, v44;
	v3 =	vld [tilespmem:$0x1FFB0]  }
0xea: {  	v58 =	vmov s20;
	v43 =	vadd.s32 v11, v33;
	v29 =	vld [tilespmem:s15+$0xFFFFFFD0];
	v26 =	vbroadcast v26, $0x0  }
0xeb: {  	s21 =	simm.s32 $0x1C;
	v46 =	vadd.s32 v61, v38;
	v30 =	vld.idx.msk [tilespmem:v30+s4+$0x0], $0xffff;
	v37 =	vshrl.u32 v58, $0x3  }
0xec: {  	v45 =	vld.idx.msk [tilespmem:v39+s4+$0x0], $0xffff;
	v31 =	vadd.f32 v42, v36;
	v22 =	vmov s21;
	v57 =	vadd.s32 v10, v26  }
0xed: {  	v56 =	vld [tilespmem:s15+$0x10];
	v37 =	vshll.u32 v37, v44;
	v22 =	vshrl.u32 v22, $0x3;
	v59 =	vadd.s32 v50, v26  }
0xee: {  	v32 =	vld.idx.msk [tilespmem:v63+s4+$0x0], $0xffff;
	v24 =	vmul.f32 v24, v34;
	v28 =	vadd.f32 v28, v31;
	v49 =	vadd.s32 v3, v33  }
0xef: {  	v29 =	vadd.s32 v61, v29;
	v37 =	vbroadcast v37, $0x0;
	v22 =	vshll.u32 v22, v44;
	v27 =	vld.idx.msk [tilespmem:v43+s4+$0x0], $0xffff  }
0xf0: {  	s17 =	simm.s32 $0x24;
	v62 =	vadd.s32 v11, v26;
	[tilespmem:v46+s1+$0x0] =	vst.idx.add.f32.msk $0xffff, v24;
	v28 =	vadd.f32 v30, v28  }
0xf1: {  	v47 =	vmov s17;
	v43 =	vadd.s32 v1, v37;
	v22 =	vbroadcast v22, $0x0;
	v35 =	vld.idx.msk [tilespmem:v57+s4+$0x0], $0xffff  }
0xf2: {  	v51 =	vshrl.u32 v47, $0x3;
	v20 =	vmul.f32 v28, v20;
	v30 =	vld.idx.msk [tilespmem:v59+s4+$0x0], $0xffff  }
0xf3: {  	v55 =	vshll.u32 v51, v44;
	v21 =	vadd.s32 v50, v22;
	v19 =	vld.idx.msk [tilespmem:v49+s4+$0x0], $0xffff  }
0xf4: {  	v32 =	vadd.f32 v32, v45;
	v54 =	vadd.s32 v11, v22;
	v24 =	vbroadcast v55, $0x0;
	[tilespmem:v29+s1+$0x0] =	vst.idx.add.f32.msk $0xffff, v20  }
0xf5: {  	s19 =	simm.s32 $0x4;
	v28 =	vld.idx.msk [tilespmem:v62+s4+$0x0], $0xffff  }
0xf6: {  	v53 =	vmov s19;
	v27 =	vadd.f32 v27, v32;
	v40 =	vadd.s32 v10, v24;
	v29 =	vld.idx.msk [tilespmem:v43+s4+$0x0], $0xffff  }
0xf7: {  	v23 =	vadd.s32 v61, v23;
	v63 =	vshrl.u32 v53, $0x3;
	v33 =	vld [tilespmem:s15+$0xFFFFFFF0]  }
0xf8: {  	v42 =	vadd.s32 v2, v37;
	s21 =	simm.s32 $0x10;
	v21 =	vld.idx.msk [tilespmem:v21+s4+$0x0], $0xffff;
	v26 =	vadd.s32 v3, v26;
	v19 =	vadd.f32 v19, v27  }
0xf9: {  	v60 =	vmov s21;
	v20 =	vshll.u32 v63, v44;
	v52 =	vadd.s32 v3, v22;
	v31 =	vld.idx.msk [tilespmem:v54+s4+$0x0], $0xffff  }
0xfa: {  	v22 =	vadd.s32 v10, v22;
	v20 =	vbroadcast v20, $0x0;
	v54 =	vld [tilespmem:s15+$0x20];
	v19 =	vmul.f32 v19, v25  }
0xfb: {  	v46 =	vadd.s32 v4, v37;
	v37 =	vadd.s32 v0, v37;
	v32 =	vshrl.u32 v60, $0x3;
	v38 =	vld.idx.msk [tilespmem:v40+s4+$0x0], $0xffff  }
0xfc: {  	v32 =	vshll.u32 v32, v44;
	v47 =	vadd.s32 v11, v20;
	[tilespmem:v23+s1+$0x0] =	vst.idx.add.f32.msk $0xffff, v19  }
0xfd: {  	v32 =	vbroadcast v32, $0x0;
	v48 =	vadd.s32 v50, v20;
	v23 =	vld.idx.msk [tilespmem:v26+s4+$0x0], $0xffff  }
0xfe: {  	v45 =	vadd.s32 v10, v20;
	v20 =	vadd.s32 v3, v20;
	v30 =	vadd.f32 v35, v30;
	v36 =	vld.idx.msk [tilespmem:v52+s4+$0x0], $0xffff  }
0xff: {  	v41 =	vadd.s32 v4, v32;
	v22 =	vld.idx.msk [tilespmem:v22+s4+$0x0], $0xffff  }
0x100: {  	v52 =	vld.idx.msk [tilespmem:v37+s4+$0x0], $0xffff;
	v28 =	vadd.f32 v28, v30  }
0x101: {  	v35 =	vld.idx.msk [tilespmem:v47+s4+$0x0], $0xffff  }
0x102: {  	v30 =	vld.idx.msk [tilespmem:v48+s4+$0x0], $0xffff;
	v23 =	vadd.f32 v23, v28  }
0x103: {  	v49 =	vadd.s32 v1, v32;
	v20 =	vld.idx.msk [tilespmem:v20+s4+$0x0], $0xffff  }
0x104: {  	v27 =	vld.idx.msk [tilespmem:v41+s4+$0x0], $0xffff;
	v17 =	vmul.f32 v23, v17;
	v23 =	vadd.s32 v0, v32  }
0x105: {  	v18 =	vadd.s32 v61, v18;
	v25 =	vld.idx.msk [tilespmem:v42+s4+$0x0], $0xffff  }
0x106: {  	v51 =	vadd.s32 v50, v24;
	v19 =	vld.idx.msk [tilespmem:v45+s4+$0x0], $0xffff  }
0x107: {  	v53 =	vadd.s32 v11, v24;
	v26 =	vld.idx.msk [tilespmem:v46+s4+$0x0], $0xffff  }
0x108: {  	v28 =	vld.idx.msk [tilespmem:v49+s4+$0x0], $0xffff;
	v32 =	vadd.s32 v2, v32  }
0x109: {  	v23 =	vld.idx.msk [tilespmem:v23+s4+$0x0], $0xffff  }
0x10a: {  	v24 =	vadd.s32 v3, v24;
	[tilespmem:v18+s1+$0x0] =	vst.idx.add.f32.msk $0xffff, v17  }
0x10b: {  	v19 =	vadd.f32 v19, v30;
	v18 =	vadd.f32 v52, v29;
	v17 =	vld.idx.msk [tilespmem:v51+s4+$0x0], $0xffff  }
0x10c: {  	v55 =	vld.idx.msk [tilespmem:v53+s4+$0x0], $0xffff;
	v21 =	vadd.f32 v22, v21  }
0x10d: {  	v19 =	vadd.f32 v35, v19;
	v18 =	vadd.f32 v26, v18;
	v22 =	vld.idx.msk [tilespmem:v32+s4+$0x0], $0xffff  }
0x10e: {  	v16 =	vadd.s32 v61, v16;
	v57 =	vld [tilespmem:s14+$0xFFFFFFF0];
	v21 =	vadd.f32 v31, v21;
	v23 =	vadd.f32 v23, v28  }
0x10f: {  	v56 =	vadd.s32 v61, v56;
	v19 =	vadd.f32 v20, v19;
	v20 =	vld.idx.msk [tilespmem:v24+s4+$0x0], $0xffff;
	v18 =	vadd.f32 v25, v18  }
0x110: {  	v58 =	vld [tilespmem:s15+$0x40];
	v59 =	vadd.s32 v61, v54;
	v17 =	vadd.f32 v38, v17;
	v23 =	vadd.f32 v27, v23  }
0x111: {  	v62 =	vld [tilespmem:s14+$0x40];
	v60 =	vadd.s32 v61, v33;
	v21 =	vadd.f32 v36, v21;
	v14 =	vmul.f32 v19, v14  }
0x112: {  	v15 =	vmul.f32 v18, v15;
	v17 =	vadd.f32 v55, v17;
	v63 =	vadd.f32 v22, v23  }
0x113: {  	v13 =	vmul.f32 v21, v13;
	[tilespmem:v16+s1+$0x0] =	vst.idx.add.f32.msk $0xffff, v14  }
0x114: {  	[tilespmem:v56+s1+$0x0] =	vst.idx.add.f32.msk $0xffff, v15;
	v14 =	vadd.f32 v20, v17;
	v15 =	vmul.f32 v63, v57  }
0x115: {  	p0 =	por p2, p2;
	v7 =	vmov v61;
	s16 =	simm.s32 $0x13A70;
	v11 =	vmov v4;
	[tilespmem:v59+s1+$0x0] =	vst.idx.add.f32.msk $0xffff, v13  }
0x116: {  	s17 =	simm.s32 $0xFBF0;
	s14 =	simm.s32 $0x0;
	s15 =	simm.s32 $0x4C;
	v1 =	vmov v44;
	v21 =	vadd.s32 v61, v58;
	v13 =	vmul.f32 v14, v62;
	[tilespmem:v60+s1+$0x0] =	vst.idx.add.f32.msk $0xffff, v15  }
.LBB2_5:
0x117: {  	v20 =	vld [tilespmem:s16+$0xFFFFFFB0]  }
0x118: {  	v9 =	vld [tilespmem:$0x1FF80]  }
0x119: {  	v5 =	vld [tilespmem:$0x1FF90]  }
0x11a: {  	v25 =	vld [tilespmem:s16+$0xFFFFFFC0]  }
0x11b: {  	v34 =	vld [tilespmem:s16+$0xFFFFFFE0]  }
0x11c: {  	v30 =	vld [tilespmem:s17+$0xFFFFFFB0]  }
0x11d: {  	v37 =	vld [tilespmem:s16+$0x0]  }
0x11e: {  	v38 =	vld [tilespmem:s16+$0xFFFFFFD0]  }
0x11f: {  	v8 =	vld [tilespmem:$0x1FFB0]  }
0x120: {  	v43 =	vld [tilespmem:s16+$0xFFFFFFF0]  }
0x121: {  	s18 =	sadd.s32 $0xFFFFFFDC, s15;
	s20 =	sadd.s32 $0xFFFFFFFC, s15;
	v14 =	vmov s15;
	v4 =	vld [tilespmem:$0x1FFD0]  }
0x122: {  	s21 =	sadd.s32 $0xFFFFFFF8, s15;
	v47 =	vld [tilespmem:s16+$0x30];
	v15 =	vmov s18;
	v16 =	vmov s20;
	v17 =	vshrl.u32 v14, $0x3  }
0x123: {  	[tilespmem:v21+s1+$0x0] =	vst.idx.add.f32.msk $0xffff, v13;
	v18 =	vmov s21;
	v15 =	vshrl.u32 v15, $0x3;
	v19 =	vshrl.u32 v16, $0x3  }
0x124: {  	v13 =	vld [tilespmem:s17+$0x20];
	s21 =	sadd.s32 $0xFFFFFFE4, s15;
	v18 =	vshrl.u32 v18, $0x3;
	v59 =	vshll.u32 v17, v1;
	v15 =	vshll.u32 v15, v1  }
0x125: {  	v14 =	vld [tilespmem:s17+$0xFFFFFFC0];
	v24 =	vmov s21;
	s21 =	sadd.s32 $0xFFFFFFE8, s15;
	v26 =	vshll.u32 v18, v1;
	v22 =	vbroadcast v15, $0x0  }
0x126: {  	s20 =	sadd.s32 $0xFFFFFFE0, s15;
	v16 =	vld [tilespmem:s17+$0x0];
	v61 =	vmov s21;
	v24 =	vshrl.u32 v24, $0x3;
	v26 =	vbroadcast v26, $0x0  }
0x127: {  	v17 =	vld [tilespmem:s17+$0xFFFFFFD0];
	v15 =	vmov s20;
	v28 =	vshll.u32 v24, v1;
	v32 =	vadd.s32 v9, v22  }
0x128: {  	v3 =	vld [tilespmem:s16+$0x40];
	v29 =	vadd.s32 v2, v22;
	v31 =	vadd.s32 v5, v22;
	v42 =	vadd.s32 v50, v26  }
0x129: {  	v18 =	vld [tilespmem:s17+$0xFFFFFFE0];
	v35 =	vadd.s32 v11, v22;
	v22 =	vshrl.u32 v61, $0x3;
	v44 =	vadd.s32 v8, v26  }
0x12a: {  	s20 =	sadd.s32 $0xFFFFFFEC, s15;
	v24 =	vld [tilespmem:s17+$0x30];
	v23 =	vshrl.u32 v15, $0x3;
	v62 =	vadd.s32 v4, v26;
	v22 =	vshll.u32 v22, v1  }
0x12b: {  	v15 =	vld [tilespmem:s17+$0x10];
	v27 =	vmov s20;
	v49 =	vadd.s32 v10, v26;
	v22 =	vbroadcast v22, $0x0  }
0x12c: {  	v21 =	vshll.u32 v19, v1;
	v48 =	vbroadcast v28, $0x0;
	v28 =	vld [tilespmem:s16+$0x10];
	v27 =	vshrl.u32 v27, $0x3  }
0x12d: {  	v52 =	vbroadcast v21, $0x0;
	v27 =	vshll.u32 v27, v1;
	v40 =	vadd.s32 v10, v22;
	v26 =	vld.idx.msk [tilespmem:v42+s4+$0x0], $0xffff  }
0x12e: {  	v41 =	vadd.s32 v8, v22;
	v45 =	vadd.s32 v4, v22;
	v53 =	vadd.s32 v50, v22;
	v22 =	vld.idx.msk [tilespmem:v44+s4+$0x0], $0xffff  }
0x12f: {  	v19 =	vbroadcast v59, $0x0;
	s21 =	sadd.s32 $0xFFFFFFF0, s15;
	v59 =	vadd.s32 v5, v52;
	v46 =	vbroadcast v27, $0x0;
	v27 =	vld.idx.msk [tilespmem:v62+s4+$0x0], $0xffff  }
0x130: {  	v39 =	vmov s21;
	v60 =	vshll.u32 v23, v1;
	v6 =	vadd.s32 v11, v52;
	v49 =	vld.idx.msk [tilespmem:v49+s4+$0x0], $0xffff  }
0x131: {  	v39 =	vshrl.u32 v39, $0x3;
	v33 =	vbroadcast v60, $0x0;
	v60 =	vld.idx.msk [tilespmem:v29+s4+$0x0], $0xffff  }
0x132: {  	v39 =	vshll.u32 v39, v1;
	v57 =	vadd.s32 v2, v52;
	v52 =	vadd.s32 v9, v52;
	v63 =	vld.idx.msk [tilespmem:v31+s4+$0x0], $0xffff  }
0x133: {  	v39 =	vbroadcast v39, $0x0;
	v58 =	vadd.s32 v9, v48;
	v35 =	vld.idx.msk [tilespmem:v35+s4+$0x0], $0xffff  }
0x134: {  	v61 =	vadd.s32 v5, v48;
	v59 =	vld.idx.msk [tilespmem:v59+s4+$0x0], $0xffff  }
0x135: {  	v0 =	vadd.s32 v10, v39;
	v6 =	vld.idx.msk [tilespmem:v6+s4+$0x0], $0xffff  }
0x136: {  	v36 =	vadd.s32 v10, v33;
	v32 =	vld.idx.msk [tilespmem:v32+s4+$0x0], $0xffff  }
0x137: {  	s19 =	sadd.s32 $0xFFFFFFF4, s15;
	v52 =	vld.idx.msk [tilespmem:v52+s4+$0x0], $0xffff  }
0x138: {  	v23 =	vmov s19;
	v12 =	vadd.s32 v9, v46;
	v58 =	vld.idx.msk [tilespmem:v58+s4+$0x0], $0xffff  }
0x139: {  	v23 =	vshrl.u32 v23, $0x3;
	v42 =	vadd.s32 v10, v19;
	v61 =	vld.idx.msk [tilespmem:v61+s4+$0x0], $0xffff  }
0x13a: {  	v23 =	vshll.u32 v23, v1;
	v44 =	vadd.s32 v4, v19;
	v0 =	vld.idx.msk [tilespmem:v0+s4+$0x0], $0xffff  }
0x13b: {  	v51 =	vbroadcast v23, $0x0;
	v36 =	vld.idx.msk [tilespmem:v36+s4+$0x0], $0xffff  }
0x13c: {  	v21 =	vadd.s32 v11, v46;
	v41 =	vld.idx.msk [tilespmem:v41+s4+$0x0], $0xffff  }
0x13d: {  	v55 =	vadd.s32 v2, v51;
	v12 =	vld.idx.msk [tilespmem:v12+s4+$0x0], $0xffff  }
0x13e: {  	v56 =	vadd.s32 v9, v51;
	v31 =	vld.idx.msk [tilespmem:v42+s4+$0x0], $0xffff  }
0x13f: {  	v54 =	vadd.s32 v11, v51;
	v29 =	vld.idx.msk [tilespmem:v44+s4+$0x0], $0xffff  }
0x140: {  	v23 =	vadd.s32 v8, v19;
	v19 =	vadd.s32 v50, v19;
	v42 =	vld.idx.msk [tilespmem:v57+s4+$0x0], $0xffff  }
0x141: {  	v51 =	vadd.s32 v5, v51;
	v57 =	vld.idx.msk [tilespmem:v21+s4+$0x0], $0xffff  }
0x142: {  	v55 =	vld.idx.msk [tilespmem:v55+s4+$0x0], $0xffff  }
0x143: {  	v62 =	vadd.s32 v5, v46;
	v56 =	vld.idx.msk [tilespmem:v56+s4+$0x0], $0xffff  }
0x144: {  	v46 =	vadd.s32 v2, v46;
	v44 =	vadd.s32 v11, v48;
	v48 =	vadd.s32 v2, v48;
	v54 =	vld.idx.msk [tilespmem:v54+s4+$0x0], $0xffff  }
0x145: {  	v2 =	vadd.s32 v4, v39;
	v21 =	vadd.s32 v7, v3;
	v32 =	vadd.f32 v63, v32;
	v19 =	vld.idx.msk [tilespmem:v19+s4+$0x0], $0xffff  }
0x146: {  	v3 =	vadd.s32 v4, v33;
	v63 =	vadd.f32 v61, v58;
	v61 =	vadd.f32 v59, v52;
	v52 =	vld.idx.msk [tilespmem:v51+s4+$0x0], $0xffff  }
0x147: {  	v32 =	vadd.f32 v35, v32;
	v35 =	vld.idx.msk [tilespmem:v40+s4+$0x0], $0xffff  }
0x148: {  	v4 =	vadd.s32 v50, v39;
	v40 =	vld.idx.msk [tilespmem:v53+s4+$0x0], $0xffff  }
0x149: {  	v32 =	vadd.f32 v60, v32;
	v60 =	vld.idx.msk [tilespmem:v45+s4+$0x0], $0xffff  }
0x14a: {  	v11 =	vadd.s32 v50, v33;
	v33 =	vadd.s32 v8, v33;
	v2 =	vld.idx.msk [tilespmem:v2+s4+$0x0], $0xffff  }
0x14b: {  	v39 =	vadd.s32 v8, v39;
	v3 =	vld.idx.msk [tilespmem:v3+s4+$0x0], $0xffff  }
0x14c: {  	v44 =	vld.idx.msk [tilespmem:v44+s4+$0x0], $0xffff  }
0x14d: {  	v20 =	vadd.s32 v7, v20;
	v4 =	vld.idx.msk [tilespmem:v4+s4+$0x0], $0xffff  }
0x14e: {  	v58 =	vld.idx.msk [tilespmem:v48+s4+$0x0], $0xffff  }
0x14f: {  	v38 =	vadd.s32 v7, v38;
	v33 =	vld.idx.msk [tilespmem:v33+s4+$0x0], $0xffff  }
0x150: {  	v34 =	vadd.s32 v7, v34;
	v6 =	vadd.f32 v6, v61;
	v39 =	vld.idx.msk [tilespmem:v39+s4+$0x0], $0xffff;
	v30 =	vmul.f32 v32, v30  }
0x151: {  	v37 =	vadd.s32 v7, v37;
	v35 =	vadd.f32 v35, v40;
	v44 =	vadd.f32 v44, v63;
	v63 =	vld.idx.msk [tilespmem:v11+s4+$0x0], $0xffff  }
0x152: {  	v53 =	vadd.s32 v7, v47;
	[tilespmem:v20+s1+$0x0] =	vst.idx.add.f32.msk $0xffff, v30;
	v0 =	vadd.f32 v0, v4  }
0x153: {  	v43 =	vadd.s32 v7, v43;
	v4 =	vadd.f32 v42, v6;
	v6 =	vadd.f32 v60, v35;
	v60 =	vld.idx.msk [tilespmem:v46+s4+$0x0], $0xffff  }
0x154: {  	v25 =	vadd.s32 v7, v25;
	v59 =	vadd.s32 v7, v28;
	v11 =	vld [tilespmem:$0x1FFA0];
	v32 =	vadd.f32 v58, v44  }
0x155: {  	v61 =	vadd.f32 v49, v26;
	v58 =	vld.idx.msk [tilespmem:v62+s4+$0x0], $0xffff;
	v0 =	vadd.f32 v2, v0;
	v4 =	vmul.f32 v4, v24  }
0x156: {  	v2 =	vld [tilespmem:s16+$0x20];
	v6 =	vadd.f32 v41, v6;
	v17 =	vmul.f32 v32, v17;
	v20 =	vadd.f32 v36, v63  }
0x157: {  	[tilespmem:v53+s1+$0x0] =	vst.idx.add.f32.msk $0xffff, v4;
	v0 =	vadd.f32 v39, v0;
	v4 =	vadd.f32 v52, v56  }
0x158: {  	v62 =	vld.idx.msk [tilespmem:v23+s4+$0x0], $0xffff;
	v6 =	vmul.f32 v6, v18;
	v18 =	vadd.f32 v27, v61;
	v3 =	vadd.f32 v3, v20  }
0x159: {  	[tilespmem:v38+s1+$0x0] =	vst.idx.add.f32.msk $0xffff, v17;
	v0 =	vmul.f32 v0, v16;
	v4 =	vadd.f32 v54, v4  }
0x15a: {  	[tilespmem:v34+s1+$0x0] =	vst.idx.add.f32.msk $0xffff, v6;
	v12 =	vadd.f32 v58, v12;
	v3 =	vadd.f32 v33, v3  }
0x15b: {  	v6 =	vadd.f32 v31, v19;
	v20 =	vld [tilespmem:s17+$0xFFFFFFF0];
	v2 =	vadd.s32 v7, v2;
	v4 =	vadd.f32 v55, v4  }
0x15c: {  	s14 =	sadd.s32 $0xA, s14;
	v63 =	vld [tilespmem:s17+$0x40];
	v12 =	vadd.f32 v57, v12;
	v3 =	vmul.f32 v3, v14;
	v14 =	vadd.f32 v22, v18  }
0x15d: {  	p2 =	slt.u32 s14, $0x1EA;
	[tilespmem:v37+s1+$0x0] =	vst.idx.add.f32.msk $0xffff, v0;
	v0 =	vmul.f32 v4, v15;
	v4 =	vadd.f32 v29, v6  }
.Ltmp3:
0x15e: {  	[tilespmem:v25+s1+$0x0] =	vst.idx.add.f32.msk $0xffff, v3;
	v3 =	vadd.f32 v60, v12;
	v6 =	vmul.f32 v14, v13;
	(pc) =	sbr.rel @p2 .LBB2_5-.Ltmp3, $4  }
0x15f: {  	[tilespmem:v59+s1+$0x0] =	vst.idx.add.f32.msk $0xffff, v0  }
0x160: {  	v0 =	vadd.f32 v62, v4;
	v3 =	vmul.f32 v3, v20;
	[tilespmem:v2+s1+$0x0] =	vst.idx.add.f32.msk $0xffff, v6  }
0x161: {  	v2 =	vld [tilespmem:$0x1FF70]  }
0x162: {  	s15 =	sadd.s32 $0x28, s15;
	s16 =	sadd.s32 $0xA0, s16;
	s17 =	sadd.s32 $0xA0, s17;
	v13 =	vmul.f32 v0, v63;
	[tilespmem:v43+s1+$0x0] =	vst.idx.add.f32.msk $0xffff, v3  }
0x163: {  	s13 =	sadd.s32 s30, s13  }
0x164: {  	p2 =	sgt.u32 s13, $0x7C  }
0x165: {  	s14 =	smul.u32 @!p2 $0x7D0, s13;
	_ =	sdelay $0x1  }
0x166: {  	s14 =	sshrl.u32 @!p2 s14, $0x3  }
0x167: {  	[tilespmem:v21+s1+$0x0] =	vst.idx.add.f32.msk $0xffff, v13;
	s16 =	simm.s32 @!p2 $0x0;
	s15 =	sadd.s32 @!p2 s5, s14  }
0x168: {  	[tilespmem:s16], [sflag:$0x1] =	stream.linear.gather @!p2 [hbm4b:s15+s16], $0x7D0, $0x38;
	[tilespmem:$0x18910] =	vst v63  }
0x169: {  	s15 =	sadd.s32 @!p2 $0x7A12, s14  }
0x16a: {  	s18 =	simm.s32 @!p2 $0x1F60;
	s17 =	sadd.s32 @!p2 s5, s15  }
0x16b: {  	[tilespmem:s18], [sflag:$0x1] =	stream.linear.gather @!p2 [hbm4b:s17+s16], $0x7D0, $0x38;
	[tilespmem:$0x18910] =	vst v63  }
0x16c: {  	s17 =	sadd.s32 @!p2 $0xF424, s14  }
0x16d: {  	s19 =	simm.s32 @!p2 $0x3EC0;
	s18 =	sadd.s32 @!p2 s5, s17  }
0x16e: {  	[tilespmem:s19], [sflag:$0x1] =	stream.linear.gather @!p2 [hbm4b:s18+s16], $0x7D0, $0x38;
	[tilespmem:$0x18910] =	vst v63  }
0x16f: {  	s18 =	sadd.s32 @!p2 $0x16E36, s14  }
0x170: {  	s20 =	simm.s32 @!p2 $0x5E20;
	s19 =	sadd.s32 @!p2 s5, s18  }
0x171: {  	[tilespmem:s20], [sflag:$0x1] =	stream.linear.gather @!p2 [hbm4b:s19+s16], $0x7D0, $0x38;
	[tilespmem:$0x18910] =	vst v63  }
0x172: {  	s19 =	sadd.s32 @!p2 s6, s14;
	s20 =	simm.s32 @!p2 $0x7D8  }
0x173: {  	[tilespmem:s20], [sflag:$0x1] =	stream.linear.gather @!p2 [hbm4b:s19+s16], $0x7D0, $0x38;
	[tilespmem:$0x18910] =	vst v63  }
0x174: {  	s19 =	sadd.s32 @!p2 s6, s15;
	s20 =	simm.s32 @!p2 $0x2738  }
0x175: {  	[tilespmem:s20], [sflag:$0x1] =	stream.linear.gather @!p2 [hbm4b:s19+s16], $0x7D0, $0x38;
	[tilespmem:$0x18910] =	vst v63  }
0x176: {  	s19 =	sadd.s32 @!p2 s6, s17;
	s20 =	simm.s32 @!p2 $0x4698  }
0x177: {  	[tilespmem:s20], [sflag:$0x1] =	stream.linear.gather @!p2 [hbm4b:s19+s16], $0x7D0, $0x38;
	[tilespmem:$0x18910] =	vst v63  }
0x178: {  	s19 =	sadd.s32 @!p2 s6, s18;
	s20 =	simm.s32 @!p2 $0x65F8  }
0x179: {  	[tilespmem:s20], [sflag:$0x1] =	stream.linear.gather @!p2 [hbm4b:s19+s16], $0x7D0, $0x38;
	[tilespmem:$0x18910] =	vst v63  }
0x17a: {  	s19 =	sadd.s32 @!p2 s7, s14;
	s20 =	simm.s32 @!p2 $0xFB0  }
0x17b: {  	[tilespmem:s20], [sflag:$0x1] =	stream.linear.gather @!p2 [hbm4b:s19+s16], $0x7D0, $0x38;
	[tilespmem:$0x18910] =	vst v63  }
0x17c: {  	s19 =	sadd.s32 @!p2 s7, s15;
	s20 =	simm.s32 @!p2 $0x2F10  }
0x17d: {  	[tilespmem:s20], [sflag:$0x1] =	stream.linear.gather @!p2 [hbm4b:s19+s16], $0x7D0, $0x38;
	[tilespmem:$0x18910] =	vst v63  }
0x17e: {  	s19 =	sadd.s32 @!p2 s7, s17;
	s20 =	simm.s32 @!p2 $0x4E70  }
0x17f: {  	[tilespmem:s20], [sflag:$0x1] =	stream.linear.gather @!p2 [hbm4b:s19+s16], $0x7D0, $0x38;
	[tilespmem:$0x18910] =	vst v63  }
0x180: {  	s19 =	sadd.s32 @!p2 s7, s18;
	s20 =	simm.s32 @!p2 $0x6DD0  }
0x181: {  	[tilespmem:s20], [sflag:$0x1] =	stream.linear.gather @!p2 [hbm4b:s19+s16], $0x7D0, $0x38;
	[tilespmem:$0x18910] =	vst v63  }
0x182: {  	s14 =	sadd.s32 @!p2 s8, s14;
	s19 =	simm.s32 @!p2 $0x1788  }
0x183: {  	[tilespmem:s19], [sflag:$0x1] =	stream.linear.gather @!p2 [hbm4b:s14+s16], $0x7D0, $0x38;
	[tilespmem:$0x18910] =	vst v63  }
0x184: {  	s14 =	sadd.s32 @!p2 s8, s15;
	s15 =	simm.s32 @!p2 $0x36E8  }
0x185: {  	[tilespmem:s15], [sflag:$0x1] =	stream.linear.gather @!p2 [hbm4b:s14+s16], $0x7D0, $0x38;
	[tilespmem:$0x18910] =	vst v63  }
0x186: {  	s14 =	sadd.s32 @!p2 s8, s17;
	s15 =	simm.s32 @!p2 $0x5648  }
0x187: {  	[tilespmem:s15], [sflag:$0x1] =	stream.linear.gather @!p2 [hbm4b:s14+s16], $0x7D0, $0x38;
	[tilespmem:$0x18910] =	vst v63  }
0x188: {  	s13 =	smul.u32 @!p2 $0x3E8, s13;
	s14 =	sadd.s32 @!p2 s8, s18;
	s15 =	simm.s32 @!p2 $0x75A8  }
0x189: {  	[tilespmem:s15], [sflag:$0x1] =	stream.linear.gather @!p2 [hbm4b:s14+s16], $0x7D0, $0x38;
	[tilespmem:$0x18910] =	vst v63  }
.Ltmp4:
0x18a: {  	_ = 	snop;
	(pc) =	sbr.rel @p1 .LBB2_10-.Ltmp4, $4  }
0x18b: {  	s14 =	sadd.s32 @!p2 s0, s13;
	s15 =	simm.s32 @!p2 $0xFB00  }
0x18c: {  	[tilespmem:s15], [sflag:$0x1] =	stream.linear.gather @!p2 [hbm4b:s14+s16], $0x1F40, $0x38;
	[tilespmem:$0x18910] =	vst v63  }
0x18d: {  	s13 =	sadd.s32 @!p2 s2, s13;
	s14 =	simm.s32 @!p2 $0x13980  }
0x18e: {  	v4 =	vmov v11;
	v44 =	vmov v1;
	v61 =	vmov v7;
	v11 =	vld [tilespmem:$0x1FFD0];
	[tilespmem:s14], [sflag:$0x1] =	stream.linear.gather @!p2 [hbm4b:s13+s16], $0x1F40, $0x38  }
0x18f: {  	_ =	swait.ge [sflag:s9], $0x7D0  }
0x190: {  	[sflag:s9] =	ssyncset.done $0x0  }
0x191: {  	[sflag:s9] =	ssyncadd.s32 $0xFFFFF830  }
0x192: {  	_ =	swait.ge [sflag:s9], $0x7D0  }
0x193: {  	[sflag:s9] =	ssyncset.done $0x0  }
0x194: {  	[sflag:s9] =	ssyncadd.s32 $0xFFFFF830  }
0x195: {  	_ =	swait.ge [sflag:s9], $0x7D0  }
0x196: {  	[sflag:s9] =	ssyncset.done $0x0  }
0x197: {  	[sflag:s9] =	ssyncadd.s32 $0xFFFFF830  }
0x198: {  	_ =	swait.ge [sflag:s9], $0x7D0  }
0x199: {  	[sflag:s9] =	ssyncset.done $0x0  }
0x19a: {  	[sflag:s9] =	ssyncadd.s32 $0xFFFFF830  }
0x19b: {  	_ =	swait.ge [sflag:s9], $0x7D0  }
0x19c: {  	[sflag:s9] =	ssyncset.done $0x0  }
0x19d: {  	[sflag:s9] =	ssyncadd.s32 $0xFFFFF830  }
0x19e: {  	_ =	swait.ge [sflag:s9], $0x7D0  }
0x19f: {  	[sflag:s9] =	ssyncset.done $0x0  }
0x1a0: {  	[sflag:s9] =	ssyncadd.s32 $0xFFFFF830  }
0x1a1: {  	_ =	swait.ge [sflag:s9], $0x7D0  }
0x1a2: {  	[sflag:s9] =	ssyncset.done $0x0  }
0x1a3: {  	[sflag:s9] =	ssyncadd.s32 $0xFFFFF830  }
0x1a4: {  	_ =	swait.ge [sflag:s9], $0x7D0  }
0x1a5: {  	[sflag:s9] =	ssyncset.done $0x0  }
0x1a6: {  	[sflag:s9] =	ssyncadd.s32 $0xFFFFF830  }
0x1a7: {  	_ =	swait.ge [sflag:s9], $0x7D0  }
0x1a8: {  	[sflag:s9] =	ssyncset.done $0x0  }
0x1a9: {  	[sflag:s9] =	ssyncadd.s32 $0xFFFFF830  }
0x1aa: {  	_ =	swait.ge [sflag:s9], $0x7D0  }
0x1ab: {  	[sflag:s9] =	ssyncset.done $0x0  }
0x1ac: {  	[sflag:s9] =	ssyncadd.s32 $0xFFFFF830  }
0x1ad: {  	_ =	swait.ge [sflag:s9], $0x7D0  }
0x1ae: {  	[sflag:s9] =	ssyncset.done $0x0  }
0x1af: {  	[sflag:s9] =	ssyncadd.s32 $0xFFFFF830  }
0x1b0: {  	_ =	swait.ge [sflag:s9], $0x7D0  }
0x1b1: {  	[sflag:s9] =	ssyncset.done $0x0  }
0x1b2: {  	[sflag:s9] =	ssyncadd.s32 $0xFFFFF830  }
0x1b3: {  	_ =	swait.ge [sflag:s9], $0x7D0  }
0x1b4: {  	[sflag:s9] =	ssyncset.done $0x0  }
0x1b5: {  	[sflag:s9] =	ssyncadd.s32 $0xFFFFF830  }
0x1b6: {  	_ =	swait.ge [sflag:s9], $0x7D0  }
0x1b7: {  	[sflag:s9] =	ssyncset.done $0x0  }
0x1b8: {  	[sflag:s9] =	ssyncadd.s32 $0xFFFFF830  }
0x1b9: {  	_ =	swait.ge [sflag:s9], $0x7D0  }
0x1ba: {  	[sflag:s9] =	ssyncset.done $0x0  }
0x1bb: {  	[sflag:s9] =	ssyncadd.s32 $0xFFFFF830  }
0x1bc: {  	_ =	swait.ge [sflag:s9], $0x7D0  }
0x1bd: {  	[sflag:s9] =	ssyncset.done $0x0  }
0x1be: {  	[sflag:s9] =	ssyncadd.s32 $0xFFFFF830  }
0x1bf: {  	_ =	swait.ge [sflag:s9], $0x1F40  }
0x1c0: {  	[sflag:s9] =	ssyncset.done $0x0  }
0x1c1: {  	[sflag:s9] =	ssyncadd.s32 $0xFFFFE0C0  }
0x1c2: {  	_ =	swait.ge [sflag:s9], $0x1F40  }
0x1c3: {  	[sflag:s9] =	ssyncset.done $0x0;
	v8 =	vld [tilespmem:$0x1FF90]  }
0x1c4: {  	s13 =	simm.s32 $0x11A90;
	s15 =	simm.s32 $0x0;
	v5 =	vld [tilespmem:$0x1FF80];
	[sflag:s9] =	ssyncadd.s32 $0xFFFFE0C0  }
0x1c5: {  	v0 =	vmov s15;
	v13 =	vld [tilespmem:s13+$0x20]  }
0x1c6: {  	v0 =	vshrl.u32 v0, $0x3;
	v14 =	vld [tilespmem:s13+$0xFFFFFFC0]  }
0x1c7: {  	s14 =	simm.s32 $0x15910;
	v0 =	vshll.u32 v0, v44;
	v17 =	vld [tilespmem:s13+$0x0]  }
0x1c8: {  	v0 =	vbroadcast v0, $0x0;
	v56 =	vld [tilespmem:s14+$0xFFFFFFB0]  }
0x1c9: {  	v3 =	vld [tilespmem:s13+$0xFFFFFFD0]  }
0x1ca: {  	v34 =	vld [tilespmem:s13+$0x10];
	v6 =	vadd.s32 v8, v0  }
0x1cb: {  	s20 =	simm.s32 $0x20;
	v16 =	vld [tilespmem:s14+$0xFFFFFFC0];
	v19 =	vadd.s32 v5, v0  }
0x1cc: {  	v15 =	vmov v4;
	v4 =	vmov s20;
	v12 =	vld [tilespmem:s14+$0xFFFFFFE0]  }
0x1cd: {  	v4 =	vshrl.u32 v4, $0x3;
	v22 =	vadd.s32 v15, v0;
	v20 =	vld [tilespmem:s13+$0xFFFFFFE0]  }
0x1ce: {  	v9 =	vmov v2;
	v4 =	vshll.u32 v4, v44;
	v21 =	vld [tilespmem:s13+$0xFFFFFFB0]  }
0x1cf: {  	s16 =	simm.s32 $0xC;
	v4 =	vbroadcast v4, $0x0;
	v0 =	vadd.s32 v9, v0;
	v6 =	vld.idx.msk [tilespmem:v6+s10+$0x0], $0xffff  }
0x1d0: {  	v27 =	vmov s16;
	v19 =	vld.idx.msk [tilespmem:v19+s10+$0x0], $0xffff  }
0x1d1: {  	s21 =	simm.s32 $0x8;
	v27 =	vshrl.u32 v27, $0x3;
	v18 =	vld [tilespmem:s14+$0x0];
	v25 =	vadd.s32 v8, v4  }
0x1d2: {  	v24 =	vmov s21;
	v27 =	vshll.u32 v27, v44;
	v22 =	vld.idx.msk [tilespmem:v22+s10+$0x0], $0xffff;
	v26 =	vadd.s32 v5, v4  }
0x1d3: {  	v24 =	vshrl.u32 v24, $0x3;
	v27 =	vbroadcast v27, $0x0;
	v23 =	vld [tilespmem:s14+$0xFFFFFFD0]  }
0x1d4: {  	v24 =	vshll.u32 v24, v44;
	v29 =	vadd.s32 v15, v4;
	v0 =	vld.idx.msk [tilespmem:v0+s10+$0x0], $0xffff  }
0x1d5: {  	v24 =	vbroadcast v24, $0x0;
	v33 =	vadd.s32 v50, v27;
	v28 =	vld [tilespmem:s13+$0x30];
	v6 =	vadd.f32 v6, v19  }
0x1d6: {  	v4 =	vadd.s32 v9, v4;
	v25 =	vld.idx.msk [tilespmem:v25+s10+$0x0], $0xffff  }
0x1d7: {  	v30 =	vadd.s32 v5, v24;
	v57 =	vld.idx.msk [tilespmem:v26+s10+$0x0], $0xffff;
	v6 =	vadd.f32 v22, v6  }
0x1d8: {  	v32 =	vld [tilespmem:s14+$0x30];
	v2 =	vadd.s32 v61, v56  }
0x1d9: {  	v29 =	vld.idx.msk [tilespmem:v29+s10+$0x0], $0xffff;
	v0 =	vadd.f32 v0, v6  }
0x1da: {  	v60 =	vld.idx.msk [tilespmem:v33+s10+$0x0], $0xffff;
	v31 =	vadd.s32 v8, v24  }
0x1db: {  	v4 =	vld.idx.msk [tilespmem:v4+s10+$0x0], $0xffff;
	v0 =	vmul.f32 v0, v21  }
0x1dc: {  	v30 =	vld.idx.msk [tilespmem:v30+s10+$0x0], $0xffff;
	v19 =	vadd.f32 v25, v57  }
0x1dd: {  	v22 =	vadd.s32 v15, v24;
	[tilespmem:v2+s1+$0x0] =	vst.idx.add.f32.msk $0xffff, v0  }
0x1de: {  	v1 =	vmov v10;
	s16 =	simm.s32 $0x14;
	v58 =	vadd.s32 v10, v27;
	v19 =	vadd.f32 v29, v19;
	v10 =	vld [tilespmem:$0x1FFB0]  }
0x1df: {  	s17 =	simm.s32 $0x1C;
	v36 =	vmov s16;
	v62 =	vadd.s32 v61, v32;
	v59 =	vld.idx.msk [tilespmem:v31+s10+$0x0], $0xffff;
	v24 =	vadd.s32 v9, v24  }
0x1e0: {  	v39 =	vld [tilespmem:s14+$0xFFFFFFF0];
	v6 =	vmov s17;
	v4 =	vadd.f32 v4, v19;
	v19 =	vshrl.u32 v36, $0x3  }
0x1e1: {  	s18 =	simm.s32 $0x24;
	v45 =	vld [tilespmem:s14+$0x10];
	v6 =	vshrl.u32 v6, $0x3;
	v19 =	vshll.u32 v19, v44;
	v21 =	vadd.s32 v11, v27  }
0x1e2: {  	v63 =	vmov s18;
	v6 =	vshll.u32 v6, v44;
	v19 =	vbroadcast v19, $0x0;
	v22 =	vld.idx.msk [tilespmem:v22+s10+$0x0], $0xffff  }
0x1e3: {  	v26 =	vld.idx.msk [tilespmem:v58+s10+$0x0], $0xffff;
	v4 =	vmul.f32 v4, v28;
	v6 =	vbroadcast v6, $0x0;
	v37 =	vadd.s32 v10, v27  }
0x1e4: {  	v40 =	vshrl.u32 v63, $0x3;
	v25 =	vadd.f32 v59, v30;
	v24 =	vld.idx.msk [tilespmem:v24+s10+$0x0], $0xffff;
	v46 =	vadd.s32 v1, v19  }
0x1e5: {  	v38 =	vadd.s32 v50, v6;
	[tilespmem:v62+s1+$0x0] =	vst.idx.add.f32.msk $0xffff, v4;
	v4 =	vshll.u32 v40, v44  }
0x1e6: {  	v43 =	vadd.s32 v11, v6;
	v4 =	vbroadcast v4, $0x0;
	v21 =	vld.idx.msk [tilespmem:v21+s10+$0x0], $0xffff  }
0x1e7: {  	s20 =	simm.s32 $0x18;
	v58 =	vld [tilespmem:s14+$0x20];
	v48 =	vadd.s32 v50, v19;
	v22 =	vadd.f32 v22, v25  }
0x1e8: {  	v47 =	vmov s20;
	v23 =	vadd.s32 v61, v23;
	v51 =	vadd.s32 v1, v4;
	v0 =	vld.idx.msk [tilespmem:v37+s10+$0x0], $0xffff  }
0x1e9: {  	s21 =	simm.s32 $0x10;
	v31 =	vshrl.u32 v47, $0x3;
	v26 =	vadd.f32 v26, v60;
	v29 =	vld.idx.msk [tilespmem:v46+s10+$0x0], $0xffff;
	v22 =	vadd.f32 v24, v22  }
0x1ea: {  	v49 =	vmov s21;
	v31 =	vshll.u32 v31, v44;
	v41 =	vadd.s32 v10, v6;
	v2 =	vld.idx.msk [tilespmem:v38+s10+$0x0], $0xffff  }
0x1eb: {  	v25 =	vld.idx.msk [tilespmem:v43+s10+$0x0], $0xffff;
	v21 =	vadd.f32 v21, v26;
	v3 =	vmul.f32 v22, v3;
	v22 =	vadd.s32 v11, v19  }
0x1ec: {  	v12 =	vadd.s32 v61, v12;
	v31 =	vbroadcast v31, $0x0;
	v24 =	vld.idx.msk [tilespmem:v48+s10+$0x0], $0xffff;
	v26 =	vshrl.u32 v49, $0x3  }
0x1ed: {  	s19 =	simm.s32 $0x4;
	v19 =	vadd.s32 v10, v19;
	v26 =	vshll.u32 v26, v44;
	v32 =	vld.idx.msk [tilespmem:v51+s10+$0x0], $0xffff;
	v0 =	vadd.f32 v0, v21  }
0x1ee: {  	v42 =	vmov s19;
	v6 =	vadd.s32 v1, v6;
	v26 =	vbroadcast v26, $0x0;
	[tilespmem:v23+s1+$0x0] =	vst.idx.add.f32.msk $0xffff, v3  }
0x1ef: {  	v23 =	vadd.s32 v5, v31;
	v30 =	vld.idx.msk [tilespmem:v41+s10+$0x0], $0xffff;
	v21 =	vshrl.u32 v42, $0x3;
	v0 =	vmul.f32 v0, v20  }
0x1f0: {  	v53 =	vadd.s32 v15, v31;
	v22 =	vld.idx.msk [tilespmem:v22+s10+$0x0], $0xffff;
	v3 =	vshll.u32 v21, v44  }
0x1f1: {  	v21 =	vadd.s32 v15, v26;
	v3 =	vbroadcast v3, $0x0;
	[tilespmem:v12+s1+$0x0] =	vst.idx.add.f32.msk $0xffff, v0  }
0x1f2: {  	v20 =	vadd.s32 v9, v31;
	v31 =	vadd.s32 v8, v31;
	v12 =	vld.idx.msk [tilespmem:v19+s10+$0x0], $0xffff  }
0x1f3: {  	v6 =	vld.idx.msk [tilespmem:v6+s10+$0x0], $0xffff;
	v24 =	vadd.f32 v29, v24;
	v52 =	vadd.s32 v1, v3  }
0x1f4: {  	v23 =	vld.idx.msk [tilespmem:v23+s10+$0x0], $0xffff;
	v54 =	vadd.s32 v11, v3  }
0x1f5: {  	v22 =	vadd.f32 v22, v24;
	v55 =	vadd.s32 v50, v3;
	v19 =	vld.idx.msk [tilespmem:v53+s10+$0x0], $0xffff  }
0x1f6: {  	v18 =	vadd.s32 v61, v18;
	v21 =	vld.idx.msk [tilespmem:v21+s10+$0x0], $0xffff  }
0x1f7: {  	v3 =	vadd.s32 v10, v3;
	v56 =	vld.idx.msk [tilespmem:v31+s10+$0x0], $0xffff;
	v12 =	vadd.f32 v12, v22  }
0x1f8: {  	v0 =	vld.idx.msk [tilespmem:v52+s10+$0x0], $0xffff;
	v22 =	vadd.s32 v5, v26  }
0x1f9: {  	v29 =	vld.idx.msk [tilespmem:v54+s10+$0x0], $0xffff;
	v12 =	vmul.f32 v12, v17;
	v17 =	vadd.s32 v8, v26  }
0x1fa: {  	v24 =	vld.idx.msk [tilespmem:v55+s10+$0x0], $0xffff  }
0x1fb: {  	[tilespmem:v18+s1+$0x0] =	vst.idx.add.f32.msk $0xffff, v12;
	v12 =	vadd.s32 v50, v4  }
0x1fc: {  	v57 =	vadd.s32 v11, v4;
	v3 =	vld.idx.msk [tilespmem:v3+s10+$0x0], $0xffff  }
0x1fd: {  	v26 =	vadd.s32 v9, v26;
	v22 =	vld.idx.msk [tilespmem:v22+s10+$0x0], $0xffff  }
0x1fe: {  	v17 =	vld.idx.msk [tilespmem:v17+s10+$0x0], $0xffff  }
0x1ff: {  	v20 =	vld.idx.msk [tilespmem:v20+s10+$0x0], $0xffff;
	v4 =	vadd.s32 v10, v4;
	v0 =	vadd.f32 v0, v24  }
0x200: {  	v18 =	vadd.f32 v56, v23;
	v12 =	vld.idx.msk [tilespmem:v12+s10+$0x0], $0xffff  }
0x201: {  	v23 =	vld.idx.msk [tilespmem:v57+s10+$0x0], $0xffff;
	v0 =	vadd.f32 v29, v0  }
0x202: {  	v2 =	vadd.f32 v6, v2;
	v6 =	vadd.f32 v19, v18;
	v59 =	vld.idx.msk [tilespmem:v26+s10+$0x0], $0xffff  }
0x203: {  	v60 =	vld [tilespmem:s13+$0xFFFFFFF0];
	v0 =	vadd.f32 v3, v0;
	v3 =	vadd.s32 v61, v16;
	v17 =	vadd.f32 v17, v22  }
0x204: {  	v2 =	vadd.f32 v25, v2;
	v6 =	vadd.f32 v20, v6;
	v4 =	vld.idx.msk [tilespmem:v4+s10+$0x0], $0xffff;
	v16 =	vadd.s32 v61, v45  }
0x205: {  	v20 =	vld [tilespmem:s14+$0x40];
	v12 =	vadd.f32 v32, v12;
	v17 =	vadd.f32 v21, v17;
	v21 =	vadd.s32 v61, v58  }
0x206: {  	v2 =	vadd.f32 v30, v2;
	v0 =	vmul.f32 v0, v14;
	v14 =	vadd.s32 v61, v39;
	v22 =	vld [tilespmem:s13+$0x40]  }
0x207: {  	v6 =	vmul.f32 v6, v34;
	v12 =	vadd.f32 v23, v12;
	v17 =	vadd.f32 v59, v17  }
0x208: {  	v62 =	vmul.f32 v2, v13;
	[tilespmem:v3+s1+$0x0] =	vst.idx.add.f32.msk $0xffff, v0  }
0x209: {  	[tilespmem:v16+s1+$0x0] =	vst.idx.add.f32.msk $0xffff, v6;
	v63 =	vadd.f32 v4, v12;
	v3 =	vmul.f32 v17, v60  }
0x20a: {  	s15 =	simm.s32 $0x159B0;
	[tilespmem:v21+s1+$0x0] =	vst.idx.add.f32.msk $0xffff, v62  }
0x20b: {  	s16 =	simm.s32 $0x11B30;
	s14 =	simm.s32 $0x4C;
	s13 =	simm.s32 $0x0;
	[tilespmem:v14+s1+$0x0] =	vst.idx.add.f32.msk $0xffff, v3;
	v13 =	vmul.f32 v63, v22;
	v22 =	vadd.s32 v61, v20  }
.LBB2_8:
0x20c: {  	v1 =	vld [tilespmem:s16+$0x20]  }
0x20d: {  	v14 =	vld [tilespmem:s16+$0xFFFFFFC0]  }
0x20e: {  	v16 =	vld [tilespmem:s16+$0x0]  }
0x20f: {  	v20 =	vld [tilespmem:s15+$0xFFFFFFB0]  }
0x210: {  	v17 =	vld [tilespmem:s16+$0xFFFFFFD0]  }
0x211: {  	v25 =	vld [tilespmem:s15+$0xFFFFFFC0]  }
0x212: {  	s17 =	sadd.s32 $0xFFFFFFDC, s14;
	s19 =	sadd.s32 $0xFFFFFFFC, s14;
	v32 =	vld [tilespmem:s15+$0xFFFFFFE0]  }
0x213: {  	v0 =	vmov s14;
	s21 =	sadd.s32 $0xFFFFFFF8, s14;
	s20 =	sadd.s32 $0xFFFFFFE0, s14;
	v30 =	vld [tilespmem:s16+$0xFFFFFFB0];
	v2 =	vmov s17;
	v3 =	vmov s19  }
0x214: {  	s18 =	sadd.s32 $0xFFFFFFF4, s14;
	v7 =	vld [tilespmem:$0x1FFF0];
	v0 =	vshrl.u32 v0, $0x3;
	v4 =	vmov s21;
	v6 =	vmov s20  }
0x215: {  	v34 =	vld [tilespmem:s15+$0x0];
	v18 =	vmov s18;
	v2 =	vshrl.u32 v2, $0x3;
	v3 =	vshrl.u32 v3, $0x3  }
0x216: {  	v35 =	vld [tilespmem:s15+$0xFFFFFFD0];
	s21 =	sadd.s32 $0xFFFFFFE4, s14;
	s19 =	sadd.s32 $0xFFFFFFE8, s14;
	v4 =	vshrl.u32 v4, $0x3;
	v0 =	vshll.u32 v0, v44;
	v6 =	vshrl.u32 v6, $0x3  }
0x217: {  	v11 =	vld [tilespmem:$0x1FFE0];
	s20 =	sadd.s32 $0xFFFFFFEC, s14;
	v12 =	vmov s21;
	v21 =	vmov s19;
	v23 =	vshrl.u32 v18, $0x3  }
0x218: {  	v38 =	vld [tilespmem:s15+$0xFFFFFFF0];
	v24 =	vmov s20;
	v2 =	vshll.u32 v2, v44;
	v3 =	vshll.u32 v3, v44  }
0x219: {  	v62 =	vld [tilespmem:$0x1FFD0];
	v19 =	vbroadcast v0, $0x0;
	v4 =	vshll.u32 v4, v44;
	v6 =	vshll.u32 v6, v44  }
0x21a: {  	v43 =	vld [tilespmem:s15+$0x30];
	s21 =	sadd.s32 $0xFFFFFFF0, s14;
	v21 =	vshrl.u32 v21, $0x3;
	v23 =	vshll.u32 v23, v44;
	v4 =	vbroadcast v4, $0x0  }
0x21b: {  	v28 =	vld [tilespmem:s15+$0x10];
	v12 =	vshrl.u32 v12, $0x3;
	v26 =	vshrl.u32 v24, $0x3;
	v27 =	vmov s21  }
0x21c: {  	[tilespmem:v22+s1+$0x0] =	vst.idx.add.f32.msk $0xffff, v13;
	v2 =	vbroadcast v2, $0x0;
	v21 =	vshll.u32 v21, v44;
	v31 =	vadd.s32 v11, v4  }
0x21d: {  	v13 =	vld [tilespmem:s16+$0x10];
	v12 =	vshll.u32 v12, v44;
	v26 =	vshll.u32 v26, v44;
	v39 =	vadd.s32 v10, v4  }
0x21e: {  	v18 =	vld [tilespmem:s16+$0xFFFFFFE0];
	v27 =	vshrl.u32 v27, $0x3;
	v3 =	vbroadcast v3, $0x0;
	v42 =	vadd.s32 v62, v4  }
0x21f: {  	v24 =	vld [tilespmem:s16+$0x30];
	[tilespmem:$0x1FF60] =	vst v1;
	v21 =	vbroadcast v21, $0x0;
	v41 =	vbroadcast v26, $0x0;
	v4 =	vadd.s32 v7, v4  }
0x220: {  	v27 =	vshll.u32 v27, v44;
	v1 =	vmovc v44;
	v44 =	vld [tilespmem:s15+$0x40];
	v0 =	vadd.s32 v5, v2;
	v22 =	vadd.s32 v9, v2  }
0x221: {  	v29 =	vadd.s32 v8, v2;
	v2 =	vadd.s32 v15, v2;
	v36 =	vadd.s32 v7, v21;
	v26 =	vld.idx.msk [tilespmem:v31+s10+$0x0], $0xffff  }
0x222: {  	v37 =	vadd.s32 v10, v21;
	v40 =	vadd.s32 v62, v21;
	v46 =	vadd.s32 v11, v21;
	v21 =	vld.idx.msk [tilespmem:v39+s10+$0x0], $0xffff  }
0x223: {  	v50 =	vbroadcast v27, $0x0;
	v53 =	vadd.s32 v8, v3;
	v27 =	vld.idx.msk [tilespmem:v42+s10+$0x0], $0xffff  }
0x224: {  	v45 =	vbroadcast v23, $0x0;
	v60 =	vadd.s32 v15, v3;
	v4 =	vld.idx.msk [tilespmem:v4+s10+$0x0], $0xffff  }
0x225: {  	v54 =	vld.idx.msk [tilespmem:v22+s10+$0x0], $0xffff  }
0x226: {  	v6 =	vbroadcast v6, $0x0;
	v49 =	vadd.s32 v9, v45;
	v57 =	vld.idx.msk [tilespmem:v29+s10+$0x0], $0xffff  }
0x227: {  	v51 =	vadd.s32 v5, v45;
	v2 =	vld.idx.msk [tilespmem:v2+s10+$0x0], $0xffff  }
0x228: {  	v33 =	vadd.s32 v7, v6;
	v53 =	vld.idx.msk [tilespmem:v53+s10+$0x0], $0xffff  }
0x229: {  	v12 =	vbroadcast v12, $0x0;
	v48 =	vadd.s32 v15, v45;
	v22 =	vadd.s32 v61, v44;
	v44 =	vld.idx.msk [tilespmem:v60+s10+$0x0], $0xffff  }
0x22a: {  	v47 =	vadd.s32 v15, v41;
	v0 =	vld.idx.msk [tilespmem:v0+s10+$0x0], $0xffff  }
0x22b: {  	v52 =	vadd.s32 v5, v12;
	v49 =	vld.idx.msk [tilespmem:v49+s10+$0x0], $0xffff  }
0x22c: {  	v55 =	vadd.s32 v8, v12;
	v51 =	vld.idx.msk [tilespmem:v51+s10+$0x0], $0xffff  }
0x22d: {  	v33 =	vld.idx.msk [tilespmem:v33+s10+$0x0], $0xffff  }
0x22e: {  	v58 =	vadd.s32 v5, v41;
	v48 =	vld.idx.msk [tilespmem:v48+s10+$0x0], $0xffff  }
0x22f: {  	v59 =	vadd.s32 v7, v50;
	v47 =	vld.idx.msk [tilespmem:v47+s10+$0x0], $0xffff  }
0x230: {  	v31 =	vadd.s32 v7, v19;
	v52 =	vld.idx.msk [tilespmem:v52+s10+$0x0], $0xffff  }
0x231: {  	v39 =	vadd.s32 v62, v19;
	v55 =	vld.idx.msk [tilespmem:v55+s10+$0x0], $0xffff  }
0x232: {  	v42 =	vadd.s32 v9, v3;
	v37 =	vld.idx.msk [tilespmem:v37+s10+$0x0], $0xffff  }
0x233: {  	v7 =	vadd.s32 v62, v50;
	v58 =	vld.idx.msk [tilespmem:v58+s10+$0x0], $0xffff  }
0x234: {  	v62 =	vadd.s32 v62, v6;
	v59 =	vld.idx.msk [tilespmem:v59+s10+$0x0], $0xffff  }
0x235: {  	v31 =	vld.idx.msk [tilespmem:v31+s10+$0x0], $0xffff  }
0x236: {  	v3 =	vadd.s32 v5, v3;
	v29 =	vld.idx.msk [tilespmem:v39+s10+$0x0], $0xffff  }
0x237: {  	v60 =	vadd.s32 v11, v6;
	v6 =	vadd.s32 v10, v6;
	v39 =	vld.idx.msk [tilespmem:v42+s10+$0x0], $0xffff  }
0x238: {  	v7 =	vld.idx.msk [tilespmem:v7+s10+$0x0], $0xffff  }
0x239: {  	v0 =	vadd.f32 v57, v0;
	v57 =	vld.idx.msk [tilespmem:v62+s10+$0x0], $0xffff  }
0x23a: {  	v63 =	vadd.s32 v11, v50;
	v50 =	vadd.s32 v10, v50;
	v62 =	vld.idx.msk [tilespmem:v46+s10+$0x0], $0xffff  }
0x23b: {  	v3 =	vld.idx.msk [tilespmem:v3+s10+$0x0], $0xffff  }
0x23c: {  	v6 =	vld.idx.msk [tilespmem:v6+s10+$0x0], $0xffff  }
0x23d: {  	v42 =	vadd.s32 v15, v12;
	v60 =	vld.idx.msk [tilespmem:v60+s10+$0x0], $0xffff  }
0x23e: {  	v56 =	vadd.s32 v8, v41;
	v52 =	vadd.f32 v55, v52;
	v55 =	vld.idx.msk [tilespmem:v40+s10+$0x0], $0xffff  }
0x23f: {  	v12 =	vadd.s32 v9, v12;
	v40 =	vld.idx.msk [tilespmem:v50+s10+$0x0], $0xffff;
	v0 =	vadd.f32 v2, v0  }
0x240: {  	v41 =	vadd.s32 v9, v41;
	v2 =	vld.idx.msk [tilespmem:v36+s10+$0x0], $0xffff  }
0x241: {  	v45 =	vadd.s32 v8, v45;
	v0 =	vadd.f32 v54, v0;
	v54 =	vld.idx.msk [tilespmem:v63+s10+$0x0], $0xffff  }
0x242: {  	v20 =	vadd.s32 v61, v20;
	v42 =	vld.idx.msk [tilespmem:v42+s10+$0x0], $0xffff;
	v3 =	vadd.f32 v53, v3  }
0x243: {  	v63 =	vld.idx.msk [tilespmem:v56+s10+$0x0], $0xffff  }
0x244: {  	v23 =	vadd.s32 v10, v19;
	v35 =	vadd.s32 v61, v35;
	v12 =	vld.idx.msk [tilespmem:v12+s10+$0x0], $0xffff;
	v3 =	vadd.f32 v44, v3  }
0x245: {  	v43 =	vadd.s32 v61, v43;
	v56 =	vld.idx.msk [tilespmem:v41+s10+$0x0], $0xffff;
	v0 =	vmul.f32 v0, v30;
	v2 =	vadd.f32 v2, v62  }
0x246: {  	v19 =	vadd.s32 v11, v19;
	v62 =	vld.idx.msk [tilespmem:v45+s10+$0x0], $0xffff;
	v30 =	vadd.f32 v59, v54;
	v3 =	vadd.f32 v39, v3  }
0x247: {  	v32 =	vadd.s32 v61, v32;
	[tilespmem:v20+s1+$0x0] =	vst.idx.add.f32.msk $0xffff, v0;
	v42 =	vadd.f32 v42, v52  }
0x248: {  	v20 =	vld [tilespmem:s15+$0x20];
	v52 =	vadd.f32 v55, v2;
	v53 =	vadd.f32 v7, v30;
	v3 =	vmul.f32 v3, v24  }
0x249: {  	v34 =	vadd.s32 v61, v34;
	v54 =	vadd.f32 v33, v60;
	v60 =	vld [tilespmem:$0x1FF60];
	v12 =	vadd.f32 v12, v42  }
0x24a: {  	v0 =	vadd.f32 v37, v52;
	[tilespmem:v43+s1+$0x0] =	vst.idx.add.f32.msk $0xffff, v3;
	v2 =	vadd.f32 v40, v53  }
0x24b: {  	v25 =	vadd.s32 v61, v25;
	v4 =	vadd.f32 v4, v26;
	v12 =	vmul.f32 v12, v17;
	v17 =	vld.idx.msk [tilespmem:v19+s10+$0x0], $0xffff  }
0x24c: {  	v3 =	vadd.f32 v62, v51;
	v0 =	vmul.f32 v0, v18;
	v2 =	vmul.f32 v2, v16;
	v16 =	vld.idx.msk [tilespmem:v23+s10+$0x0], $0xffff  }
0x24d: {  	v4 =	vadd.f32 v27, v4;
	[tilespmem:v35+s1+$0x0] =	vst.idx.add.f32.msk $0xffff, v12;
	v12 =	vadd.f32 v57, v54  }
0x24e: {  	v20 =	vadd.s32 v61, v20;
	v3 =	vadd.f32 v48, v3;
	[tilespmem:v32+s1+$0x0] =	vst.idx.add.f32.msk $0xffff, v0  }
0x24f: {  	v57 =	vadd.f32 v63, v58;
	[tilespmem:v34+s1+$0x0] =	vst.idx.add.f32.msk $0xffff, v2;
	v6 =	vadd.f32 v6, v12  }
0x250: {  	v4 =	vadd.f32 v21, v4;
	v55 =	vadd.s32 v61, v28;
	v58 =	vadd.f32 v49, v3;
	v12 =	vld [tilespmem:s16+$0xFFFFFFF0]  }
0x251: {  	s13 =	sadd.s32 $0xA, s13;
	v3 =	vadd.f32 v31, v17;
	v6 =	vmul.f32 v6, v14;
	v14 =	vadd.f32 v47, v57  }
0x252: {  	p1 =	slt.u32 s13, $0x1EA;
	v38 =	vadd.s32 v61, v38;
	v4 =	vmul.f32 v4, v60;
	v17 =	vld [tilespmem:s16+$0x40]  }
.Ltmp5:
0x253: {  	v0 =	vmul.f32 v58, v13;
	v59 =	vadd.f32 v29, v3;
	v3 =	vadd.f32 v56, v14;
	(pc) =	sbr.rel @p1 .LBB2_8-.Ltmp5, $4  }
0x254: {  	[tilespmem:v20+s1+$0x0] =	vst.idx.add.f32.msk $0xffff, v4  }
0x255: {  	[tilespmem:v55+s1+$0x0] =	vst.idx.add.f32.msk $0xffff, v0;
	v62 =	vadd.f32 v16, v59;
	v63 =	vmul.f32 v3, v12  }
0x256: {  	[tilespmem:v25+s1+$0x0] =	vst.idx.add.f32.msk $0xffff, v6  }
0x257: {  	s14 =	sadd.s32 $0x28, s14;
	v44 =	vmov v1;
	s15 =	sadd.s32 $0xA0, s15;
	s16 =	sadd.s32 $0xA0, s16;
	v13 =	vmul.f32 v62, v17;
	[tilespmem:v38+s1+$0x0] =	vst.idx.add.f32.msk $0xffff, v63  }
0x258: {  	_ =	sdelay $0x2  }
.Ltmp6:
0x259: {  	_ = 	snop;
	(pc) =	sbr.rel .LBB2_10-.Ltmp6, $4  }
0x25a: {  	[tilespmem:v22+s1+$0x0] =	vst.idx.add.f32.msk $0xffff, v13  }
0x25b: {  	v50 =	vld [tilespmem:$0x1FFE0]  }
0x25c: {  	v10 =	vld [tilespmem:$0x1FFF0]  }
0x25d: {  	v4 =	vmov v15;
	v2 =	vmov v9;
	v11 =	vld [tilespmem:$0x1FFD0]  }
.LBB2_11:
0x25e: {  	s13 =	simm.s32 $0x0;
	v5 =	vlaneseq.u32  }
0x25f: {  	v0 =	vor.u32 s13, v5  }
0x260: {  	s19 =	simm.s32 $0x101  }
0x261: {  	v2 =	vadd.s32 s19, v5  }
0x262: {  	s20 =	simm.s32 $0x202  }
0x263: {  	v3 =	vadd.s32 s20, v5  }
0x264: {  	s21 =	simm.s32 $0x303;
	v0 =	vld.idx.msk [tilespmem:v0+s1+$0x0], $0xffff  }
0x265: {  	v4 =	vadd.s32 s21, v5  }
0x266: {  	s16 =	simm.s32 $0x404;
	v2 =	vld.idx.msk [tilespmem:v2+s1+$0x0], $0xffff  }
0x267: {  	v6 =	vadd.s32 s16, v5  }
0x268: {  	s17 =	simm.s32 $0x505;
	v3 =	vld.idx.msk [tilespmem:v3+s1+$0x0], $0xffff  }
0x269: {  	v9 =	vld [tilespmem:$0x1FFC0];
	v12 =	vadd.s32 s17, v5;
	v0 =	vadd.f32 $0.0e+00, v0  }
0x26a: {  	s18 =	simm.s32 $0x606;
	v4 =	vld.idx.msk [tilespmem:v4+s1+$0x0], $0xffff  }
0x26b: {  	v13 =	vadd.s32 s18, v5;
	v0 =	vadd.f32 v2, v0  }
0x26c: {  	s19 =	simm.s32 $0x707;
	s16 =	simm.s32 $0x808;
	v54 =	vld.idx.msk [tilespmem:v6+s1+$0x0], $0xffff  }
0x26d: {  	v14 =	vadd.s32 s16, v5;
	v6 =	vadd.s32 s19, v5;
	v0 =	vadd.f32 v3, v0  }
0x26e: {  	v3 =	vld.idx.msk [tilespmem:v12+s1+$0x0], $0xffff;
	v12 =	vand.u32 $0x9F8, v14  }
0x26f: {  	v12 =	vor.u32 v9, v12;
	v0 =	vadd.f32 v4, v0  }
0x270: {  	s20 =	simm.s32 $0x909;
	v4 =	vld.idx.msk [tilespmem:v13+s1+$0x0], $0xffff  }
0x271: {  	v13 =	vadd.s32 s20, v5;
	v0 =	vadd.f32 v54, v0  }
0x272: {  	s21 =	simm.s32 $0xA0A;
	v55 =	vld.idx.msk [tilespmem:v6+s1+$0x0], $0xffff  }
0x273: {  	v6 =	vadd.s32 s21, v5;
	v0 =	vadd.f32 v3, v0  }
0x274: {  	s16 =	simm.s32 $0xB0B;
	v3 =	vld.idx.msk [tilespmem:v12+s1+$0x0], $0xffff  }
0x275: {  	v12 =	vadd.s32 s16, v5;
	v0 =	vadd.f32 v4, v0  }
0x276: {  	s17 =	simm.s32 $0xC0C;
	v4 =	vld.idx.msk [tilespmem:v13+s1+$0x0], $0xffff  }
0x277: {  	v13 =	vadd.s32 s17, v5;
	v0 =	vadd.f32 v55, v0  }
0x278: {  	s18 =	simm.s32 $0xD0D;
	v56 =	vld.idx.msk [tilespmem:v6+s1+$0x0], $0xffff  }
0x279: {  	v6 =	vadd.s32 s18, v5;
	v0 =	vadd.f32 v3, v0  }
0x27a: {  	s19 =	simm.s32 $0xE0E;
	v3 =	vld.idx.msk [tilespmem:v12+s1+$0x0], $0xffff  }
0x27b: {  	v12 =	vadd.s32 s19, v5;
	v0 =	vadd.f32 v4, v0  }
0x27c: {  	v4 =	vld.idx.msk [tilespmem:v13+s1+$0x0], $0xffff  }
0x27d: {  	v13 =	vadd.s32 s15, v5;
	v0 =	vadd.f32 v56, v0  }
0x27e: {  	v57 =	vld.idx.msk [tilespmem:v6+s1+$0x0], $0xffff  }
0x27f: {  	v0 =	vadd.f32 v3, v0  }
0x280: {  	v3 =	vld.idx.msk [tilespmem:v12+s1+$0x0], $0xffff  }
0x281: {  	v0 =	vadd.f32 v4, v0  }
0x282: {  	v4 =	vld.idx.msk [tilespmem:v13+s1+$0x0], $0xffff  }
0x283: {  	v0 =	vadd.f32 v57, v0  }
0x284: {  	s20 =	simm.s32 $0x10  }
0x285: {  	v58 =	vor.u32 s20, v5;
	v0 =	vadd.f32 v3, v0  }
0x286: {  	s21 =	simm.s32 $0x111  }
0x287: {  	v3 =	vadd.s32 s21, v5;
	v0 =	vadd.f32 v4, v0  }
0x288: {  	s15 =	simm.s32 $0x212  }
0x289: {  	v4 =	vadd.s32 s15, v5;
	[tilespmem:s14+$0x0] =	vst v0  }
0x28a: {  	s16 =	simm.s32 $0x313;
	v0 =	vld.idx.msk [tilespmem:v58+s1+$0x0], $0xffff  }
0x28b: {  	v59 =	vadd.s32 s16, v5  }
0x28c: {  	s17 =	simm.s32 $0x414;
	v3 =	vld.idx.msk [tilespmem:v3+s1+$0x0], $0xffff  }
0x28d: {  	v6 =	vadd.s32 s17, v5  }
0x28e: {  	s18 =	simm.s32 $0x515;
	v4 =	vld.idx.msk [tilespmem:v4+s1+$0x0], $0xffff  }
0x28f: {  	v12 =	vadd.s32 s18, v5;
	v0 =	vadd.f32 $0.0e+00, v0  }
0x290: {  	s19 =	simm.s32 $0x616;
	v2 =	vld.idx.msk [tilespmem:v59+s1+$0x0], $0xffff  }
0x291: {  	v13 =	vadd.s32 s19, v5;
	v0 =	vadd.f32 v3, v0  }
0x292: {  	s20 =	simm.s32 $0x717;
	s21 =	simm.s32 $0x818;
	v3 =	vld.idx.msk [tilespmem:v6+s1+$0x0], $0xffff  }
0x293: {  	v14 =	vadd.s32 s21, v5;
	v6 =	vadd.s32 s20, v5;
	v0 =	vadd.f32 v4, v0  }
0x294: {  	v4 =	vld.idx.msk [tilespmem:v12+s1+$0x0], $0xffff;
	v12 =	vand.u32 $0x9F8, v14  }
0x295: {  	v12 =	vor.u32 v9, v12;
	v0 =	vadd.f32 v2, v0  }
0x296: {  	s15 =	simm.s32 $0x919;
	v60 =	vld.idx.msk [tilespmem:v13+s1+$0x0], $0xffff  }
0x297: {  	v13 =	vadd.s32 s15, v5;
	v0 =	vadd.f32 v3, v0  }
0x298: {  	s16 =	simm.s32 $0xA1A;
	v3 =	vld.idx.msk [tilespmem:v6+s1+$0x0], $0xffff  }
0x299: {  	v6 =	vadd.s32 s16, v5;
	v0 =	vadd.f32 v4, v0  }
0x29a: {  	s17 =	simm.s32 $0xB1B;
	v4 =	vld.idx.msk [tilespmem:v12+s1+$0x0], $0xffff  }
0x29b: {  	v12 =	vadd.s32 s17, v5;
	v0 =	vadd.f32 v60, v0  }
0x29c: {  	s18 =	simm.s32 $0xC1C;
	v62 =	vld.idx.msk [tilespmem:v13+s1+$0x0], $0xffff  }
0x29d: {  	v13 =	vadd.s32 s18, v5;
	v0 =	vadd.f32 v3, v0  }
0x29e: {  	s19 =	simm.s32 $0xD1D;
	v3 =	vld.idx.msk [tilespmem:v6+s1+$0x0], $0xffff  }
0x29f: {  	v6 =	vadd.s32 s19, v5;
	v0 =	vadd.f32 v4, v0  }
0x2a0: {  	s20 =	simm.s32 $0xE1E;
	v4 =	vld.idx.msk [tilespmem:v12+s1+$0x0], $0xffff  }
0x2a1: {  	v12 =	vadd.s32 s20, v5;
	v0 =	vadd.f32 v62, v0  }
0x2a2: {  	s21 =	simm.s32 $0xF1F;
	v63 =	vld.idx.msk [tilespmem:v13+s1+$0x0], $0xffff  }
0x2a3: {  	v0 =	vadd.f32 v3, v0;
	v3 =	vadd.s32 s21, v5  }
0x2a4: {  	v6 =	vld.idx.msk [tilespmem:v6+s1+$0x0], $0xffff  }
0x2a5: {  	v0 =	vadd.f32 v4, v0  }
0x2a6: {  	v14 =	vld.idx.msk [tilespmem:v12+s1+$0x0], $0xffff  }
0x2a7: {  	v0 =	vadd.f32 v63, v0  }
0x2a8: {  	v13 =	vld.idx.msk [tilespmem:v3+s1+$0x0], $0xffff  }
0x2a9: {  	v15 =	vadd.f32 v6, v0  }
0x2aa: {  	s13 =	simm.s32 $0xF2F;
	s15 =	simm.s32 $0xF3F;
	s16 =	simm.s32 $0x20  }
.LBB2_12:
0x2ab: {  	p0 =	sne.s32 s15, $0xFFF;
	v0 =	vor.u32 s16, v5;
	v2 =	vadd.f32 v14, v15  }
0x2ac: {  	s16 =	sadd.s32 $0xFFFFF1F2, s13  }
0x2ad: {  	v3 =	vadd.s32 s16, v5;
	v2 =	vadd.f32 v13, v2  }
0x2ae: {  	s14 =	sadd.s32 $0x10, s14;
	s16 =	sadd.s32 $0xFFFFF2F3, s13  }
0x2af: {  	v4 =	vadd.s32 s16, v5;
	[tilespmem:s14+$0x0] =	vst v2  }
0x2b0: {  	s16 =	sadd.s32 $0xFFFFF3F4, s13;
	v0 =	vld.idx.msk [tilespmem:v0+s1+$0x0], $0xffff  }
0x2b1: {  	v2 =	vadd.s32 s16, v5  }
0x2b2: {  	s16 =	sadd.s32 $0xFFFFF4F5, s13;
	v3 =	vld.idx.msk [tilespmem:v3+s1+$0x0], $0xffff  }
0x2b3: {  	v6 =	vadd.s32 s16, v5  }
0x2b4: {  	s16 =	sadd.s32 $0xFFFFF5F6, s13;
	v4 =	vld.idx.msk [tilespmem:v4+s1+$0x0], $0xffff  }
0x2b5: {  	v12 =	vadd.s32 s16, v5  }
0x2b6: {  	s16 =	sadd.s32 $0xFFFFF6F7, s13;
	v0 =	vadd.f32 $0.0e+00, v0;
	v2 =	vld.idx.msk [tilespmem:v2+s1+$0x0], $0xffff  }
0x2b7: {  	v13 =	vadd.s32 s16, v5  }
0x2b8: {  	s17 =	sadd.s32 $0xFFFFF8F9, s13;
	s16 =	sadd.s32 $0xFFFFF7F8, s13;
	v0 =	vadd.f32 v3, v0;
	v3 =	vld.idx.msk [tilespmem:v6+s1+$0x0], $0xffff  }
0x2b9: {  	v14 =	vadd.s32 s17, v5;
	v6 =	vadd.s32 s16, v5  }
0x2ba: {  	v0 =	vadd.f32 v4, v0;
	v4 =	vld.idx.msk [tilespmem:v12+s1+$0x0], $0xffff;
	v12 =	vand.u32 $0x9F8, v14  }
0x2bb: {  	v12 =	vor.u32 v9, v12  }
0x2bc: {  	s16 =	sadd.s32 $0xFFFFF9FA, s13;
	v0 =	vadd.f32 v2, v0;
	v2 =	vld.idx.msk [tilespmem:v13+s1+$0x0], $0xffff  }
0x2bd: {  	v13 =	vadd.s32 s16, v5  }
0x2be: {  	s16 =	sadd.s32 $0xFFFFFAFB, s13;
	v0 =	vadd.f32 v3, v0;
	v3 =	vld.idx.msk [tilespmem:v6+s1+$0x0], $0xffff  }
0x2bf: {  	v6 =	vadd.s32 s16, v5  }
0x2c0: {  	s16 =	sadd.s32 $0xFFFFFBFC, s13;
	v0 =	vadd.f32 v4, v0;
	v4 =	vld.idx.msk [tilespmem:v12+s1+$0x0], $0xffff  }
0x2c1: {  	v12 =	vadd.s32 s16, v5  }
0x2c2: {  	s16 =	sadd.s32 $0xFFFFFCFD, s13;
	v0 =	vadd.f32 v2, v0;
	v2 =	vld.idx.msk [tilespmem:v13+s1+$0x0], $0xffff  }
0x2c3: {  	v13 =	vadd.s32 s16, v5  }
0x2c4: {  	s16 =	sadd.s32 $0xFFFFFDFE, s13;
	v0 =	vadd.f32 v3, v0;
	v3 =	vld.idx.msk [tilespmem:v6+s1+$0x0], $0xffff  }
0x2c5: {  	v6 =	vadd.s32 s16, v5  }
0x2c6: {  	s16 =	sadd.s32 $0xFFFFFEFF, s13;
	v0 =	vadd.f32 v4, v0;
	v4 =	vld.idx.msk [tilespmem:v12+s1+$0x0], $0xffff  }
0x2c7: {  	v12 =	vadd.s32 s16, v5  }
0x2c8: {  	v0 =	vadd.f32 v2, v0;
	v2 =	vld.idx.msk [tilespmem:v13+s1+$0x0], $0xffff  }
0x2c9: {  	v13 =	vadd.s32 s13, v5;
	s13 =	smov.u32 s15  }
0x2ca: {  	v0 =	vadd.f32 v3, v0;
	v3 =	vld.idx.msk [tilespmem:v6+s1+$0x0], $0xffff;
	_ =	sdelay $0x1  }
0x2cb: {  	v0 =	vadd.f32 v4, v0;
	v14 =	vld.idx.msk [tilespmem:v12+s1+$0x0], $0xffff  }
.Ltmp7:
0x2cc: {  	(pc) =	sbr.rel @p0 .LBB2_12-.Ltmp7, $3  }
0x2cd: {  	v0 =	vadd.f32 v2, v0;
	v13 =	vld.idx.msk [tilespmem:v13+s1+$0x0], $0xffff;
	_ =	sdelay $0x1  }
0x2ce: {  	v15 =	vadd.f32 v3, v0  }
0x2cf: {  	s15 =	sadd.s32 $0x10, s15;
	s16 =	sadd.s32 $0xFFFFF0F1, s13  }
0x2d0: {  	v0 =	vor.u32 s16, v5;
	v2 =	vadd.f32 v14, v15  }
0x2d1: {  	s15 =	sadd.s32 $0xFFFFF1F2, s13  }
0x2d2: {  	v3 =	vadd.s32 s15, v5;
	v2 =	vadd.f32 v13, v2  }
0x2d3: {  	s19 =	sadd.s32 $0xFFFFF2F3, s13;
	s14 =	sadd.s32 $0x10, s14  }
0x2d4: {  	v4 =	vadd.s32 s19, v5;
	[tilespmem:s14+$0x0] =	vst v2  }
0x2d5: {  	s20 =	sadd.s32 $0xFFFFF3F4, s13;
	v0 =	vld.idx.msk [tilespmem:v0+s1+$0x0], $0xffff  }
0x2d6: {  	v2 =	vadd.s32 s20, v5  }
0x2d7: {  	s21 =	sadd.s32 $0xFFFFF4F5, s13;
	v3 =	vld.idx.msk [tilespmem:v3+s1+$0x0], $0xffff  }
0x2d8: {  	v6 =	vadd.s32 s21, v5  }
0x2d9: {  	s16 =	sadd.s32 $0xFFFFF5F6, s13;
	v4 =	vld.idx.msk [tilespmem:v4+s1+$0x0], $0xffff  }
0x2da: {  	v12 =	vadd.s32 s16, v5;
	v0 =	vadd.f32 $0.0e+00, v0  }
0x2db: {  	s17 =	sadd.s32 $0xFFFFF6F7, s13;
	v2 =	vld.idx.msk [tilespmem:v2+s1+$0x0], $0xffff  }
0x2dc: {  	v55 =	vadd.s32 s17, v5;
	v0 =	vadd.f32 v3, v0  }
0x2dd: {  	s18 =	sadd.s32 $0xFFFFF7F8, s13;
	s19 =	sadd.s32 $0xFFFFF8F9, s13;
	v3 =	vld.idx.msk [tilespmem:v6+s1+$0x0], $0xffff  }
0x2de: {  	v56 =	vadd.s32 s19, v5;
	v6 =	vadd.s32 s18, v5;
	v0 =	vadd.f32 v4, v0  }
0x2df: {  	v57 =	vand.u32 $0x9F8, v56;
	v4 =	vld.idx.msk [tilespmem:v12+s1+$0x0], $0xffff  }
0x2e0: {  	v12 =	vor.u32 v9, v57;
	v0 =	vadd.f32 v2, v0  }
0x2e1: {  	s20 =	sadd.s32 $0xFFFFF9FA, s13;
	v2 =	vld.idx.msk [tilespmem:v55+s1+$0x0], $0xffff  }
0x2e2: {  	v58 =	vadd.s32 s20, v5;
	v0 =	vadd.f32 v3, v0  }
0x2e3: {  	s21 =	sadd.s32 $0xFFFFFAFB, s13;
	v3 =	vld.idx.msk [tilespmem:v6+s1+$0x0], $0xffff  }
0x2e4: {  	v6 =	vadd.s32 s21, v5;
	v0 =	vadd.f32 v4, v0  }
0x2e5: {  	s16 =	sadd.s32 $0xFFFFFBFC, s13;
	v4 =	vld.idx.msk [tilespmem:v12+s1+$0x0], $0xffff  }
0x2e6: {  	v59 =	vadd.s32 s16, v5;
	v0 =	vadd.f32 v2, v0  }
0x2e7: {  	s17 =	sadd.s32 $0xFFFFFCFD, s13;
	v2 =	vld.idx.msk [tilespmem:v58+s1+$0x0], $0xffff  }
0x2e8: {  	v60 =	vadd.s32 s17, v5;
	v0 =	vadd.f32 v3, v0  }
0x2e9: {  	s18 =	sadd.s32 $0xFFFFFDFE, s13;
	v3 =	vld.idx.msk [tilespmem:v6+s1+$0x0], $0xffff  }
0x2ea: {  	v6 =	vadd.s32 s18, v5;
	v0 =	vadd.f32 v4, v0  }
0x2eb: {  	s19 =	sadd.s32 $0xFFFFFEFF, s13;
	v4 =	vld.idx.msk [tilespmem:v59+s1+$0x0], $0xffff  }
0x2ec: {  	v62 =	vadd.s32 s19, v5;
	v0 =	vadd.f32 v2, v0  }
0x2ed: {  	v2 =	vld.idx.msk [tilespmem:v60+s1+$0x0], $0xffff  }
0x2ee: {  	v63 =	vadd.s32 s13, v5;
	v0 =	vadd.f32 v3, v0  }
0x2ef: {  	v3 =	vld.idx.msk [tilespmem:v6+s1+$0x0], $0xffff  }
0x2f0: {  	v0 =	vadd.f32 v4, v0  }
0x2f1: {  	v4 =	vld.idx.msk [tilespmem:v62+s1+$0x0], $0xffff  }
0x2f2: {  	v0 =	vadd.f32 v2, v0  }
0x2f3: {  	v2 =	vld.idx.msk [tilespmem:v63+s1+$0x0], $0xffff  }
0x2f4: {  	v0 =	vadd.f32 v3, v0;
	_ =	sdelay $0x1  }
0x2f5: {  	v0 =	vadd.f32 v4, v0;
	_ =	sdelay $0x1  }
0x2f6: {  	s12 =	sadd.s32 $0x1, s12;
	v0 =	vadd.f32 v2, v0  }
0x2f7: {  	p0 =	sne.s32 s12, s29;
	s20 =	sadd.s32 $0x10, s14  }
.Ltmp8:
0x2f8: {  	s21 =	simm.s32 $0x18810;
	[tilespmem:s20+$0x0] =	vst v0;
	(pc) =	sbr.rel @p0 .LBB2_1-.Ltmp8, $4  }
0x2f9: {  	[hbm4b:s28+s4] =	stream.linear.scatter [tilespmem:s21], [sflag:$0x3], $0x100, $0x38;
	[tilespmem:$0x18910] =	vst v63  }
0x2fa: {  	_ =	swait.ge [sflag:s11], $0x100  }
0x2fb: {  	[sflag:s11] =	ssyncset.done $0x0  }
0x2fc: {  	v0 =	vimm.f32 $0.0e+00;
	v4 =	vld [tilespmem:$0x1FFA0];
	[sflag:s11] =	ssyncadd.s32 $0xFFFFFF00  }
0x2fd: {  	_ =	sfence.sel $0x180000  }
0x2fe: {  	[bflag:$0x0] =	sbarrier.arrive $0xFFFF  }
0x2ff: {  	_ =	strace $0x90000047  }
0x300: {  	s0 =	stileid.u32;
	[bflag:$0x2] =	sbarrier.arrive $0xFFFF  }
0x301: {  	p0 =	sne.s32 s0, $0x0;
	s0 =	rddreg [dreg:$0x3]  }
0x302: {  	s0 =	sadd.s32 @!p0 $0x100000, s0  }
0x303: {  	[sflag:s0] =	ssyncadd.tile.s32 @!p0 $0x1;
	_ =	shalt  }
.Lfunc_end2:
_tile_overlayer_lowered:
.L_overlay_start_2:
0x304: {  	(tag) =	ssettag $0x2  }
0x305: {  	s0 =	rddreg [dreg:$0x0];
	s2 =	stileid.u32  }
0x306: {  	s1 =	rddreg [dreg:$0x1];
	p0 =	sne.s32 s2, $0x0  }
0x307: {  	s3 =	rddreg [dreg:$0x2];
	[bflag:$0x3] =	sbarrier.arrive $0xFFFF;
	s2 =	simm.s32 @!p0 $0x1C03  }
0x308: {  	[timem:s3], [sflag:s2] =	dma.local @!p0 [hbm:s0], s1  }
0x309: {  	s0 =	simm.s32 @!p0 $0x3  }
0x30a: {  	_ =	swait.ge @!p0 [sflag:s0], s1  }
0x30b: {  	s1 =	ssub.s32 @!p0 $0x0, s1;
	[sflag:s0] =	ssyncset.done @!p0 $0x0  }
0x30c: {  	[sflag:s0] =	ssyncadd.s32 @!p0 s1  }
0x30d: {  	[bflag:$0x3] =	sbarrier.arrive $0xFFFF  }
0x30e: {  	_ =	shalt  }

</sc_bundles>
